<compile_context>
chip_gen: v7x
topology: tpu7x:2x2x1
jax: 0.10.2.dev20260603
libtpu: 0.0.44.dev20260713+nightly
codegen_flags: <defaults>
</compile_context>

<pallas_src>
import functools

import jax
import jax.numpy as jnp
from jax import lax
from jax.experimental import pallas as pl
from jax.experimental.pallas import tpu as pltpu
from jax.experimental.pallas import tpu_sc as plsc

_N = 10000
_E = 320000
_H = 128
_G = 64
_OUT = 2

_NC = 2
_NS = 16
_NW = _NC * _NS

_NPAD = 10240
_BN = 256
_NB = _NPAD // _BN

_K = 128
_EPT_REAL = _E // _NW
_B8 = 8
_CHUNKS = 80
_SUP = _CHUNKS // _B8
_EPT = _CHUNKS * _K
_DUMMY = _NPAD - 1
_STRIPE = _NPAD // _NS

_HI = lax.Precision.HIGHEST



def _deg_body(dst_hbm, ones_hbm, zeros_hbm, out_hbm, idx_v, ones_v, deg_sp):
    c = lax.axis_index("c")
    s = lax.axis_index("s")
    w = c * _NS + s
    pltpu.sync_copy(ones_hbm, ones_v)
    pltpu.sync_copy(zeros_hbm, deg_sp.at[pl.ds(s * _STRIPE, _STRIPE)])
    plsc.subcore_barrier()

    def chunk(i, carry):
        pltpu.sync_copy(dst_hbm.at[w, i], idx_v)
        pltpu.sync_copy(ones_v, deg_sp.at[idx_v], add=True)
        return carry

    lax.fori_loop(0, _CHUNKS, chunk, 0)
    plsc.subcore_barrier()
    pltpu.sync_copy(deg_sp.at[pl.ds(s * _STRIPE, _STRIPE)],
                    out_hbm.at[c, pl.ds(s * _STRIPE, _STRIPE)])


@functools.lru_cache(maxsize=None)
def _deg_call_factory():
    mesh = plsc.VectorSubcoreMesh(core_axis_name="c", subcore_axis_name="s",
                                  num_cores=_NC, num_subcores=_NS)
    return pl.kernel(
        _deg_body,
        out_type=jax.ShapeDtypeStruct((_NC, _NPAD, 16), jnp.float32),
        mesh=mesh,
        scratch_types=[
            pltpu.VMEM((_K,), jnp.int32),
            pltpu.VMEM((_K, 16), jnp.float32),
            pltpu.VMEM_SHARED((_NPAD, 16), jnp.float32),
        ],
    )


def _deg_call(*args):
    return _deg_call_factory()(*args)


def _agg_body(y_hbm, src_hbm, dst_hbm, zeros_hbm, out_hbm,
              sidx, didx, rows0, rows1, acc, sem0, sem1):
    c = lax.axis_index("c")
    s = lax.axis_index("s")
    w = c * _NS + s
    pltpu.sync_copy(zeros_hbm, acc.at[pl.ds(s * _STRIPE, _STRIPE)])
    plsc.subcore_barrier()

    rows = (rows0, rows1)
    sems = (sem0, sem1)

    def super_chunk(j, carry):
        pltpu.sync_copy(src_hbm.at[w, j], sidx)
        pltpu.sync_copy(dst_hbm.at[w, j], didx)
        pltpu.async_copy(y_hbm.at[sidx.at[0]], rows[0], sems[0])
        for b in range(_B8):
            pltpu.make_async_copy(y_hbm.at[sidx.at[b]], rows[b % 2],
                                  sems[b % 2]).wait()
            if b + 1 < _B8:
                pltpu.async_copy(y_hbm.at[sidx.at[b + 1]], rows[(b + 1) % 2],
                                 sems[(b + 1) % 2])
            pltpu.sync_copy(rows[b % 2], acc.at[didx.at[b]], add=True)
        return carry

    lax.fori_loop(0, _SUP, super_chunk, 0)
    plsc.subcore_barrier()
    pltpu.sync_copy(acc.at[pl.ds(s * _STRIPE, _STRIPE)],
                    out_hbm.at[c, pl.ds(s * _STRIPE, _STRIPE)])


@functools.lru_cache(maxsize=None)
def _agg_call_factory():
    mesh = plsc.VectorSubcoreMesh(core_axis_name="c", subcore_axis_name="s",
                                  num_cores=_NC, num_subcores=_NS)
    return pl.kernel(
        _agg_body,
        out_type=jax.ShapeDtypeStruct((_NC, _NPAD, _H), jnp.float32),
        mesh=mesh,
        scratch_types=[
            pltpu.VMEM((_B8, _K), jnp.int32),
            pltpu.VMEM((_B8, _K), jnp.int32),
            pltpu.VMEM((_K, _H), jnp.float32),
            pltpu.VMEM((_K, _H), jnp.float32),
            pltpu.VMEM_SHARED((_NPAD, _H), jnp.float32),
            pltpu.SemaphoreType.DMA,
            pltpu.SemaphoreType.DMA,
        ],
    )


def _agg_call(*args):
    return _agg_call_factory()(*args)



def _onehot(bvec):
    return (bvec[:, None]
            == lax.broadcasted_iota(jnp.int32, (_BN, _G), 1)).astype(jnp.float32)


def _init_body(x_ref, w1_ref, deg_ref, batch_ref, y_ref, dinv_ref, cnt_ref,
               cnt_acc):
    i = pl.program_id(0)
    dinv = lax.rsqrt(1.0 + deg_ref[0] + deg_ref[1])
    dinv_ref[...] = dinv
    y_ref[...] = dinv[:, 0:1] * jnp.dot(x_ref[...], w1_ref[...], precision=_HI)
    S = _onehot(batch_ref[0, 0])
    ones = jnp.ones((_BN, _H), jnp.float32)

    @pl.when(i == 0)
    def _():
        cnt_acc[...] = jnp.zeros_like(cnt_acc)

    cnt_acc[...] += lax.dot_general(S, ones, (((0,), (0,)), ((), ())),
                                    precision=_HI)
    cnt_ref[...] = jnp.maximum(cnt_acc[...], 1.0)


def _tc_init(x_pad, W1, deg, batch3d):
    return pl.pallas_call(
        _init_body,
        grid=(_NB,),
        in_specs=[
            pl.BlockSpec((_BN, _H), lambda i: (i, 0)),
            pl.BlockSpec((_H, _H), lambda i: (0, 0)),
            pl.BlockSpec((_NC, _BN, 16), lambda i: (0, i, 0)),
            pl.BlockSpec((1, 1, _BN), lambda i: (i, 0, 0)),
        ],
        out_specs=[
            pl.BlockSpec((_BN, _H), lambda i: (i, 0)),
            pl.BlockSpec((_BN, 16), lambda i: (i, 0)),
            pl.BlockSpec((_G, _H), lambda i: (0, 0)),
        ],
        out_shape=[
            jax.ShapeDtypeStruct((_NPAD, _H), jnp.float32),
            jax.ShapeDtypeStruct((_NPAD, 16), jnp.float32),
            jax.ShapeDtypeStruct((_G, _H), jnp.float32),
        ],
        scratch_shapes=[pltpu.VMEM((_G, _H), jnp.float32)],
    )(x_pad, W1, deg, batch3d)


def _a_body(p_ref, y_ref, dinv_ref, batch_ref, cnt_ref, b_ref, gms_ref,
            z_ref, mean_ref, stdinv_ref, gsum, sqsum):
    i = pl.program_id(0)
    z = (dinv_ref[:, 0:1] * (p_ref[0] + p_ref[1] + y_ref[...])) + b_ref[...]
    z_ref[...] = z
    S = _onehot(batch_ref[0, 0])

    @pl.when(i == 0)
    def _():
        gsum[...] = jnp.zeros_like(gsum)
        sqsum[...] = jnp.zeros_like(sqsum)

    gsum[...] += lax.dot_general(S, z, (((0,), (0,)), ((), ())), precision=_HI)
    sqsum[...] += lax.dot_general(S, z * z, (((0,), (0,)), ((), ())),
                                  precision=_HI)
    mean = gsum[...] / cnt_ref[...]
    mean_ref[...] = mean
    msm = gms_ref[...] * mean
    var = sqsum[...] / cnt_ref[...] - 2.0 * msm * mean + msm * msm
    stdinv_ref[...] = lax.rsqrt(var + 1e-5)


def _tc_a(p, y, dinv, batch3d, cnt, b, gms):
    return pl.pallas_call(
        _a_body,
        grid=(_NB,),
        in_specs=[
            pl.BlockSpec((_NC, _BN, _H), lambda i: (0, i, 0)),
            pl.BlockSpec((_BN, _H), lambda i: (i, 0)),
            pl.BlockSpec((_BN, 16), lambda i: (i, 0)),
            pl.BlockSpec((1, 1, _BN), lambda i: (i, 0, 0)),
            pl.BlockSpec((_G, _H), lambda i: (0, 0)),
            pl.BlockSpec((1, _H), lambda i: (0, 0)),
            pl.BlockSpec((1, _H), lambda i: (0, 0)),
        ],
        out_specs=[
            pl.BlockSpec((_BN, _H), lambda i: (i, 0)),
            pl.BlockSpec((_G, _H), lambda i: (0, 0)),
            pl.BlockSpec((_G, _H), lambda i: (0, 0)),
        ],
        out_shape=[
            jax.ShapeDtypeStruct((_NPAD, _H), jnp.float32),
            jax.ShapeDtypeStruct((_G, _H), jnp.float32),
            jax.ShapeDtypeStruct((_G, _H), jnp.float32),
        ],
        scratch_shapes=[pltpu.VMEM((_G, _H), jnp.float32),
                        pltpu.VMEM((_G, _H), jnp.float32)],
    )(p, y, dinv, batch3d, cnt, b, gms)


def _b_mid_body(z_ref, mean_ref, stdinv_ref, batch_ref, dinv_ref,
                gw_ref, gb_ref, gms_ref, wn_ref, y_ref):
    i = pl.program_id(0)
    S = _onehot(batch_ref[0, 0])
    sub = z_ref[...] - gms_ref[...] * jnp.dot(S, mean_ref[...], precision=_HI)
    o = gw_ref[...] * sub * jnp.dot(S, stdinv_ref[...], precision=_HI) \
        + gb_ref[...]
    o = jnp.maximum(o, 0.0)
    yn = dinv_ref[:, 0:1] * jnp.dot(o, wn_ref[...], precision=_HI)
    row = lax.broadcasted_iota(jnp.int32, (_BN, _H), 0) + i * _BN
    y_ref[...] = jnp.where(row < _N, yn, 0.0)


def _tc_b_mid(z, mean, stdinv, batch3d, dinv, gw, gb, gms, wn):
    return pl.pallas_call(
        _b_mid_body,
        grid=(_NB,),
        in_specs=[
            pl.BlockSpec((_BN, _H), lambda i: (i, 0)),
            pl.BlockSpec((_G, _H), lambda i: (0, 0)),
            pl.BlockSpec((_G, _H), lambda i: (0, 0)),
            pl.BlockSpec((1, 1, _BN), lambda i: (i, 0, 0)),
            pl.BlockSpec((_BN, 16), lambda i: (i, 0)),
            pl.BlockSpec((1, _H), lambda i: (0, 0)),
            pl.BlockSpec((1, _H), lambda i: (0, 0)),
            pl.BlockSpec((1, _H), lambda i: (0, 0)),
            pl.BlockSpec((_H, _H), lambda i: (0, 0)),
        ],
        out_specs=pl.BlockSpec((_BN, _H), lambda i: (i, 0)),
        out_shape=jax.ShapeDtypeStruct((_NPAD, _H), jnp.float32),
    )(z, mean, stdinv, batch3d, dinv, gw, gb, gms, wn)


def _b_last_body(z_ref, mean_ref, stdinv_ref, batch_ref, cnt_ref,
                 gw_ref, gb_ref, gms_ref,
                 lw1_ref, lb1_ref, lw2_ref, lb2_ref, lw3_ref, lb3_ref,
                 out_ref, psum):
    i = pl.program_id(0)
    S = _onehot(batch_ref[0, 0])
    sub = z_ref[...] - gms_ref[...] * jnp.dot(S, mean_ref[...], precision=_HI)
    o = gw_ref[...] * sub * jnp.dot(S, stdinv_ref[...], precision=_HI) \
        + gb_ref[...]

    @pl.when(i == 0)
    def _():
        psum[...] = jnp.zeros_like(psum)

    psum[...] += lax.dot_general(S, o, (((0,), (0,)), ((), ())), precision=_HI)
    pooled = psum[...] / cnt_ref[...]
    t = jnp.dot(pooled, lw1_ref[...], precision=_HI) + lb1_ref[...]
    t = jnp.dot(t, lw2_ref[...], precision=_HI) + lb2_ref[...]
    out_ref[...] = jnp.dot(t, lw3_ref[...], precision=_HI) + lb3_ref[...]


def _tc_b_last(z, mean, stdinv, batch3d, cnt, gw, gb, gms, lw1, lb1, lw2, lb2,
               lw3p, lb3p):
    small = lambda i: (0, 0)
    return pl.pallas_call(
        _b_last_body,
        grid=(_NB,),
        in_specs=[
            pl.BlockSpec((_BN, _H), lambda i: (i, 0)),
            pl.BlockSpec((_G, _H), small),
            pl.BlockSpec((_G, _H), small),
            pl.BlockSpec((1, 1, _BN), lambda i: (i, 0, 0)),
            pl.BlockSpec((_G, _H), small),
            pl.BlockSpec((1, _H), small),
            pl.BlockSpec((1, _H), small),
            pl.BlockSpec((1, _H), small),
            pl.BlockSpec((_H, _H), small),
            pl.BlockSpec((1, _H), small),
            pl.BlockSpec((_H, _H), small),
            pl.BlockSpec((1, _H), small),
            pl.BlockSpec((_H, _H), small),
            pl.BlockSpec((1, _H), small),
        ],
        out_specs=pl.BlockSpec((_G, _H), small),
        out_shape=jax.ShapeDtypeStruct((_G, _H), jnp.float32),
        scratch_shapes=[pltpu.VMEM((_G, _H), jnp.float32)],
    )(z, mean, stdinv, batch3d, cnt, gw, gb, gms,
      lw1, lb1, lw2, lb2, lw3p, lb3p)



def kernel(x, edge_index, batch, W1, b1, W2, b2, W3, b3,
           gn1_w, gn1_b, gn1_ms, gn2_w, gn2_b, gn2_ms, gn3_w, gn3_b, gn3_ms,
           lw1, lb1, lw2, lb2, lw3, lb3):
    src = edge_index[0].astype(jnp.int32).reshape(_NW, _EPT_REAL)
    dst = edge_index[1].astype(jnp.int32).reshape(_NW, _EPT_REAL)
    epad = jnp.full((_NW, _EPT - _EPT_REAL), _DUMMY, jnp.int32)
    src3 = jnp.concatenate([src, epad], axis=1).reshape(_NW, _CHUNKS, _K)
    dst3 = jnp.concatenate([dst, epad], axis=1).reshape(_NW, _CHUNKS, _K)

    x_pad = jnp.pad(x, ((0, _NPAD - _N), (0, 0)))
    batch3d = jnp.pad(batch.astype(jnp.int32), (0, _NPAD - _N),
                      constant_values=_G).reshape(_NB, 1, _BN)

    ones16 = jnp.ones((_K, 16), jnp.float32)
    zeros16 = jnp.zeros((_STRIPE, 16), jnp.float32)
    zrows = jnp.zeros((_STRIPE, _H), jnp.float32)

    b1r = b1.reshape(1, _H)
    b2r = b2.reshape(1, _H)
    b3r = b3.reshape(1, _H)
    g1w, g1b, g1m = gn1_w.reshape(1, _H), gn1_b.reshape(1, _H), gn1_ms.reshape(1, _H)
    g2w, g2b, g2m = gn2_w.reshape(1, _H), gn2_b.reshape(1, _H), gn2_ms.reshape(1, _H)
    g3w, g3b, g3m = gn3_w.reshape(1, _H), gn3_b.reshape(1, _H), gn3_ms.reshape(1, _H)
    lb1r = lb1.reshape(1, _H)
    lb2r = lb2.reshape(1, _H)
    lw3p = jnp.pad(lw3, ((0, 0), (0, _H - _OUT)))
    lb3p = jnp.pad(lb3, (0, _H - _OUT)).reshape(1, _H)

    deg = _deg_call(dst3, ones16, zeros16)
    y1, dinv, cnt = _tc_init(x_pad, W1, deg, batch3d)

    src4 = src3.reshape(_NW, _SUP, _B8, _K)
    dst4 = dst3.reshape(_NW, _SUP, _B8, _K)

    p = _agg_call(y1, src4, dst4, zrows)
    z, mean, stdinv = _tc_a(p, y1, dinv, batch3d, cnt, b1r, g1m)
    y2 = _tc_b_mid(z, mean, stdinv, batch3d, dinv, g1w, g1b, g1m, W2)

    p = _agg_call(y2, src4, dst4, zrows)
    z, mean, stdinv = _tc_a(p, y2, dinv, batch3d, cnt, b2r, g2m)
    y3 = _tc_b_mid(z, mean, stdinv, batch3d, dinv, g2w, g2b, g2m, W3)

    p = _agg_call(y3, src4, dst4, zrows)
    z, mean, stdinv = _tc_a(p, y3, dinv, batch3d, cnt, b3r, g3m)
    out = _tc_b_last(z, mean, stdinv, batch3d, cnt, g3w, g3b, g3m,
                     lw1, lb1r, lw2, lb2r, lw3p, lb3p)
    return out[:, :_OUT]

# --- scband reference (transcript-rebuilt; emitter-appended) ---
"""Pipeline reference for scband-gcn-747324309860 (READ-ONLY COPY).

The authoritative reference and input builder live on the scoring server;
editing this copy changes nothing except your own understanding.
"""

import jax, jax.numpy as jnp
import numpy as np

N = 10000
E = 320000
D = 128
H = 128
OUT = 2
G = 64


def _glorot(k, shape):
    return jax.random.normal(k, shape, dtype=jnp.float32) * (1.0 / np.sqrt(shape[0]))


def setup_inputs(seed: int = 0) -> dict:
    key = jax.random.key(seed)
    ks = jax.random.split(key, 12)
    x = jax.random.normal(ks[0], (N, D), dtype=jnp.float32)
    edge_index = jax.random.randint(ks[1], (2, E), 0, N, dtype=jnp.int32).astype(jnp.int64)
    batch = jnp.sort(jax.random.randint(ks[2], (N,), 0, G, dtype=jnp.int32)).astype(jnp.int64)
    inp = {
        'x': x,
        'edge_index': edge_index,
        'batch': batch,
        'W1': _glorot(ks[3], (D, H)), 'b1': jnp.zeros((H,), jnp.float32),
        'W2': _glorot(ks[4], (H, H)), 'b2': jnp.zeros((H,), jnp.float32),
        'W3': _glorot(ks[5], (H, H)), 'b3': jnp.zeros((H,), jnp.float32),
        'gn1_w': jnp.ones((H,), jnp.float32), 'gn1_b': jnp.zeros((H,), jnp.float32), 'gn1_ms': jnp.ones((H,), jnp.float32),
        'gn2_w': jnp.ones((H,), jnp.float32), 'gn2_b': jnp.zeros((H,), jnp.float32), 'gn2_ms': jnp.ones((H,), jnp.float32),
        'gn3_w': jnp.ones((H,), jnp.float32), 'gn3_b': jnp.zeros((H,), jnp.float32), 'gn3_ms': jnp.ones((H,), jnp.float32),
        'lw1': _glorot(ks[6], (H, H)), 'lb1': jnp.zeros((H,), jnp.float32),
        'lw2': _glorot(ks[7], (H, H)), 'lb2': jnp.zeros((H,), jnp.float32),
        'lw3': _glorot(ks[8], (H, OUT)), 'lb3': jnp.zeros((OUT,), jnp.float32),
    }
    return inp


def gcn_conv(x, edge_index, W, b):
    n = x.shape[0]
    xw = x @ W
    self_idx = jnp.arange(n, dtype=edge_index.dtype)
    src = jnp.concatenate([edge_index[0], self_idx])
    dst = jnp.concatenate([edge_index[1], self_idx])
    deg = jnp.zeros((n,), jnp.float32).at[dst].add(1.0)
    dinv = 1.0 / jnp.sqrt(deg)
    norm = dinv[src] * dinv[dst]
    msgs = xw[src] * norm[:, None]
    out = jnp.zeros_like(xw).at[dst].add(msgs)
    return out + b


def graph_norm(x, batch, weight, bias, mean_scale, num_graphs, eps=1e-5):
    cnt = jax.ops.segment_sum(jnp.ones((x.shape[0],), jnp.float32), batch, num_segments=num_graphs)
    cnt = jnp.maximum(cnt, 1.0)
    mean = jax.ops.segment_sum(x, batch, num_segments=num_graphs) / cnt[:, None]
    sub = x - mean_scale * mean[batch]
    var = jax.ops.segment_sum(sub * sub, batch, num_segments=num_graphs) / cnt[:, None]
    std = jnp.sqrt(var + eps)
    return weight * sub / std[batch] + bias


def global_mean_pool(x, batch, num_graphs):
    cnt = jax.ops.segment_sum(jnp.ones((x.shape[0],), jnp.float32), batch, num_segments=num_graphs)
    cnt = jnp.maximum(cnt, 1.0)
    return jax.ops.segment_sum(x, batch, num_segments=num_graphs) / cnt[:, None]


def reference(x, edge_index, batch, W1, b1, W2, b2, W3, b3,
              gn1_w, gn1_b, gn1_ms, gn2_w, gn2_b, gn2_ms, gn3_w, gn3_b, gn3_ms,
              lw1, lb1, lw2, lb2, lw3, lb3):
    h = gcn_conv(x, edge_index, W1, b1)
    h = graph_norm(h, batch, gn1_w, gn1_b, gn1_ms, G)
    h = jax.nn.relu(h)
    h = gcn_conv(h, edge_index, W2, b2)
    h = graph_norm(h, batch, gn2_w, gn2_b, gn2_ms, G)
    h = jax.nn.relu(h)
    h = gcn_conv(h, edge_index, W3, b3)
    h = graph_norm(h, batch, gn3_w, gn3_b, gn3_ms, G)
    h = global_mean_pool(h, batch, G)
    # dropout is identity in eval mode
    h = h @ lw1 + lb1
    h = h @ lw2 + lb2
    h = h @ lw3 + lb3
    return h

if __name__ == "__main__":
    import jax
    _d = setup_inputs()
    print(jax.jit(kernel)(*tuple(_d.values())))

</pallas_src>

<mosaic_0001>
#map = affine_map<(d0, d1) -> (0, 0, 0)>
#map1 = affine_map<(d0, d1) -> (0, 0)>
module attributes {stable_mosaic.version = 14 : i64} {
  func.func @_deg_body(%arg0: i32, %arg1: i32, %arg2: memref<32x80x128xi32, #tpu.memory_space<hbm>>, %arg3: memref<128x16xf32, #tpu.memory_space<hbm>>, %arg4: memref<640x16xf32, #tpu.memory_space<hbm>>, %arg5: memref<2x10240x16xf32, #tpu.memory_space<hbm>>, %arg6: memref<128xi32, #tpu.memory_space<vmem>>, %arg7: memref<128x16xf32, #tpu.memory_space<vmem>>, %arg8: memref<10240x16xf32, #tpu.memory_space<vmem_shared>>) attributes {dimension_semantics = [#tpu.dimension_semantics<core_parallel>, #tpu.dimension_semantics<subcore_parallel>], iteration_bounds = array<i64: 2, 16>, scalar_prefetch = 0 : i64, scratch_operands = 3 : i64, tpu.core_type = #tpu.core_type<sc_vector_subcore>, window_params = [{transform_indices = #map}, {transform_indices = #map1}, {transform_indices = #map1}, {transform_indices = #map}]} {
    %mul3A = arith.constant 16 : i32
    %mul3A_0 = arith.muli %arg0, %mul3A : i32
    %add3A = arith.addi %mul3A_0, %arg1 : i32
    "tpu.region"() ({
      %run_scoped3A = tpu.sem_alloc : memref<!tpu.dma_semaphore, #tpu.memory_space<semaphore_mem>>
      tpu.enqueue_dma source(%arg3 : memref<128x16xf32, #tpu.memory_space<hbm>>) target(%arg7 : memref<128x16xf32, #tpu.memory_space<vmem>>) target_semaphore(%run_scoped3A : memref<!tpu.dma_semaphore, #tpu.memory_space<semaphore_mem>>)
      tpu.wait_dma2 semaphore(%run_scoped3A : memref<!tpu.dma_semaphore, #tpu.memory_space<semaphore_mem>>) src(%arg3 : memref<128x16xf32, #tpu.memory_space<hbm>>) dst(%arg7 : memref<128x16xf32, #tpu.memory_space<vmem>>)
      tpu.yield
    }) : () -> ()
    %mul3A_1 = arith.constant 640 : i32
    %mul3A_2 = arith.muli %arg1, %mul3A_1 : i32
    "tpu.region"() ({
      %run_scoped3A = tpu.sem_alloc : memref<!tpu.dma_semaphore, #tpu.memory_space<semaphore_mem>>
      %dma_start3A = arith.constant 0 : i32
      %dma_start3A_13 = tpu.memref_slice %arg8[%mul3A_2, %dma_start3A] : memref<10240x16xf32, #tpu.memory_space<vmem_shared>> -> memref<640x16xf32, #tpu.memory_space<vmem_shared>>
      tpu.enqueue_dma source(%arg4 : memref<640x16xf32, #tpu.memory_space<hbm>>) target(%dma_start3A_13 : memref<640x16xf32, #tpu.memory_space<vmem_shared>>) target_semaphore(%run_scoped3A : memref<!tpu.dma_semaphore, #tpu.memory_space<semaphore_mem>>)
      %dma_wait3A = arith.constant 0 : i32
      %dma_wait3A_14 = tpu.memref_slice %arg8[%mul3A_2, %dma_wait3A] : memref<10240x16xf32, #tpu.memory_space<vmem_shared>> -> memref<640x16xf32, #tpu.memory_space<vmem_shared>>
      tpu.wait_dma2 semaphore(%run_scoped3A : memref<!tpu.dma_semaphore, #tpu.memory_space<semaphore_mem>>) src(%arg4 : memref<640x16xf32, #tpu.memory_space<hbm>>) dst(%dma_wait3A_14 : memref<640x16xf32, #tpu.memory_space<vmem_shared>>)
      tpu.yield
    }) : () -> ()
    %barrier3A = arith.constant 0 : index
    tpu.barrier barrier_id(%barrier3A)
    %scan3A = arith.constant 0 : i32
    %scan3A_3 = arith.constant 0 : i32
    %scan3A_4 = arith.constant 80 : i32
    %scan3A_5 = arith.addi %scan3A_3, %scan3A_4 : i32
    %scan3A_6 = arith.constant 1 : i32
    scf.for %scan3A_13 = %scan3A_3 to %scan3A_5 step %scan3A_6  : i32 {
      "tpu.region"() ({
        %run_scoped3A = tpu.sem_alloc : memref<!tpu.dma_semaphore, #tpu.memory_space<semaphore_mem>>
        %dma_start3A = arith.constant 0 : i32
        %dma_start3A_14 = tpu.memref_slice %arg2[%add3A, %scan3A_13, %dma_start3A] : memref<32x80x128xi32, #tpu.memory_space<hbm>> -> memref<1x1x128xi32, #tpu.memory_space<hbm>>
        %dma_start3A_15 = tpu.memref_squeeze %dma_start3A_14 : memref<1x1x128xi32, #tpu.memory_space<hbm>> -> memref<128xi32, #tpu.memory_space<hbm>>
        %dma_start3A_16 = arith.constant 0 : i32
        %dma_start3A_17 = tpu.memref_slice %arg2[%add3A, %scan3A_13, %dma_start3A_16] : memref<32x80x128xi32, #tpu.memory_space<hbm>> -> memref<1x1x128xi32, #tpu.memory_space<hbm>>
        %dma_start3A_18 = tpu.memref_squeeze %dma_start3A_17 : memref<1x1x128xi32, #tpu.memory_space<hbm>> -> memref<128xi32, #tpu.memory_space<hbm>>
        tpu.enqueue_dma source(%dma_start3A_18 : memref<128xi32, #tpu.memory_space<hbm>>) target(%arg6 : memref<128xi32, #tpu.memory_space<vmem>>) target_semaphore(%run_scoped3A : memref<!tpu.dma_semaphore, #tpu.memory_space<semaphore_mem>>)
        %dma_wait3A = arith.constant 0 : i32
        %dma_wait3A_19 = tpu.memref_slice %arg2[%add3A, %scan3A_13, %dma_wait3A] : memref<32x80x128xi32, #tpu.memory_space<hbm>> -> memref<1x1x128xi32, #tpu.memory_space<hbm>>
        %dma_wait3A_20 = tpu.memref_squeeze %dma_wait3A_19 : memref<1x1x128xi32, #tpu.memory_space<hbm>> -> memref<128xi32, #tpu.memory_space<hbm>>
        %dma_wait3A_21 = arith.constant 0 : i32
        %dma_wait3A_22 = tpu.memref_slice %arg2[%add3A, %scan3A_13, %dma_wait3A_21] : memref<32x80x128xi32, #tpu.memory_space<hbm>> -> memref<1x1x128xi32, #tpu.memory_space<hbm>>
        %dma_wait3A_23 = tpu.memref_squeeze %dma_wait3A_22 : memref<1x1x128xi32, #tpu.memory_space<hbm>> -> memref<128xi32, #tpu.memory_space<hbm>>
        tpu.wait_dma2 semaphore(%run_scoped3A : memref<!tpu.dma_semaphore, #tpu.memory_space<semaphore_mem>>) src(%dma_wait3A_23 : memref<128xi32, #tpu.memory_space<hbm>>) dst(%arg6 : memref<128xi32, #tpu.memory_space<vmem>>)
        tpu.yield
      }) : () -> ()
      "tpu.region"() ({
        %run_scoped3A = tpu.sem_alloc : memref<!tpu.dma_semaphore, #tpu.memory_space<semaphore_mem>>
        %dma_start3A = arith.constant 0 : i32
        %dma_start3A_14 = arith.constant 0 : i32
        %dma_start3A_15 = tpu.memref_slice %arg8[%dma_start3A, %dma_start3A_14] : memref<10240x16xf32, #tpu.memory_space<vmem_shared>> -> memref<10240x16xf32, #tpu.memory_space<vmem_shared>>
        tpu.enqueue_indirect_dma source(%arg7 : memref<128x16xf32, #tpu.memory_space<vmem>>) target(%dma_start3A_15 : memref<10240x16xf32, #tpu.memory_space<vmem_shared>>) offsets(%arg6 : memref<128xi32, #tpu.memory_space<vmem>>) semaphore(%run_scoped3A : memref<!tpu.dma_semaphore, #tpu.memory_space<semaphore_mem>>) {add = true}
        %dma_wait3A = arith.constant 0 : i32
        %dma_wait3A_16 = arith.constant 0 : i32
        %dma_wait3A_17 = tpu.memref_slice %arg8[%dma_wait3A, %dma_wait3A_16] : memref<10240x16xf32, #tpu.memory_space<vmem_shared>> -> memref<10240x16xf32, #tpu.memory_space<vmem_shared>>
        tpu.wait_indirect_dma semaphore(%run_scoped3A : memref<!tpu.dma_semaphore, #tpu.memory_space<semaphore_mem>>) src(%arg7 : memref<128x16xf32, #tpu.memory_space<vmem>>) dst(%dma_wait3A_17 : memref<10240x16xf32, #tpu.memory_space<vmem_shared>>)
        tpu.yield
      }) : () -> ()
    }
    %scan3A_7 = arith.constant 80 : i32
    %barrier3A_8 = arith.constant 0 : index
    tpu.barrier barrier_id(%barrier3A_8)
    %mul3A_9 = arith.constant 640 : i32
    %mul3A_10 = arith.muli %arg1, %mul3A_9 : i32
    %mul3A_11 = arith.constant 640 : i32
    %mul3A_12 = arith.muli %arg1, %mul3A_11 : i32
    "tpu.region"() ({
      %run_scoped3A = tpu.sem_alloc : memref<!tpu.dma_semaphore, #tpu.memory_space<semaphore_mem>>
      %dma_start3A = arith.constant 0 : i32
      %dma_start3A_13 = tpu.memref_slice %arg5[%arg0, %mul3A_12, %dma_start3A] : memref<2x10240x16xf32, #tpu.memory_space<hbm>> -> memref<1x640x16xf32, #tpu.memory_space<hbm>>
      %dma_start3A_14 = tpu.memref_squeeze %dma_start3A_13 : memref<1x640x16xf32, #tpu.memory_space<hbm>> -> memref<640x16xf32, #tpu.memory_space<hbm>>
      %dma_start3A_15 = arith.constant 0 : i32
      %dma_start3A_16 = tpu.memref_slice %arg8[%mul3A_10, %dma_start3A_15] : memref<10240x16xf32, #tpu.memory_space<vmem_shared>> -> memref<640x16xf32, #tpu.memory_space<vmem_shared>>
      tpu.enqueue_dma source(%dma_start3A_16 : memref<640x16xf32, #tpu.memory_space<vmem_shared>>) target(%dma_start3A_14 : memref<640x16xf32, #tpu.memory_space<hbm>>) target_semaphore(%run_scoped3A : memref<!tpu.dma_semaphore, #tpu.memory_space<semaphore_mem>>)
      %dma_wait3A = arith.constant 0 : i32
      %dma_wait3A_17 = tpu.memref_slice %arg5[%arg0, %mul3A_12, %dma_wait3A] : memref<2x10240x16xf32, #tpu.memory_space<hbm>> -> memref<1x640x16xf32, #tpu.memory_space<hbm>>
      %dma_wait3A_18 = tpu.memref_squeeze %dma_wait3A_17 : memref<1x640x16xf32, #tpu.memory_space<hbm>> -> memref<640x16xf32, #tpu.memory_space<hbm>>
      %dma_wait3A_19 = arith.constant 0 : i32
      %dma_wait3A_20 = tpu.memref_slice %arg8[%mul3A_10, %dma_wait3A_19] : memref<10240x16xf32, #tpu.memory_space<vmem_shared>> -> memref<640x16xf32, #tpu.memory_space<vmem_shared>>
      tpu.wait_dma2 semaphore(%run_scoped3A : memref<!tpu.dma_semaphore, #tpu.memory_space<semaphore_mem>>) src(%dma_wait3A_20 : memref<640x16xf32, #tpu.memory_space<vmem_shared>>) dst(%dma_wait3A_18 : memref<640x16xf32, #tpu.memory_space<hbm>>)
      tpu.yield
    }) : () -> ()
    return
  }
}

#map = affine_map<(d0, d1) -> (0, 0)>
#map1 = affine_map<(d0, d1) -> (0, 0, 0, 0)>
#map2 = affine_map<(d0, d1) -> (0, 0, 0)>
module attributes {stable_mosaic.version = 14 : i64} {
  func.func @_agg_body(%arg0: i32, %arg1: i32, %arg2: memref<10240x128xf32, #tpu.memory_space<hbm>>, %arg3: memref<32x10x8x128xi32, #tpu.memory_space<hbm>>, %arg4: memref<32x10x8x128xi32, #tpu.memory_space<hbm>>, %arg5: memref<640x128xf32, #tpu.memory_space<hbm>>, %arg6: memref<2x10240x128xf32, #tpu.memory_space<hbm>>, %arg7: memref<8x128xi32, #tpu.memory_space<vmem>>, %arg8: memref<8x128xi32, #tpu.memory_space<vmem>>, %arg9: memref<128x128xf32, #tpu.memory_space<vmem>>, %arg10: memref<128x128xf32, #tpu.memory_space<vmem>>, %arg11: memref<10240x128xf32, #tpu.memory_space<vmem_shared>>, %arg12: memref<!tpu.dma_semaphore, #tpu.memory_space<semaphore_mem>>, %arg13: memref<!tpu.dma_semaphore, #tpu.memory_space<semaphore_mem>>) attributes {dimension_semantics = [#tpu.dimension_semantics<core_parallel>, #tpu.dimension_semantics<subcore_parallel>], iteration_bounds = array<i64: 2, 16>, scalar_prefetch = 0 : i64, scratch_operands = 7 : i64, tpu.core_type = #tpu.core_type<sc_vector_subcore>, window_params = [{transform_indices = #map}, {transform_indices = #map1}, {transform_indices = #map1}, {transform_indices = #map}, {transform_indices = #map2}]} {
    %mul3A = arith.constant 16 : i32
    %mul3A_0 = arith.muli %arg0, %mul3A : i32
    %add3A = arith.addi %mul3A_0, %arg1 : i32
    %mul3A_1 = arith.constant 640 : i32
    %mul3A_2 = arith.muli %arg1, %mul3A_1 : i32
    "tpu.region"() ({
      %run_scoped3A = tpu.sem_alloc : memref<!tpu.dma_semaphore, #tpu.memory_space<semaphore_mem>>
      %dma_start3A = arith.constant 0 : i32
      %dma_start3A_13 = tpu.memref_slice %arg11[%mul3A_2, %dma_start3A] : memref<10240x128xf32, #tpu.memory_space<vmem_shared>> -> memref<640x128xf32, #tpu.memory_space<vmem_shared>>
      tpu.enqueue_dma source(%arg5 : memref<640x128xf32, #tpu.memory_space<hbm>>) target(%dma_start3A_13 : memref<640x128xf32, #tpu.memory_space<vmem_shared>>) target_semaphore(%run_scoped3A : memref<!tpu.dma_semaphore, #tpu.memory_space<semaphore_mem>>)
      %dma_wait3A = arith.constant 0 : i32
      %dma_wait3A_14 = tpu.memref_slice %arg11[%mul3A_2, %dma_wait3A] : memref<10240x128xf32, #tpu.memory_space<vmem_shared>> -> memref<640x128xf32, #tpu.memory_space<vmem_shared>>
      tpu.wait_dma2 semaphore(%run_scoped3A : memref<!tpu.dma_semaphore, #tpu.memory_space<semaphore_mem>>) src(%arg5 : memref<640x128xf32, #tpu.memory_space<hbm>>) dst(%dma_wait3A_14 : memref<640x128xf32, #tpu.memory_space<vmem_shared>>)
      tpu.yield
    }) : () -> ()
    %barrier3A = arith.constant 0 : index
    tpu.barrier barrier_id(%barrier3A)
    %scan3A = arith.constant 0 : i32
    %scan3A_3 = arith.constant 0 : i32
    %scan3A_4 = arith.constant 10 : i32
    %scan3A_5 = arith.addi %scan3A_3, %scan3A_4 : i32
    %scan3A_6 = arith.constant 1 : i32
    scf.for %scan3A_13 = %scan3A_3 to %scan3A_5 step %scan3A_6  : i32 {
      "tpu.region"() ({
        %run_scoped3A_131 = tpu.sem_alloc : memref<!tpu.dma_semaphore, #tpu.memory_space<semaphore_mem>>
        %dma_start3A_132 = arith.constant 0 : i32
        %dma_start3A_133 = arith.constant 0 : i32
        %dma_start3A_134 = tpu.memref_slice %arg3[%add3A, %scan3A_13, %dma_start3A_132, %dma_start3A_133] : memref<32x10x8x128xi32, #tpu.memory_space<hbm>> -> memref<1x1x8x128xi32, #tpu.memory_space<hbm>>
        %dma_start3A_135 = tpu.memref_squeeze %dma_start3A_134 : memref<1x1x8x128xi32, #tpu.memory_space<hbm>> -> memref<8x128xi32, #tpu.memory_space<hbm>>
        %dma_start3A_136 = arith.constant 0 : i32
        %dma_start3A_137 = arith.constant 0 : i32
        %dma_start3A_138 = tpu.memref_slice %arg3[%add3A, %scan3A_13, %dma_start3A_136, %dma_start3A_137] : memref<32x10x8x128xi32, #tpu.memory_space<hbm>> -> memref<1x1x8x128xi32, #tpu.memory_space<hbm>>
        %dma_start3A_139 = tpu.memref_squeeze %dma_start3A_138 : memref<1x1x8x128xi32, #tpu.memory_space<hbm>> -> memref<8x128xi32, #tpu.memory_space<hbm>>
        tpu.enqueue_dma source(%dma_start3A_139 : memref<8x128xi32, #tpu.memory_space<hbm>>) target(%arg7 : memref<8x128xi32, #tpu.memory_space<vmem>>) target_semaphore(%run_scoped3A_131 : memref<!tpu.dma_semaphore, #tpu.memory_space<semaphore_mem>>)
        %dma_wait3A_140 = arith.constant 0 : i32
        %dma_wait3A_141 = arith.constant 0 : i32
        %dma_wait3A_142 = tpu.memref_slice %arg3[%add3A, %scan3A_13, %dma_wait3A_140, %dma_wait3A_141] : memref<32x10x8x128xi32, #tpu.memory_space<hbm>> -> memref<1x1x8x128xi32, #tpu.memory_space<hbm>>
        %dma_wait3A_143 = tpu.memref_squeeze %dma_wait3A_142 : memref<1x1x8x128xi32, #tpu.memory_space<hbm>> -> memref<8x128xi32, #tpu.memory_space<hbm>>
        %dma_wait3A_144 = arith.constant 0 : i32
        %dma_wait3A_145 = arith.constant 0 : i32
        %dma_wait3A_146 = tpu.memref_slice %arg3[%add3A, %scan3A_13, %dma_wait3A_144, %dma_wait3A_145] : memref<32x10x8x128xi32, #tpu.memory_space<hbm>> -> memref<1x1x8x128xi32, #tpu.memory_space<hbm>>
        %dma_wait3A_147 = tpu.memref_squeeze %dma_wait3A_146 : memref<1x1x8x128xi32, #tpu.memory_space<hbm>> -> memref<8x128xi32, #tpu.memory_space<hbm>>
        tpu.wait_dma2 semaphore(%run_scoped3A_131 : memref<!tpu.dma_semaphore, #tpu.memory_space<semaphore_mem>>) src(%dma_wait3A_147 : memref<8x128xi32, #tpu.memory_space<hbm>>) dst(%arg7 : memref<8x128xi32, #tpu.memory_space<vmem>>)
        tpu.yield
      }) : () -> ()
      "tpu.region"() ({
        %run_scoped3A_131 = tpu.sem_alloc : memref<!tpu.dma_semaphore, #tpu.memory_space<semaphore_mem>>
        %dma_start3A_132 = arith.constant 0 : i32
        %dma_start3A_133 = arith.constant 0 : i32
        %dma_start3A_134 = tpu.memref_slice %arg4[%add3A, %scan3A_13, %dma_start3A_132, %dma_start3A_133] : memref<32x10x8x128xi32, #tpu.memory_space<hbm>> -> memref<1x1x8x128xi32, #tpu.memory_space<hbm>>
        %dma_start3A_135 = tpu.memref_squeeze %dma_start3A_134 : memref<1x1x8x128xi32, #tpu.memory_space<hbm>> -> memref<8x128xi32, #tpu.memory_space<hbm>>
        %dma_start3A_136 = arith.constant 0 : i32
        %dma_start3A_137 = arith.constant 0 : i32
        %dma_start3A_138 = tpu.memref_slice %arg4[%add3A, %scan3A_13, %dma_start3A_136, %dma_start3A_137] : memref<32x10x8x128xi32, #tpu.memory_space<hbm>> -> memref<1x1x8x128xi32, #tpu.memory_space<hbm>>
        %dma_start3A_139 = tpu.memref_squeeze %dma_start3A_138 : memref<1x1x8x128xi32, #tpu.memory_space<hbm>> -> memref<8x128xi32, #tpu.memory_space<hbm>>
        tpu.enqueue_dma source(%dma_start3A_139 : memref<8x128xi32, #tpu.memory_space<hbm>>) target(%arg8 : memref<8x128xi32, #tpu.memory_space<vmem>>) target_semaphore(%run_scoped3A_131 : memref<!tpu.dma_semaphore, #tpu.memory_space<semaphore_mem>>)
        %dma_wait3A_140 = arith.constant 0 : i32
        %dma_wait3A_141 = arith.constant 0 : i32
        %dma_wait3A_142 = tpu.memref_slice %arg4[%add3A, %scan3A_13, %dma_wait3A_140, %dma_wait3A_141] : memref<32x10x8x128xi32, #tpu.memory_space<hbm>> -> memref<1x1x8x128xi32, #tpu.memory_space<hbm>>
        %dma_wait3A_143 = tpu.memref_squeeze %dma_wait3A_142 : memref<1x1x8x128xi32, #tpu.memory_space<hbm>> -> memref<8x128xi32, #tpu.memory_space<hbm>>
        %dma_wait3A_144 = arith.constant 0 : i32
        %dma_wait3A_145 = arith.constant 0 : i32
        %dma_wait3A_146 = tpu.memref_slice %arg4[%add3A, %scan3A_13, %dma_wait3A_144, %dma_wait3A_145] : memref<32x10x8x128xi32, #tpu.memory_space<hbm>> -> memref<1x1x8x128xi32, #tpu.memory_space<hbm>>
        %dma_wait3A_147 = tpu.memref_squeeze %dma_wait3A_146 : memref<1x1x8x128xi32, #tpu.memory_space<hbm>> -> memref<8x128xi32, #tpu.memory_space<hbm>>
        tpu.wait_dma2 semaphore(%run_scoped3A_131 : memref<!tpu.dma_semaphore, #tpu.memory_space<semaphore_mem>>) src(%dma_wait3A_147 : memref<8x128xi32, #tpu.memory_space<hbm>>) dst(%arg8 : memref<8x128xi32, #tpu.memory_space<vmem>>)
        tpu.yield
      }) : () -> ()
      %dma_start3A = arith.constant 0 : i32
      %dma_start3A_14 = arith.constant 0 : i32
      %dma_start3A_15 = tpu.memref_slice %arg7[%dma_start3A, %dma_start3A_14] : memref<8x128xi32, #tpu.memory_space<vmem>> -> memref<1x128xi32, #tpu.memory_space<vmem>>
      %dma_start3A_16 = tpu.memref_squeeze %dma_start3A_15 : memref<1x128xi32, #tpu.memory_space<vmem>> -> memref<128xi32, #tpu.memory_space<vmem>>
      %dma_start3A_17 = arith.constant 0 : i32
      %dma_start3A_18 = arith.constant 0 : i32
      %dma_start3A_19 = tpu.memref_slice %arg2[%dma_start3A_17, %dma_start3A_18] : memref<10240x128xf32, #tpu.memory_space<hbm>> -> memref<10240x128xf32, #tpu.memory_space<hbm>>
      tpu.enqueue_indirect_dma source(%dma_start3A_19 : memref<10240x128xf32, #tpu.memory_space<hbm>>) target(%arg9 : memref<128x128xf32, #tpu.memory_space<vmem>>) offsets(%dma_start3A_16 : memref<128xi32, #tpu.memory_space<vmem>>) semaphore(%arg12 : memref<!tpu.dma_semaphore, #tpu.memory_space<semaphore_mem>>)
      %dma_wait3A = arith.constant 0 : i32
      %dma_wait3A_20 = arith.constant 0 : i32
      %dma_wait3A_21 = tpu.memref_slice %arg7[%dma_wait3A, %dma_wait3A_20] : memref<8x128xi32, #tpu.memory_space<vmem>> -> memref<1x128xi32, #tpu.memory_space<vmem>>
      %dma_wait3A_22 = tpu.memref_squeeze %dma_wait3A_21 : memref<1x128xi32, #tpu.memory_space<vmem>> -> memref<128xi32, #tpu.memory_space<vmem>>
      %dma_wait3A_23 = arith.constant 0 : i32
      %dma_wait3A_24 = arith.constant 0 : i32
      %dma_wait3A_25 = tpu.memref_slice %arg2[%dma_wait3A_23, %dma_wait3A_24] : memref<10240x128xf32, #tpu.memory_space<hbm>> -> memref<10240x128xf32, #tpu.memory_space<hbm>>
      tpu.wait_indirect_dma semaphore(%arg12 : memref<!tpu.dma_semaphore, #tpu.memory_space<semaphore_mem>>) src(%dma_wait3A_25 : memref<10240x128xf32, #tpu.memory_space<hbm>>) dst(%arg9 : memref<128x128xf32, #tpu.memory_space<vmem>>)
      %dma_start3A_26 = arith.constant 1 : i32
      %dma_start3A_27 = arith.constant 0 : i32
      %dma_start3A_28 = tpu.memref_slice %arg7[%dma_start3A_26, %dma_start3A_27] : memref<8x128xi32, #tpu.memory_space<vmem>> -> memref<1x128xi32, #tpu.memory_space<vmem>>
      %dma_start3A_29 = tpu.memref_squeeze %dma_start3A_28 : memref<1x128xi32, #tpu.memory_space<vmem>> -> memref<128xi32, #tpu.memory_space<vmem>>
      %dma_start3A_30 = arith.constant 0 : i32
      %dma_start3A_31 = arith.constant 0 : i32
      %dma_start3A_32 = tpu.memref_slice %arg2[%dma_start3A_30, %dma_start3A_31] : memref<10240x128xf32, #tpu.memory_space<hbm>> -> memref<10240x128xf32, #tpu.memory_space<hbm>>
      tpu.enqueue_indirect_dma source(%dma_start3A_32 : memref<10240x128xf32, #tpu.memory_space<hbm>>) target(%arg10 : memref<128x128xf32, #tpu.memory_space<vmem>>) offsets(%dma_start3A_29 : memref<128xi32, #tpu.memory_space<vmem>>) semaphore(%arg13 : memref<!tpu.dma_semaphore, #tpu.memory_space<semaphore_mem>>)
      %run_scoped3A = arith.constant 0 : i32
      "tpu.region"() ({
        %run_scoped3A_131 = tpu.sem_alloc : memref<!tpu.dma_semaphore, #tpu.memory_space<semaphore_mem>>
        %dma_start3A_132 = arith.constant 0 : i32
        %dma_start3A_133 = tpu.memref_slice %arg8[%run_scoped3A, %dma_start3A_132] : memref<8x128xi32, #tpu.memory_space<vmem>> -> memref<1x128xi32, #tpu.memory_space<vmem>>
        %dma_start3A_134 = tpu.memref_squeeze %dma_start3A_133 : memref<1x128xi32, #tpu.memory_space<vmem>> -> memref<128xi32, #tpu.memory_space<vmem>>
        %dma_start3A_135 = arith.constant 0 : i32
        %dma_start3A_136 = arith.constant 0 : i32
        %dma_start3A_137 = tpu.memref_slice %arg11[%dma_start3A_135, %dma_start3A_136] : memref<10240x128xf32, #tpu.memory_space<vmem_shared>> -> memref<10240x128xf32, #tpu.memory_space<vmem_shared>>
        tpu.enqueue_indirect_dma source(%arg9 : memref<128x128xf32, #tpu.memory_space<vmem>>) target(%dma_start3A_137 : memref<10240x128xf32, #tpu.memory_space<vmem_shared>>) offsets(%dma_start3A_134 : memref<128xi32, #tpu.memory_space<vmem>>) semaphore(%run_scoped3A_131 : memref<!tpu.dma_semaphore, #tpu.memory_space<semaphore_mem>>) {add = true}
        %dma_wait3A_138 = arith.constant 0 : i32
        %dma_wait3A_139 = tpu.memref_slice %arg8[%run_scoped3A, %dma_wait3A_138] : memref<8x128xi32, #tpu.memory_space<vmem>> -> memref<1x128xi32, #tpu.memory_space<vmem>>
        %dma_wait3A_140 = tpu.memref_squeeze %dma_wait3A_139 : memref<1x128xi32, #tpu.memory_space<vmem>> -> memref<128xi32, #tpu.memory_space<vmem>>
        %dma_wait3A_141 = arith.constant 0 : i32
        %dma_wait3A_142 = arith.constant 0 : i32
        %dma_wait3A_143 = tpu.memref_slice %arg11[%dma_wait3A_141, %dma_wait3A_142] : memref<10240x128xf32, #tpu.memory_space<vmem_shared>> -> memref<10240x128xf32, #tpu.memory_space<vmem_shared>>
        tpu.wait_indirect_dma semaphore(%run_scoped3A_131 : memref<!tpu.dma_semaphore, #tpu.memory_space<semaphore_mem>>) src(%arg9 : memref<128x128xf32, #tpu.memory_space<vmem>>) dst(%dma_wait3A_143 : memref<10240x128xf32, #tpu.memory_space<vmem_shared>>)
        tpu.yield
      }) : () -> ()
      %dma_wait3A_33 = arith.constant 1 : i32
      %dma_wait3A_34 = arith.constant 0 : i32
      %dma_wait3A_35 = tpu.memref_slice %arg7[%dma_wait3A_33, %dma_wait3A_34] : memref<8x128xi32, #tpu.memory_space<vmem>> -> memref<1x128xi32, #tpu.memory_space<vmem>>
      %dma_wait3A_36 = tpu.memref_squeeze %dma_wait3A_35 : memref<1x128xi32, #tpu.memory_space<vmem>> -> memref<128xi32, #tpu.memory_space<vmem>>
      %dma_wait3A_37 = arith.constant 0 : i32
      %dma_wait3A_38 = arith.constant 0 : i32
      %dma_wait3A_39 = tpu.memref_slice %arg2[%dma_wait3A_37, %dma_wait3A_38] : memref<10240x128xf32, #tpu.memory_space<hbm>> -> memref<10240x128xf32, #tpu.memory_space<hbm>>
      tpu.wait_indirect_dma semaphore(%arg13 : memref<!tpu.dma_semaphore, #tpu.memory_space<semaphore_mem>>) src(%dma_wait3A_39 : memref<10240x128xf32, #tpu.memory_space<hbm>>) dst(%arg10 : memref<128x128xf32, #tpu.memory_space<vmem>>)
      %dma_start3A_40 = arith.constant 2 : i32
      %dma_start3A_41 = arith.constant 0 : i32
      %dma_start3A_42 = tpu.memref_slice %arg7[%dma_start3A_40, %dma_start3A_41] : memref<8x128xi32, #tpu.memory_space<vmem>> -> memref<1x128xi32, #tpu.memory_space<vmem>>
      %dma_start3A_43 = tpu.memref_squeeze %dma_start3A_42 : memref<1x128xi32, #tpu.memory_space<vmem>> -> memref<128xi32, #tpu.memory_space<vmem>>
      %dma_start3A_44 = arith.constant 0 : i32
      %dma_start3A_45 = arith.constant 0 : i32
      %dma_start3A_46 = tpu.memref_slice %arg2[%dma_start3A_44, %dma_start3A_45] : memref<10240x128xf32, #tpu.memory_space<hbm>> -> memref<10240x128xf32, #tpu.memory_space<hbm>>
      tpu.enqueue_indirect_dma source(%dma_start3A_46 : memref<10240x128xf32, #tpu.memory_space<hbm>>) target(%arg9 : memref<128x128xf32, #tpu.memory_space<vmem>>) offsets(%dma_start3A_43 : memref<128xi32, #tpu.memory_space<vmem>>) semaphore(%arg12 : memref<!tpu.dma_semaphore, #tpu.memory_space<semaphore_mem>>)
      %run_scoped3A_47 = arith.constant 1 : i32
      "tpu.region"() ({
        %run_scoped3A_131 = tpu.sem_alloc : memref<!tpu.dma_semaphore, #tpu.memory_space<semaphore_mem>>
        %dma_start3A_132 = arith.constant 0 : i32
        %dma_start3A_133 = tpu.memref_slice %arg8[%run_scoped3A_47, %dma_start3A_132] : memref<8x128xi32, #tpu.memory_space<vmem>> -> memref<1x128xi32, #tpu.memory_space<vmem>>
        %dma_start3A_134 = tpu.memref_squeeze %dma_start3A_133 : memref<1x128xi32, #tpu.memory_space<vmem>> -> memref<128xi32, #tpu.memory_space<vmem>>
        %dma_start3A_135 = arith.constant 0 : i32
        %dma_start3A_136 = arith.constant 0 : i32
        %dma_start3A_137 = tpu.memref_slice %arg11[%dma_start3A_135, %dma_start3A_136] : memref<10240x128xf32, #tpu.memory_space<vmem_shared>> -> memref<10240x128xf32, #tpu.memory_space<vmem_shared>>
        tpu.enqueue_indirect_dma source(%arg10 : memref<128x128xf32, #tpu.memory_space<vmem>>) target(%dma_start3A_137 : memref<10240x128xf32, #tpu.memory_space<vmem_shared>>) offsets(%dma_start3A_134 : memref<128xi32, #tpu.memory_space<vmem>>) semaphore(%run_scoped3A_131 : memref<!tpu.dma_semaphore, #tpu.memory_space<semaphore_mem>>) {add = true}
        %dma_wait3A_138 = arith.constant 0 : i32
        %dma_wait3A_139 = tpu.memref_slice %arg8[%run_scoped3A_47, %dma_wait3A_138] : memref<8x128xi32, #tpu.memory_space<vmem>> -> memref<1x128xi32, #tpu.memory_space<vmem>>
        %dma_wait3A_140 = tpu.memref_squeeze %dma_wait3A_139 : memref<1x128xi32, #tpu.memory_space<vmem>> -> memref<128xi32, #tpu.memory_space<vmem>>
        %dma_wait3A_141 = arith.constant 0 : i32
        %dma_wait3A_142 = arith.constant 0 : i32
        %dma_wait3A_143 = tpu.memref_slice %arg11[%dma_wait3A_141, %dma_wait3A_142] : memref<10240x128xf32, #tpu.memory_space<vmem_shared>> -> memref<10240x128xf32, #tpu.memory_space<vmem_shared>>
        tpu.wait_indirect_dma semaphore(%run_scoped3A_131 : memref<!tpu.dma_semaphore, #tpu.memory_space<semaphore_mem>>) src(%arg10 : memref<128x128xf32, #tpu.memory_space<vmem>>) dst(%dma_wait3A_143 : memref<10240x128xf32, #tpu.memory_space<vmem_shared>>)
        tpu.yield
      }) : () -> ()
      %dma_wait3A_48 = arith.constant 2 : i32
      %dma_wait3A_49 = arith.constant 0 : i32
      %dma_wait3A_50 = tpu.memref_slice %arg7[%dma_wait3A_48, %dma_wait3A_49] : memref<8x128xi32, #tpu.memory_space<vmem>> -> memref<1x128xi32, #tpu.memory_space<vmem>>
      %dma_wait3A_51 = tpu.memref_squeeze %dma_wait3A_50 : memref<1x128xi32, #tpu.memory_space<vmem>> -> memref<128xi32, #tpu.memory_space<vmem>>
      %dma_wait3A_52 = arith.constant 0 : i32
      %dma_wait3A_53 = arith.constant 0 : i32
      %dma_wait3A_54 = tpu.memref_slice %arg2[%dma_wait3A_52, %dma_wait3A_53] : memref<10240x128xf32, #tpu.memory_space<hbm>> -> memref<10240x128xf32, #tpu.memory_space<hbm>>
      tpu.wait_indirect_dma semaphore(%arg12 : memref<!tpu.dma_semaphore, #tpu.memory_space<semaphore_mem>>) src(%dma_wait3A_54 : memref<10240x128xf32, #tpu.memory_space<hbm>>) dst(%arg9 : memref<128x128xf32, #tpu.memory_space<vmem>>)
      %dma_start3A_55 = arith.constant 3 : i32
      %dma_start3A_56 = arith.constant 0 : i32
      %dma_start3A_57 = tpu.memref_slice %arg7[%dma_start3A_55, %dma_start3A_56] : memref<8x128xi32, #tpu.memory_space<vmem>> -> memref<1x128xi32, #tpu.memory_space<vmem>>
      %dma_start3A_58 = tpu.memref_squeeze %dma_start3A_57 : memref<1x128xi32, #tpu.memory_space<vmem>> -> memref<128xi32, #tpu.memory_space<vmem>>
      %dma_start3A_59 = arith.constant 0 : i32
      %dma_start3A_60 = arith.constant 0 : i32
      %dma_start3A_61 = tpu.memref_slice %arg2[%dma_start3A_59, %dma_start3A_60] : memref<10240x128xf32, #tpu.memory_space<hbm>> -> memref<10240x128xf32, #tpu.memory_space<hbm>>
      tpu.enqueue_indirect_dma source(%dma_start3A_61 : memref<10240x128xf32, #tpu.memory_space<hbm>>) target(%arg10 : memref<128x128xf32, #tpu.memory_space<vmem>>) offsets(%dma_start3A_58 : memref<128xi32, #tpu.memory_space<vmem>>) semaphore(%arg13 : memref<!tpu.dma_semaphore, #tpu.memory_space<semaphore_mem>>)
      %run_scoped3A_62 = arith.constant 2 : i32
      "tpu.region"() ({
        %run_scoped3A_131 = tpu.sem_alloc : memref<!tpu.dma_semaphore, #tpu.memory_space<semaphore_mem>>
        %dma_start3A_132 = arith.constant 0 : i32
        %dma_start3A_133 = tpu.memref_slice %arg8[%run_scoped3A_62, %dma_start3A_132] : memref<8x128xi32, #tpu.memory_space<vmem>> -> memref<1x128xi32, #tpu.memory_space<vmem>>
        %dma_start3A_134 = tpu.memref_squeeze %dma_start3A_133 : memref<1x128xi32, #tpu.memory_space<vmem>> -> memref<128xi32, #tpu.memory_space<vmem>>
        %dma_start3A_135 = arith.constant 0 : i32
        %dma_start3A_136 = arith.constant 0 : i32
        %dma_start3A_137 = tpu.memref_slice %arg11[%dma_start3A_135, %dma_start3A_136] : memref<10240x128xf32, #tpu.memory_space<vmem_shared>> -> memref<10240x128xf32, #tpu.memory_space<vmem_shared>>
        tpu.enqueue_indirect_dma source(%arg9 : memref<128x128xf32, #tpu.memory_space<vmem>>) target(%dma_start3A_137 : memref<10240x128xf32, #tpu.memory_space<vmem_shared>>) offsets(%dma_start3A_134 : memref<128xi32, #tpu.memory_space<vmem>>) semaphore(%run_scoped3A_131 : memref<!tpu.dma_semaphore, #tpu.memory_space<semaphore_mem>>) {add = true}
        %dma_wait3A_138 = arith.constant 0 : i32
        %dma_wait3A_139 = tpu.memref_slice %arg8[%run_scoped3A_62, %dma_wait3A_138] : memref<8x128xi32, #tpu.memory_space<vmem>> -> memref<1x128xi32, #tpu.memory_space<vmem>>
        %dma_wait3A_140 = tpu.memref_squeeze %dma_wait3A_139 : memref<1x128xi32, #tpu.memory_space<vmem>> -> memref<128xi32, #tpu.memory_space<vmem>>
        %dma_wait3A_141 = arith.constant 0 : i32
        %dma_wait3A_142 = arith.constant 0 : i32
        %dma_wait3A_143 = tpu.memref_slice %arg11[%dma_wait3A_141, %dma_wait3A_142] : memref<10240x128xf32, #tpu.memory_space<vmem_shared>> -> memref<10240x128xf32, #tpu.memory_space<vmem_shared>>
        tpu.wait_indirect_dma semaphore(%run_scoped3A_131 : memref<!tpu.dma_semaphore, #tpu.memory_space<semaphore_mem>>) src(%arg9 : memref<128x128xf32, #tpu.memory_space<vmem>>) dst(%dma_wait3A_143 : memref<10240x128xf32, #tpu.memory_space<vmem_shared>>)
        tpu.yield
      }) : () -> ()
      %dma_wait3A_63 = arith.constant 3 : i32
      %dma_wait3A_64 = arith.constant 0 : i32
      %dma_wait3A_65 = tpu.memref_slice %arg7[%dma_wait3A_63, %dma_wait3A_64] : memref<8x128xi32, #tpu.memory_space<vmem>> -> memref<1x128xi32, #tpu.memory_space<vmem>>
      %dma_wait3A_66 = tpu.memref_squeeze %dma_wait3A_65 : memref<1x128xi32, #tpu.memory_space<vmem>> -> memref<128xi32, #tpu.memory_space<vmem>>
      %dma_wait3A_67 = arith.constant 0 : i32
      %dma_wait3A_68 = arith.constant 0 : i32
      %dma_wait3A_69 = tpu.memref_slice %arg2[%dma_wait3A_67, %dma_wait3A_68] : memref<10240x128xf32, #tpu.memory_space<hbm>> -> memref<10240x128xf32, #tpu.memory_space<hbm>>
      tpu.wait_indirect_dma semaphore(%arg13 : memref<!tpu.dma_semaphore, #tpu.memory_space<semaphore_mem>>) src(%dma_wait3A_69 : memref<10240x128xf32, #tpu.memory_space<hbm>>) dst(%arg10 : memref<128x128xf32, #tpu.memory_space<vmem>>)
      %dma_start3A_70 = arith.constant 4 : i32
      %dma_start3A_71 = arith.constant 0 : i32
      %dma_start3A_72 = tpu.memref_slice %arg7[%dma_start3A_70, %dma_start3A_71] : memref<8x128xi32, #tpu.memory_space<vmem>> -> memref<1x128xi32, #tpu.memory_space<vmem>>
      %dma_start3A_73 = tpu.memref_squeeze %dma_start3A_72 : memref<1x128xi32, #tpu.memory_space<vmem>> -> memref<128xi32, #tpu.memory_space<vmem>>
      %dma_start3A_74 = arith.constant 0 : i32
      %dma_start3A_75 = arith.constant 0 : i32
      %dma_start3A_76 = tpu.memref_slice %arg2[%dma_start3A_74, %dma_start3A_75] : memref<10240x128xf32, #tpu.memory_space<hbm>> -> memref<10240x128xf32, #tpu.memory_space<hbm>>
      tpu.enqueue_indirect_dma source(%dma_start3A_76 : memref<10240x128xf32, #tpu.memory_space<hbm>>) target(%arg9 : memref<128x128xf32, #tpu.memory_space<vmem>>) offsets(%dma_start3A_73 : memref<128xi32, #tpu.memory_space<vmem>>) semaphore(%arg12 : memref<!tpu.dma_semaphore, #tpu.memory_space<semaphore_mem>>)
      %run_scoped3A_77 = arith.constant 3 : i32
      "tpu.region"() ({
        %run_scoped3A_131 = tpu.sem_alloc : memref<!tpu.dma_semaphore, #tpu.memory_space<semaphore_mem>>
        %dma_start3A_132 = arith.constant 0 : i32
        %dma_start3A_133 = tpu.memref_slice %arg8[%run_scoped3A_77, %dma_start3A_132] : memref<8x128xi32, #tpu.memory_space<vmem>> -> memref<1x128xi32, #tpu.memory_space<vmem>>
        %dma_start3A_134 = tpu.memref_squeeze %dma_start3A_133 : memref<1x128xi32, #tpu.memory_space<vmem>> -> memref<128xi32, #tpu.memory_space<vmem>>
        %dma_start3A_135 = arith.constant 0 : i32
        %dma_start3A_136 = arith.constant 0 : i32
        %dma_start3A_137 = tpu.memref_slice %arg11[%dma_start3A_135, %dma_start3A_136] : memref<10240x128xf32, #tpu.memory_space<vmem_shared>> -> memref<10240x128xf32, #tpu.memory_space<vmem_shared>>
        tpu.enqueue_indirect_dma source(%arg10 : memref<128x128xf32, #tpu.memory_space<vmem>>) target(%dma_start3A_137 : memref<10240x128xf32, #tpu.memory_space<vmem_shared>>) offsets(%dma_start3A_134 : memref<128xi32, #tpu.memory_space<vmem>>) semaphore(%run_scoped3A_131 : memref<!tpu.dma_semaphore, #tpu.memory_space<semaphore_mem>>) {add = true}
        %dma_wait3A_138 = arith.constant 0 : i32
        %dma_wait3A_139 = tpu.memref_slice %arg8[%run_scoped3A_77, %dma_wait3A_138] : memref<8x128xi32, #tpu.memory_space<vmem>> -> memref<1x128xi32, #tpu.memory_space<vmem>>
        %dma_wait3A_140 = tpu.memref_squeeze %dma_wait3A_139 : memref<1x128xi32, #tpu.memory_space<vmem>> -> memref<128xi32, #tpu.memory_space<vmem>>
        %dma_wait3A_141 = arith.constant 0 : i32
        %dma_wait3A_142 = arith.constant 0 : i32
        %dma_wait3A_143 = tpu.memref_slice %arg11[%dma_wait3A_141, %dma_wait3A_142] : memref<10240x128xf32, #tpu.memory_space<vmem_shared>> -> memref<10240x128xf32, #tpu.memory_space<vmem_shared>>
        tpu.wait_indirect_dma semaphore(%run_scoped3A_131 : memref<!tpu.dma_semaphore, #tpu.memory_space<semaphore_mem>>) src(%arg10 : memref<128x128xf32, #tpu.memory_space<vmem>>) dst(%dma_wait3A_143 : memref<10240x128xf32, #tpu.memory_space<vmem_shared>>)
        tpu.yield
      }) : () -> ()
      %dma_wait3A_78 = arith.constant 4 : i32
      %dma_wait3A_79 = arith.constant 0 : i32
      %dma_wait3A_80 = tpu.memref_slice %arg7[%dma_wait3A_78, %dma_wait3A_79] : memref<8x128xi32, #tpu.memory_space<vmem>> -> memref<1x128xi32, #tpu.memory_space<vmem>>
      %dma_wait3A_81 = tpu.memref_squeeze %dma_wait3A_80 : memref<1x128xi32, #tpu.memory_space<vmem>> -> memref<128xi32, #tpu.memory_space<vmem>>
      %dma_wait3A_82 = arith.constant 0 : i32
      %dma_wait3A_83 = arith.constant 0 : i32
      %dma_wait3A_84 = tpu.memref_slice %arg2[%dma_wait3A_82, %dma_wait3A_83] : memref<10240x128xf32, #tpu.memory_space<hbm>> -> memref<10240x128xf32, #tpu.memory_space<hbm>>
      tpu.wait_indirect_dma semaphore(%arg12 : memref<!tpu.dma_semaphore, #tpu.memory_space<semaphore_mem>>) src(%dma_wait3A_84 : memref<10240x128xf32, #tpu.memory_space<hbm>>) dst(%arg9 : memref<128x128xf32, #tpu.memory_space<vmem>>)
      %dma_start3A_85 = arith.constant 5 : i32
      %dma_start3A_86 = arith.constant 0 : i32
      %dma_start3A_87 = tpu.memref_slice %arg7[%dma_start3A_85, %dma_start3A_86] : memref<8x128xi32, #tpu.memory_space<vmem>> -> memref<1x128xi32, #tpu.memory_space<vmem>>
      %dma_start3A_88 = tpu.memref_squeeze %dma_start3A_87 : memref<1x128xi32, #tpu.memory_space<vmem>> -> memref<128xi32, #tpu.memory_space<vmem>>
      %dma_start3A_89 = arith.constant 0 : i32
      %dma_start3A_90 = arith.constant 0 : i32
      %dma_start3A_91 = tpu.memref_slice %arg2[%dma_start3A_89, %dma_start3A_90] : memref<10240x128xf32, #tpu.memory_space<hbm>> -> memref<10240x128xf32, #tpu.memory_space<hbm>>
      tpu.enqueue_indirect_dma source(%dma_start3A_91 : memref<10240x128xf32, #tpu.memory_space<hbm>>) target(%arg10 : memref<128x128xf32, #tpu.memory_space<vmem>>) offsets(%dma_start3A_88 : memref<128xi32, #tpu.memory_space<vmem>>) semaphore(%arg13 : memref<!tpu.dma_semaphore, #tpu.memory_space<semaphore_mem>>)
      %run_scoped3A_92 = arith.constant 4 : i32
      "tpu.region"() ({
        %run_scoped3A_131 = tpu.sem_alloc : memref<!tpu.dma_semaphore, #tpu.memory_space<semaphore_mem>>
        %dma_start3A_132 = arith.constant 0 : i32
        %dma_start3A_133 = tpu.memref_slice %arg8[%run_scoped3A_92, %dma_start3A_132] : memref<8x128xi32, #tpu.memory_space<vmem>> -> memref<1x128xi32, #tpu.memory_space<vmem>>
        %dma_start3A_134 = tpu.memref_squeeze %dma_start3A_133 : memref<1x128xi32, #tpu.memory_space<vmem>> -> memref<128xi32, #tpu.memory_space<vmem>>
        %dma_start3A_135 = arith.constant 0 : i32
        %dma_start3A_136 = arith.constant 0 : i32
        %dma_start3A_137 = tpu.memref_slice %arg11[%dma_start3A_135, %dma_start3A_136] : memref<10240x128xf32, #tpu.memory_space<vmem_shared>> -> memref<10240x128xf32, #tpu.memory_space<vmem_shared>>
        tpu.enqueue_indirect_dma source(%arg9 : memref<128x128xf32, #tpu.memory_space<vmem>>) target(%dma_start3A_137 : memref<10240x128xf32, #tpu.memory_space<vmem_shared>>) offsets(%dma_start3A_134 : memref<128xi32, #tpu.memory_space<vmem>>) semaphore(%run_scoped3A_131 : memref<!tpu.dma_semaphore, #tpu.memory_space<semaphore_mem>>) {add = true}
        %dma_wait3A_138 = arith.constant 0 : i32
        %dma_wait3A_139 = tpu.memref_slice %arg8[%run_scoped3A_92, %dma_wait3A_138] : memref<8x128xi32, #tpu.memory_space<vmem>> -> memref<1x128xi32, #tpu.memory_space<vmem>>
        %dma_wait3A_140 = tpu.memref_squeeze %dma_wait3A_139 : memref<1x128xi32, #tpu.memory_space<vmem>> -> memref<128xi32, #tpu.memory_space<vmem>>
        %dma_wait3A_141 = arith.constant 0 : i32
        %dma_wait3A_142 = arith.constant 0 : i32
        %dma_wait3A_143 = tpu.memref_slice %arg11[%dma_wait3A_141, %dma_wait3A_142] : memref<10240x128xf32, #tpu.memory_space<vmem_shared>> -> memref<10240x128xf32, #tpu.memory_space<vmem_shared>>
        tpu.wait_indirect_dma semaphore(%run_scoped3A_131 : memref<!tpu.dma_semaphore, #tpu.memory_space<semaphore_mem>>) src(%arg9 : memref<128x128xf32, #tpu.memory_space<vmem>>) dst(%dma_wait3A_143 : memref<10240x128xf32, #tpu.memory_space<vmem_shared>>)
        tpu.yield
      }) : () -> ()
      %dma_wait3A_93 = arith.constant 5 : i32
      %dma_wait3A_94 = arith.constant 0 : i32
      %dma_wait3A_95 = tpu.memref_slice %arg7[%dma_wait3A_93, %dma_wait3A_94] : memref<8x128xi32, #tpu.memory_space<vmem>> -> memref<1x128xi32, #tpu.memory_space<vmem>>
      %dma_wait3A_96 = tpu.memref_squeeze %dma_wait3A_95 : memref<1x128xi32, #tpu.memory_space<vmem>> -> memref<128xi32, #tpu.memory_space<vmem>>
      %dma_wait3A_97 = arith.constant 0 : i32
      %dma_wait3A_98 = arith.constant 0 : i32
      %dma_wait3A_99 = tpu.memref_slice %arg2[%dma_wait3A_97, %dma_wait3A_98] : memref<10240x128xf32, #tpu.memory_space<hbm>> -> memref<10240x128xf32, #tpu.memory_space<hbm>>
      tpu.wait_indirect_dma semaphore(%arg13 : memref<!tpu.dma_semaphore, #tpu.memory_space<semaphore_mem>>) src(%dma_wait3A_99 : memref<10240x128xf32, #tpu.memory_space<hbm>>) dst(%arg10 : memref<128x128xf32, #tpu.memory_space<vmem>>)
      %dma_start3A_100 = arith.constant 6 : i32
      %dma_start3A_101 = arith.constant 0 : i32
      %dma_start3A_102 = tpu.memref_slice %arg7[%dma_start3A_100, %dma_start3A_101] : memref<8x128xi32, #tpu.memory_space<vmem>> -> memref<1x128xi32, #tpu.memory_space<vmem>>
      %dma_start3A_103 = tpu.memref_squeeze %dma_start3A_102 : memref<1x128xi32, #tpu.memory_space<vmem>> -> memref<128xi32, #tpu.memory_space<vmem>>
      %dma_start3A_104 = arith.constant 0 : i32
      %dma_start3A_105 = arith.constant 0 : i32
      %dma_start3A_106 = tpu.memref_slice %arg2[%dma_start3A_104, %dma_start3A_105] : memref<10240x128xf32, #tpu.memory_space<hbm>> -> memref<10240x128xf32, #tpu.memory_space<hbm>>
      tpu.enqueue_indirect_dma source(%dma_start3A_106 : memref<10240x128xf32, #tpu.memory_space<hbm>>) target(%arg9 : memref<128x128xf32, #tpu.memory_space<vmem>>) offsets(%dma_start3A_103 : memref<128xi32, #tpu.memory_space<vmem>>) semaphore(%arg12 : memref<!tpu.dma_semaphore, #tpu.memory_space<semaphore_mem>>)
      %run_scoped3A_107 = arith.constant 5 : i32
      "tpu.region"() ({
        %run_scoped3A_131 = tpu.sem_alloc : memref<!tpu.dma_semaphore, #tpu.memory_space<semaphore_mem>>
        %dma_start3A_132 = arith.constant 0 : i32
        %dma_start3A_133 = tpu.memref_slice %arg8[%run_scoped3A_107, %dma_start3A_132] : memref<8x128xi32, #tpu.memory_space<vmem>> -> memref<1x128xi32, #tpu.memory_space<vmem>>
        %dma_start3A_134 = tpu.memref_squeeze %dma_start3A_133 : memref<1x128xi32, #tpu.memory_space<vmem>> -> memref<128xi32, #tpu.memory_space<vmem>>
        %dma_start3A_135 = arith.constant 0 : i32
        %dma_start3A_136 = arith.constant 0 : i32
        %dma_start3A_137 = tpu.memref_slice %arg11[%dma_start3A_135, %dma_start3A_136] : memref<10240x128xf32, #tpu.memory_space<vmem_shared>> -> memref<10240x128xf32, #tpu.memory_space<vmem_shared>>
        tpu.enqueue_indirect_dma source(%arg10 : memref<128x128xf32, #tpu.memory_space<vmem>>) target(%dma_start3A_137 : memref<10240x128xf32, #tpu.memory_space<vmem_shared>>) offsets(%dma_start3A_134 : memref<128xi32, #tpu.memory_space<vmem>>) semaphore(%run_scoped3A_131 : memref<!tpu.dma_semaphore, #tpu.memory_space<semaphore_mem>>) {add = true}
        %dma_wait3A_138 = arith.constant 0 : i32
        %dma_wait3A_139 = tpu.memref_slice %arg8[%run_scoped3A_107, %dma_wait3A_138] : memref<8x128xi32, #tpu.memory_space<vmem>> -> memref<1x128xi32, #tpu.memory_space<vmem>>
        %dma_wait3A_140 = tpu.memref_squeeze %dma_wait3A_139 : memref<1x128xi32, #tpu.memory_space<vmem>> -> memref<128xi32, #tpu.memory_space<vmem>>
        %dma_wait3A_141 = arith.constant 0 : i32
        %dma_wait3A_142 = arith.constant 0 : i32
        %dma_wait3A_143 = tpu.memref_slice %arg11[%dma_wait3A_141, %dma_wait3A_142] : memref<10240x128xf32, #tpu.memory_space<vmem_shared>> -> memref<10240x128xf32, #tpu.memory_space<vmem_shared>>
        tpu.wait_indirect_dma semaphore(%run_scoped3A_131 : memref<!tpu.dma_semaphore, #tpu.memory_space<semaphore_mem>>) src(%arg10 : memref<128x128xf32, #tpu.memory_space<vmem>>) dst(%dma_wait3A_143 : memref<10240x128xf32, #tpu.memory_space<vmem_shared>>)
        tpu.yield
      }) : () -> ()
      %dma_wait3A_108 = arith.constant 6 : i32
      %dma_wait3A_109 = arith.constant 0 : i32
      %dma_wait3A_110 = tpu.memref_slice %arg7[%dma_wait3A_108, %dma_wait3A_109] : memref<8x128xi32, #tpu.memory_space<vmem>> -> memref<1x128xi32, #tpu.memory_space<vmem>>
      %dma_wait3A_111 = tpu.memref_squeeze %dma_wait3A_110 : memref<1x128xi32, #tpu.memory_space<vmem>> -> memref<128xi32, #tpu.memory_space<vmem>>
      %dma_wait3A_112 = arith.constant 0 : i32
      %dma_wait3A_113 = arith.constant 0 : i32
      %dma_wait3A_114 = tpu.memref_slice %arg2[%dma_wait3A_112, %dma_wait3A_113] : memref<10240x128xf32, #tpu.memory_space<hbm>> -> memref<10240x128xf32, #tpu.memory_space<hbm>>
      tpu.wait_indirect_dma semaphore(%arg12 : memref<!tpu.dma_semaphore, #tpu.memory_space<semaphore_mem>>) src(%dma_wait3A_114 : memref<10240x128xf32, #tpu.memory_space<hbm>>) dst(%arg9 : memref<128x128xf32, #tpu.memory_space<vmem>>)
      %dma_start3A_115 = arith.constant 7 : i32
      %dma_start3A_116 = arith.constant 0 : i32
      %dma_start3A_117 = tpu.memref_slice %arg7[%dma_start3A_115, %dma_start3A_116] : memref<8x128xi32, #tpu.memory_space<vmem>> -> memref<1x128xi32, #tpu.memory_space<vmem>>
      %dma_start3A_118 = tpu.memref_squeeze %dma_start3A_117 : memref<1x128xi32, #tpu.memory_space<vmem>> -> memref<128xi32, #tpu.memory_space<vmem>>
      %dma_start3A_119 = arith.constant 0 : i32
      %dma_start3A_120 = arith.constant 0 : i32
      %dma_start3A_121 = tpu.memref_slice %arg2[%dma_start3A_119, %dma_start3A_120] : memref<10240x128xf32, #tpu.memory_space<hbm>> -> memref<10240x128xf32, #tpu.memory_space<hbm>>
      tpu.enqueue_indirect_dma source(%dma_start3A_121 : memref<10240x128xf32, #tpu.memory_space<hbm>>) target(%arg10 : memref<128x128xf32, #tpu.memory_space<vmem>>) offsets(%dma_start3A_118 : memref<128xi32, #tpu.memory_space<vmem>>) semaphore(%arg13 : memref<!tpu.dma_semaphore, #tpu.memory_space<semaphore_mem>>)
      %run_scoped3A_122 = arith.constant 6 : i32
      "tpu.region"() ({
        %run_scoped3A_131 = tpu.sem_alloc : memref<!tpu.dma_semaphore, #tpu.memory_space<semaphore_mem>>
        %dma_start3A_132 = arith.constant 0 : i32
        %dma_start3A_133 = tpu.memref_slice %arg8[%run_scoped3A_122, %dma_start3A_132] : memref<8x128xi32, #tpu.memory_space<vmem>> -> memref<1x128xi32, #tpu.memory_space<vmem>>
        %dma_start3A_134 = tpu.memref_squeeze %dma_start3A_133 : memref<1x128xi32, #tpu.memory_space<vmem>> -> memref<128xi32, #tpu.memory_space<vmem>>
        %dma_start3A_135 = arith.constant 0 : i32
        %dma_start3A_136 = arith.constant 0 : i32
        %dma_start3A_137 = tpu.memref_slice %arg11[%dma_start3A_135, %dma_start3A_136] : memref<10240x128xf32, #tpu.memory_space<vmem_shared>> -> memref<10240x128xf32, #tpu.memory_space<vmem_shared>>
        tpu.enqueue_indirect_dma source(%arg9 : memref<128x128xf32, #tpu.memory_space<vmem>>) target(%dma_start3A_137 : memref<10240x128xf32, #tpu.memory_space<vmem_shared>>) offsets(%dma_start3A_134 : memref<128xi32, #tpu.memory_space<vmem>>) semaphore(%run_scoped3A_131 : memref<!tpu.dma_semaphore, #tpu.memory_space<semaphore_mem>>) {add = true}
        %dma_wait3A_138 = arith.constant 0 : i32
        %dma_wait3A_139 = tpu.memref_slice %arg8[%run_scoped3A_122, %dma_wait3A_138] : memref<8x128xi32, #tpu.memory_space<vmem>> -> memref<1x128xi32, #tpu.memory_space<vmem>>
        %dma_wait3A_140 = tpu.memref_squeeze %dma_wait3A_139 : memref<1x128xi32, #tpu.memory_space<vmem>> -> memref<128xi32, #tpu.memory_space<vmem>>
        %dma_wait3A_141 = arith.constant 0 : i32
        %dma_wait3A_142 = arith.constant 0 : i32
        %dma_wait3A_143 = tpu.memref_slice %arg11[%dma_wait3A_141, %dma_wait3A_142] : memref<10240x128xf32, #tpu.memory_space<vmem_shared>> -> memref<10240x128xf32, #tpu.memory_space<vmem_shared>>
        tpu.wait_indirect_dma semaphore(%run_scoped3A_131 : memref<!tpu.dma_semaphore, #tpu.memory_space<semaphore_mem>>) src(%arg9 : memref<128x128xf32, #tpu.memory_space<vmem>>) dst(%dma_wait3A_143 : memref<10240x128xf32, #tpu.memory_space<vmem_shared>>)
        tpu.yield
      }) : () -> ()
      %dma_wait3A_123 = arith.constant 7 : i32
      %dma_wait3A_124 = arith.constant 0 : i32
      %dma_wait3A_125 = tpu.memref_slice %arg7[%dma_wait3A_123, %dma_wait3A_124] : memref<8x128xi32, #tpu.memory_space<vmem>> -> memref<1x128xi32, #tpu.memory_space<vmem>>
      %dma_wait3A_126 = tpu.memref_squeeze %dma_wait3A_125 : memref<1x128xi32, #tpu.memory_space<vmem>> -> memref<128xi32, #tpu.memory_space<vmem>>
      %dma_wait3A_127 = arith.constant 0 : i32
      %dma_wait3A_128 = arith.constant 0 : i32
      %dma_wait3A_129 = tpu.memref_slice %arg2[%dma_wait3A_127, %dma_wait3A_128] : memref<10240x128xf32, #tpu.memory_space<hbm>> -> memref<10240x128xf32, #tpu.memory_space<hbm>>
      tpu.wait_indirect_dma semaphore(%arg13 : memref<!tpu.dma_semaphore, #tpu.memory_space<semaphore_mem>>) src(%dma_wait3A_129 : memref<10240x128xf32, #tpu.memory_space<hbm>>) dst(%arg10 : memref<128x128xf32, #tpu.memory_space<vmem>>)
      %run_scoped3A_130 = arith.constant 7 : i32
      "tpu.region"() ({
        %run_scoped3A_131 = tpu.sem_alloc : memref<!tpu.dma_semaphore, #tpu.memory_space<semaphore_mem>>
        %dma_start3A_132 = arith.constant 0 : i32
        %dma_start3A_133 = tpu.memref_slice %arg8[%run_scoped3A_130, %dma_start3A_132] : memref<8x128xi32, #tpu.memory_space<vmem>> -> memref<1x128xi32, #tpu.memory_space<vmem>>
        %dma_start3A_134 = tpu.memref_squeeze %dma_start3A_133 : memref<1x128xi32, #tpu.memory_space<vmem>> -> memref<128xi32, #tpu.memory_space<vmem>>
        %dma_start3A_135 = arith.constant 0 : i32
        %dma_start3A_136 = arith.constant 0 : i32
        %dma_start3A_137 = tpu.memref_slice %arg11[%dma_start3A_135, %dma_start3A_136] : memref<10240x128xf32, #tpu.memory_space<vmem_shared>> -> memref<10240x128xf32, #tpu.memory_space<vmem_shared>>
        tpu.enqueue_indirect_dma source(%arg10 : memref<128x128xf32, #tpu.memory_space<vmem>>) target(%dma_start3A_137 : memref<10240x128xf32, #tpu.memory_space<vmem_shared>>) offsets(%dma_start3A_134 : memref<128xi32, #tpu.memory_space<vmem>>) semaphore(%run_scoped3A_131 : memref<!tpu.dma_semaphore, #tpu.memory_space<semaphore_mem>>) {add = true}
        %dma_wait3A_138 = arith.constant 0 : i32
        %dma_wait3A_139 = tpu.memref_slice %arg8[%run_scoped3A_130, %dma_wait3A_138] : memref<8x128xi32, #tpu.memory_space<vmem>> -> memref<1x128xi32, #tpu.memory_space<vmem>>
        %dma_wait3A_140 = tpu.memref_squeeze %dma_wait3A_139 : memref<1x128xi32, #tpu.memory_space<vmem>> -> memref<128xi32, #tpu.memory_space<vmem>>
        %dma_wait3A_141 = arith.constant 0 : i32
        %dma_wait3A_142 = arith.constant 0 : i32
        %dma_wait3A_143 = tpu.memref_slice %arg11[%dma_wait3A_141, %dma_wait3A_142] : memref<10240x128xf32, #tpu.memory_space<vmem_shared>> -> memref<10240x128xf32, #tpu.memory_space<vmem_shared>>
        tpu.wait_indirect_dma semaphore(%run_scoped3A_131 : memref<!tpu.dma_semaphore, #tpu.memory_space<semaphore_mem>>) src(%arg10 : memref<128x128xf32, #tpu.memory_space<vmem>>) dst(%dma_wait3A_143 : memref<10240x128xf32, #tpu.memory_space<vmem_shared>>)
        tpu.yield
      }) : () -> ()
    }
    %scan3A_7 = arith.constant 10 : i32
    %barrier3A_8 = arith.constant 0 : index
    tpu.barrier barrier_id(%barrier3A_8)
    %mul3A_9 = arith.constant 640 : i32
    %mul3A_10 = arith.muli %arg1, %mul3A_9 : i32
    %mul3A_11 = arith.constant 640 : i32
    %mul3A_12 = arith.muli %arg1, %mul3A_11 : i32
    "tpu.region"() ({
      %run_scoped3A = tpu.sem_alloc : memref<!tpu.dma_semaphore, #tpu.memory_space<semaphore_mem>>
      %dma_start3A = arith.constant 0 : i32
      %dma_start3A_13 = tpu.memref_slice %arg6[%arg0, %mul3A_12, %dma_start3A] : memref<2x10240x128xf32, #tpu.memory_space<hbm>> -> memref<1x640x128xf32, #tpu.memory_space<hbm>>
      %dma_start3A_14 = tpu.memref_squeeze %dma_start3A_13 : memref<1x640x128xf32, #tpu.memory_space<hbm>> -> memref<640x128xf32, #tpu.memory_space<hbm>>
      %dma_start3A_15 = arith.constant 0 : i32
      %dma_start3A_16 = tpu.memref_slice %arg11[%mul3A_10, %dma_start3A_15] : memref<10240x128xf32, #tpu.memory_space<vmem_shared>> -> memref<640x128xf32, #tpu.memory_space<vmem_shared>>
      tpu.enqueue_dma source(%dma_start3A_16 : memref<640x128xf32, #tpu.memory_space<vmem_shared>>) target(%dma_start3A_14 : memref<640x128xf32, #tpu.memory_space<hbm>>) target_semaphore(%run_scoped3A : memref<!tpu.dma_semaphore, #tpu.memory_space<semaphore_mem>>)
      %dma_wait3A = arith.constant 0 : i32
      %dma_wait3A_17 = tpu.memref_slice %arg6[%arg0, %mul3A_12, %dma_wait3A] : memref<2x10240x128xf32, #tpu.memory_space<hbm>> -> memref<1x640x128xf32, #tpu.memory_space<hbm>>
      %dma_wait3A_18 = tpu.memref_squeeze %dma_wait3A_17 : memref<1x640x128xf32, #tpu.memory_space<hbm>> -> memref<640x128xf32, #tpu.memory_space<hbm>>
      %dma_wait3A_19 = arith.constant 0 : i32
      %dma_wait3A_20 = tpu.memref_slice %arg11[%mul3A_10, %dma_wait3A_19] : memref<10240x128xf32, #tpu.memory_space<vmem_shared>> -> memref<640x128xf32, #tpu.memory_space<vmem_shared>>
      tpu.wait_dma2 semaphore(%run_scoped3A : memref<!tpu.dma_semaphore, #tpu.memory_space<semaphore_mem>>) src(%dma_wait3A_20 : memref<640x128xf32, #tpu.memory_space<vmem_shared>>) dst(%dma_wait3A_18 : memref<640x128xf32, #tpu.memory_space<hbm>>)
      tpu.yield
    }) : () -> ()
    return
  }
}

#map = affine_map<(d0, d1) -> (0, 0)>
#map1 = affine_map<(d0, d1) -> (0, 0, 0, 0)>
#map2 = affine_map<(d0, d1) -> (0, 0, 0)>
module attributes {stable_mosaic.version = 14 : i64} {
  func.func @_agg_body(%arg0: i32, %arg1: i32, %arg2: memref<10240x128xf32, #tpu.memory_space<hbm>>, %arg3: memref<32x10x8x128xi32, #tpu.memory_space<hbm>>, %arg4: memref<32x10x8x128xi32, #tpu.memory_space<hbm>>, %arg5: memref<640x128xf32, #tpu.memory_space<hbm>>, %arg6: memref<2x10240x128xf32, #tpu.memory_space<hbm>>, %arg7: memref<8x128xi32, #tpu.memory_space<vmem>>, %arg8: memref<8x128xi32, #tpu.memory_space<vmem>>, %arg9: memref<128x128xf32, #tpu.memory_space<vmem>>, %arg10: memref<128x128xf32, #tpu.memory_space<vmem>>, %arg11: memref<10240x128xf32, #tpu.memory_space<vmem_shared>>, %arg12: memref<!tpu.dma_semaphore, #tpu.memory_space<semaphore_mem>>, %arg13: memref<!tpu.dma_semaphore, #tpu.memory_space<semaphore_mem>>) attributes {dimension_semantics = [#tpu.dimension_semantics<core_parallel>, #tpu.dimension_semantics<subcore_parallel>], iteration_bounds = array<i64: 2, 16>, scalar_prefetch = 0 : i64, scratch_operands = 7 : i64, tpu.core_type = #tpu.core_type<sc_vector_subcore>, window_params = [{transform_indices = #map}, {transform_indices = #map1}, {transform_indices = #map1}, {transform_indices = #map}, {transform_indices = #map2}]} {
    %mul3A = arith.constant 16 : i32
    %mul3A_0 = arith.muli %arg0, %mul3A : i32
    %add3A = arith.addi %mul3A_0, %arg1 : i32
    %mul3A_1 = arith.constant 640 : i32
    %mul3A_2 = arith.muli %arg1, %mul3A_1 : i32
    "tpu.region"() ({
      %run_scoped3A = tpu.sem_alloc : memref<!tpu.dma_semaphore, #tpu.memory_space<semaphore_mem>>
      %dma_start3A = arith.constant 0 : i32
      %dma_start3A_13 = tpu.memref_slice %arg11[%mul3A_2, %dma_start3A] : memref<10240x128xf32, #tpu.memory_space<vmem_shared>> -> memref<640x128xf32, #tpu.memory_space<vmem_shared>>
      tpu.enqueue_dma source(%arg5 : memref<640x128xf32, #tpu.memory_space<hbm>>) target(%dma_start3A_13 : memref<640x128xf32, #tpu.memory_space<vmem_shared>>) target_semaphore(%run_scoped3A : memref<!tpu.dma_semaphore, #tpu.memory_space<semaphore_mem>>)
      %dma_wait3A = arith.constant 0 : i32
      %dma_wait3A_14 = tpu.memref_slice %arg11[%mul3A_2, %dma_wait3A] : memref<10240x128xf32, #tpu.memory_space<vmem_shared>> -> memref<640x128xf32, #tpu.memory_space<vmem_shared>>
      tpu.wait_dma2 semaphore(%run_scoped3A : memref<!tpu.dma_semaphore, #tpu.memory_space<semaphore_mem>>) src(%arg5 : memref<640x128xf32, #tpu.memory_space<hbm>>) dst(%dma_wait3A_14 : memref<640x128xf32, #tpu.memory_space<vmem_shared>>)
      tpu.yield
    }) : () -> ()
    %barrier3A = arith.constant 0 : index
    tpu.barrier barrier_id(%barrier3A)
    %scan3A = arith.constant 0 : i32
    %scan3A_3 = arith.constant 0 : i32
    %scan3A_4 = arith.constant 10 : i32
    %scan3A_5 = arith.addi %scan3A_3, %scan3A_4 : i32
    %scan3A_6 = arith.constant 1 : i32
    scf.for %scan3A_13 = %scan3A_3 to %scan3A_5 step %scan3A_6  : i32 {
      "tpu.region"() ({
        %run_scoped3A_131 = tpu.sem_alloc : memref<!tpu.dma_semaphore, #tpu.memory_space<semaphore_mem>>
        %dma_start3A_132 = arith.constant 0 : i32
        %dma_start3A_133 = arith.constant 0 : i32
        %dma_start3A_134 = tpu.memref_slice %arg3[%add3A, %scan3A_13, %dma_start3A_132, %dma_start3A_133] : memref<32x10x8x128xi32, #tpu.memory_space<hbm>> -> memref<1x1x8x128xi32, #tpu.memory_space<hbm>>
        %dma_start3A_135 = tpu.memref_squeeze %dma_start3A_134 : memref<1x1x8x128xi32, #tpu.memory_space<hbm>> -> memref<8x128xi32, #tpu.memory_space<hbm>>
        %dma_start3A_136 = arith.constant 0 : i32
        %dma_start3A_137 = arith.constant 0 : i32
        %dma_start3A_138 = tpu.memref_slice %arg3[%add3A, %scan3A_13, %dma_start3A_136, %dma_start3A_137] : memref<32x10x8x128xi32, #tpu.memory_space<hbm>> -> memref<1x1x8x128xi32, #tpu.memory_space<hbm>>
        %dma_start3A_139 = tpu.memref_squeeze %dma_start3A_138 : memref<1x1x8x128xi32, #tpu.memory_space<hbm>> -> memref<8x128xi32, #tpu.memory_space<hbm>>
        tpu.enqueue_dma source(%dma_start3A_139 : memref<8x128xi32, #tpu.memory_space<hbm>>) target(%arg7 : memref<8x128xi32, #tpu.memory_space<vmem>>) target_semaphore(%run_scoped3A_131 : memref<!tpu.dma_semaphore, #tpu.memory_space<semaphore_mem>>)
        %dma_wait3A_140 = arith.constant 0 : i32
        %dma_wait3A_141 = arith.constant 0 : i32
        %dma_wait3A_142 = tpu.memref_slice %arg3[%add3A, %scan3A_13, %dma_wait3A_140, %dma_wait3A_141] : memref<32x10x8x128xi32, #tpu.memory_space<hbm>> -> memref<1x1x8x128xi32, #tpu.memory_space<hbm>>
        %dma_wait3A_143 = tpu.memref_squeeze %dma_wait3A_142 : memref<1x1x8x128xi32, #tpu.memory_space<hbm>> -> memref<8x128xi32, #tpu.memory_space<hbm>>
        %dma_wait3A_144 = arith.constant 0 : i32
        %dma_wait3A_145 = arith.constant 0 : i32
        %dma_wait3A_146 = tpu.memref_slice %arg3[%add3A, %scan3A_13, %dma_wait3A_144, %dma_wait3A_145] : memref<32x10x8x128xi32, #tpu.memory_space<hbm>> -> memref<1x1x8x128xi32, #tpu.memory_space<hbm>>
        %dma_wait3A_147 = tpu.memref_squeeze %dma_wait3A_146 : memref<1x1x8x128xi32, #tpu.memory_space<hbm>> -> memref<8x128xi32, #tpu.memory_space<hbm>>
        tpu.wait_dma2 semaphore(%run_scoped3A_131 : memref<!tpu.dma_semaphore, #tpu.memory_space<semaphore_mem>>) src(%dma_wait3A_147 : memref<8x128xi32, #tpu.memory_space<hbm>>) dst(%arg7 : memref<8x128xi32, #tpu.memory_space<vmem>>)
        tpu.yield
      }) : () -> ()
      "tpu.region"() ({
        %run_scoped3A_131 = tpu.sem_alloc : memref<!tpu.dma_semaphore, #tpu.memory_space<semaphore_mem>>
        %dma_start3A_132 = arith.constant 0 : i32
        %dma_start3A_133 = arith.constant 0 : i32
        %dma_start3A_134 = tpu.memref_slice %arg4[%add3A, %scan3A_13, %dma_start3A_132, %dma_start3A_133] : memref<32x10x8x128xi32, #tpu.memory_space<hbm>> -> memref<1x1x8x128xi32, #tpu.memory_space<hbm>>
        %dma_start3A_135 = tpu.memref_squeeze %dma_start3A_134 : memref<1x1x8x128xi32, #tpu.memory_space<hbm>> -> memref<8x128xi32, #tpu.memory_space<hbm>>
        %dma_start3A_136 = arith.constant 0 : i32
        %dma_start3A_137 = arith.constant 0 : i32
        %dma_start3A_138 = tpu.memref_slice %arg4[%add3A, %scan3A_13, %dma_start3A_136, %dma_start3A_137] : memref<32x10x8x128xi32, #tpu.memory_space<hbm>> -> memref<1x1x8x128xi32, #tpu.memory_space<hbm>>
        %dma_start3A_139 = tpu.memref_squeeze %dma_start3A_138 : memref<1x1x8x128xi32, #tpu.memory_space<hbm>> -> memref<8x128xi32, #tpu.memory_space<hbm>>
        tpu.enqueue_dma source(%dma_start3A_139 : memref<8x128xi32, #tpu.memory_space<hbm>>) target(%arg8 : memref<8x128xi32, #tpu.memory_space<vmem>>) target_semaphore(%run_scoped3A_131 : memref<!tpu.dma_semaphore, #tpu.memory_space<semaphore_mem>>)
        %dma_wait3A_140 = arith.constant 0 : i32
        %dma_wait3A_141 = arith.constant 0 : i32
        %dma_wait3A_142 = tpu.memref_slice %arg4[%add3A, %scan3A_13, %dma_wait3A_140, %dma_wait3A_141] : memref<32x10x8x128xi32, #tpu.memory_space<hbm>> -> memref<1x1x8x128xi32, #tpu.memory_space<hbm>>
        %dma_wait3A_143 = tpu.memref_squeeze %dma_wait3A_142 : memref<1x1x8x128xi32, #tpu.memory_space<hbm>> -> memref<8x128xi32, #tpu.memory_space<hbm>>
        %dma_wait3A_144 = arith.constant 0 : i32
        %dma_wait3A_145 = arith.constant 0 : i32
        %dma_wait3A_146 = tpu.memref_slice %arg4[%add3A, %scan3A_13, %dma_wait3A_144, %dma_wait3A_145] : memref<32x10x8x128xi32, #tpu.memory_space<hbm>> -> memref<1x1x8x128xi32, #tpu.memory_space<hbm>>
        %dma_wait3A_147 = tpu.memref_squeeze %dma_wait3A_146 : memref<1x1x8x128xi32, #tpu.memory_space<hbm>> -> memref<8x128xi32, #tpu.memory_space<hbm>>
        tpu.wait_dma2 semaphore(%run_scoped3A_131 : memref<!tpu.dma_semaphore, #tpu.memory_space<semaphore_mem>>) src(%dma_wait3A_147 : memref<8x128xi32, #tpu.memory_space<hbm>>) dst(%arg8 : memref<8x128xi32, #tpu.memory_space<vmem>>)
        tpu.yield
      }) : () -> ()
      %dma_start3A = arith.constant 0 : i32
      %dma_start3A_14 = arith.constant 0 : i32
      %dma_start3A_15 = tpu.memref_slice %arg7[%dma_start3A, %dma_start3A_14] : memref<8x128xi32, #tpu.memory_space<vmem>> -> memref<1x128xi32, #tpu.memory_space<vmem>>
      %dma_start3A_16 = tpu.memref_squeeze %dma_start3A_15 : memref<1x128xi32, #tpu.memory_space<vmem>> -> memref<128xi32, #tpu.memory_space<vmem>>
      %dma_start3A_17 = arith.constant 0 : i32
      %dma_start3A_18 = arith.constant 0 : i32
      %dma_start3A_19 = tpu.memref_slice %arg2[%dma_start3A_17, %dma_start3A_18] : memref<10240x128xf32, #tpu.memory_space<hbm>> -> memref<10240x128xf32, #tpu.memory_space<hbm>>
      tpu.enqueue_indirect_dma source(%dma_start3A_19 : memref<10240x128xf32, #tpu.memory_space<hbm>>) target(%arg9 : memref<128x128xf32, #tpu.memory_space<vmem>>) offsets(%dma_start3A_16 : memref<128xi32, #tpu.memory_space<vmem>>) semaphore(%arg12 : memref<!tpu.dma_semaphore, #tpu.memory_space<semaphore_mem>>)
      %dma_wait3A = arith.constant 0 : i32
      %dma_wait3A_20 = arith.constant 0 : i32
      %dma_wait3A_21 = tpu.memref_slice %arg7[%dma_wait3A, %dma_wait3A_20] : memref<8x128xi32, #tpu.memory_space<vmem>> -> memref<1x128xi32, #tpu.memory_space<vmem>>
      %dma_wait3A_22 = tpu.memref_squeeze %dma_wait3A_21 : memref<1x128xi32, #tpu.memory_space<vmem>> -> memref<128xi32, #tpu.memory_space<vmem>>
      %dma_wait3A_23 = arith.constant 0 : i32
      %dma_wait3A_24 = arith.constant 0 : i32
      %dma_wait3A_25 = tpu.memref_slice %arg2[%dma_wait3A_23, %dma_wait3A_24] : memref<10240x128xf32, #tpu.memory_space<hbm>> -> memref<10240x128xf32, #tpu.memory_space<hbm>>
      tpu.wait_indirect_dma semaphore(%arg12 : memref<!tpu.dma_semaphore, #tpu.memory_space<semaphore_mem>>) src(%dma_wait3A_25 : memref<10240x128xf32, #tpu.memory_space<hbm>>) dst(%arg9 : memref<128x128xf32, #tpu.memory_space<vmem>>)
      %dma_start3A_26 = arith.constant 1 : i32
      %dma_start3A_27 = arith.constant 0 : i32
      %dma_start3A_28 = tpu.memref_slice %arg7[%dma_start3A_26, %dma_start3A_27] : memref<8x128xi32, #tpu.memory_space<vmem>> -> memref<1x128xi32, #tpu.memory_space<vmem>>
      %dma_start3A_29 = tpu.memref_squeeze %dma_start3A_28 : memref<1x128xi32, #tpu.memory_space<vmem>> -> memref<128xi32, #tpu.memory_space<vmem>>
      %dma_start3A_30 = arith.constant 0 : i32
      %dma_start3A_31 = arith.constant 0 : i32
      %dma_start3A_32 = tpu.memref_slice %arg2[%dma_start3A_30, %dma_start3A_31] : memref<10240x128xf32, #tpu.memory_space<hbm>> -> memref<10240x128xf32, #tpu.memory_space<hbm>>
      tpu.enqueue_indirect_dma source(%dma_start3A_32 : memref<10240x128xf32, #tpu.memory_space<hbm>>) target(%arg10 : memref<128x128xf32, #tpu.memory_space<vmem>>) offsets(%dma_start3A_29 : memref<128xi32, #tpu.memory_space<vmem>>) semaphore(%arg13 : memref<!tpu.dma_semaphore, #tpu.memory_space<semaphore_mem>>)
      %run_scoped3A = arith.constant 0 : i32
      "tpu.region"() ({
        %run_scoped3A_131 = tpu.sem_alloc : memref<!tpu.dma_semaphore, #tpu.memory_space<semaphore_mem>>
        %dma_start3A_132 = arith.constant 0 : i32
        %dma_start3A_133 = tpu.memref_slice %arg8[%run_scoped3A, %dma_start3A_132] : memref<8x128xi32, #tpu.memory_space<vmem>> -> memref<1x128xi32, #tpu.memory_space<vmem>>
        %dma_start3A_134 = tpu.memref_squeeze %dma_start3A_133 : memref<1x128xi32, #tpu.memory_space<vmem>> -> memref<128xi32, #tpu.memory_space<vmem>>
        %dma_start3A_135 = arith.constant 0 : i32
        %dma_start3A_136 = arith.constant 0 : i32
        %dma_start3A_137 = tpu.memref_slice %arg11[%dma_start3A_135, %dma_start3A_136] : memref<10240x128xf32, #tpu.memory_space<vmem_shared>> -> memref<10240x128xf32, #tpu.memory_space<vmem_shared>>
        tpu.enqueue_indirect_dma source(%arg9 : memref<128x128xf32, #tpu.memory_space<vmem>>) target(%dma_start3A_137 : memref<10240x128xf32, #tpu.memory_space<vmem_shared>>) offsets(%dma_start3A_134 : memref<128xi32, #tpu.memory_space<vmem>>) semaphore(%run_scoped3A_131 : memref<!tpu.dma_semaphore, #tpu.memory_space<semaphore_mem>>) {add = true}
        %dma_wait3A_138 = arith.constant 0 : i32
        %dma_wait3A_139 = tpu.memref_slice %arg8[%run_scoped3A, %dma_wait3A_138] : memref<8x128xi32, #tpu.memory_space<vmem>> -> memref<1x128xi32, #tpu.memory_space<vmem>>
        %dma_wait3A_140 = tpu.memref_squeeze %dma_wait3A_139 : memref<1x128xi32, #tpu.memory_space<vmem>> -> memref<128xi32, #tpu.memory_space<vmem>>
        %dma_wait3A_141 = arith.constant 0 : i32
        %dma_wait3A_142 = arith.constant 0 : i32
        %dma_wait3A_143 = tpu.memref_slice %arg11[%dma_wait3A_141, %dma_wait3A_142] : memref<10240x128xf32, #tpu.memory_space<vmem_shared>> -> memref<10240x128xf32, #tpu.memory_space<vmem_shared>>
        tpu.wait_indirect_dma semaphore(%run_scoped3A_131 : memref<!tpu.dma_semaphore, #tpu.memory_space<semaphore_mem>>) src(%arg9 : memref<128x128xf32, #tpu.memory_space<vmem>>) dst(%dma_wait3A_143 : memref<10240x128xf32, #tpu.memory_space<vmem_shared>>)
        tpu.yield
      }) : () -> ()
      %dma_wait3A_33 = arith.constant 1 : i32
      %dma_wait3A_34 = arith.constant 0 : i32
      %dma_wait3A_35 = tpu.memref_slice %arg7[%dma_wait3A_33, %dma_wait3A_34] : memref<8x128xi32, #tpu.memory_space<vmem>> -> memref<1x128xi32, #tpu.memory_space<vmem>>
      %dma_wait3A_36 = tpu.memref_squeeze %dma_wait3A_35 : memref<1x128xi32, #tpu.memory_space<vmem>> -> memref<128xi32, #tpu.memory_space<vmem>>
      %dma_wait3A_37 = arith.constant 0 : i32
      %dma_wait3A_38 = arith.constant 0 : i32
      %dma_wait3A_39 = tpu.memref_slice %arg2[%dma_wait3A_37, %dma_wait3A_38] : memref<10240x128xf32, #tpu.memory_space<hbm>> -> memref<10240x128xf32, #tpu.memory_space<hbm>>
      tpu.wait_indirect_dma semaphore(%arg13 : memref<!tpu.dma_semaphore, #tpu.memory_space<semaphore_mem>>) src(%dma_wait3A_39 : memref<10240x128xf32, #tpu.memory_space<hbm>>) dst(%arg10 : memref<128x128xf32, #tpu.memory_space<vmem>>)
      %dma_start3A_40 = arith.constant 2 : i32
      %dma_start3A_41 = arith.constant 0 : i32
      %dma_start3A_42 = tpu.memref_slice %arg7[%dma_start3A_40, %dma_start3A_41] : memref<8x128xi32, #tpu.memory_space<vmem>> -> memref<1x128xi32, #tpu.memory_space<vmem>>
      %dma_start3A_43 = tpu.memref_squeeze %dma_start3A_42 : memref<1x128xi32, #tpu.memory_space<vmem>> -> memref<128xi32, #tpu.memory_space<vmem>>
      %dma_start3A_44 = arith.constant 0 : i32
      %dma_start3A_45 = arith.constant 0 : i32
      %dma_start3A_46 = tpu.memref_slice %arg2[%dma_start3A_44, %dma_start3A_45] : memref<10240x128xf32, #tpu.memory_space<hbm>> -> memref<10240x128xf32, #tpu.memory_space<hbm>>
      tpu.enqueue_indirect_dma source(%dma_start3A_46 : memref<10240x128xf32, #tpu.memory_space<hbm>>) target(%arg9 : memref<128x128xf32, #tpu.memory_space<vmem>>) offsets(%dma_start3A_43 : memref<128xi32, #tpu.memory_space<vmem>>) semaphore(%arg12 : memref<!tpu.dma_semaphore, #tpu.memory_space<semaphore_mem>>)
      %run_scoped3A_47 = arith.constant 1 : i32
      "tpu.region"() ({
        %run_scoped3A_131 = tpu.sem_alloc : memref<!tpu.dma_semaphore, #tpu.memory_space<semaphore_mem>>
        %dma_start3A_132 = arith.constant 0 : i32
        %dma_start3A_133 = tpu.memref_slice %arg8[%run_scoped3A_47, %dma_start3A_132] : memref<8x128xi32, #tpu.memory_space<vmem>> -> memref<1x128xi32, #tpu.memory_space<vmem>>
        %dma_start3A_134 = tpu.memref_squeeze %dma_start3A_133 : memref<1x128xi32, #tpu.memory_space<vmem>> -> memref<128xi32, #tpu.memory_space<vmem>>
        %dma_start3A_135 = arith.constant 0 : i32
        %dma_start3A_136 = arith.constant 0 : i32
        %dma_start3A_137 = tpu.memref_slice %arg11[%dma_start3A_135, %dma_start3A_136] : memref<10240x128xf32, #tpu.memory_space<vmem_shared>> -> memref<10240x128xf32, #tpu.memory_space<vmem_shared>>
        tpu.enqueue_indirect_dma source(%arg10 : memref<128x128xf32, #tpu.memory_space<vmem>>) target(%dma_start3A_137 : memref<10240x128xf32, #tpu.memory_space<vmem_shared>>) offsets(%dma_start3A_134 : memref<128xi32, #tpu.memory_space<vmem>>) semaphore(%run_scoped3A_131 : memref<!tpu.dma_semaphore, #tpu.memory_space<semaphore_mem>>) {add = true}
        %dma_wait3A_138 = arith.constant 0 : i32
        %dma_wait3A_139 = tpu.memref_slice %arg8[%run_scoped3A_47, %dma_wait3A_138] : memref<8x128xi32, #tpu.memory_space<vmem>> -> memref<1x128xi32, #tpu.memory_space<vmem>>
        %dma_wait3A_140 = tpu.memref_squeeze %dma_wait3A_139 : memref<1x128xi32, #tpu.memory_space<vmem>> -> memref<128xi32, #tpu.memory_space<vmem>>
        %dma_wait3A_141 = arith.constant 0 : i32
        %dma_wait3A_142 = arith.constant 0 : i32
        %dma_wait3A_143 = tpu.memref_slice %arg11[%dma_wait3A_141, %dma_wait3A_142] : memref<10240x128xf32, #tpu.memory_space<vmem_shared>> -> memref<10240x128xf32, #tpu.memory_space<vmem_shared>>
        tpu.wait_indirect_dma semaphore(%run_scoped3A_131 : memref<!tpu.dma_semaphore, #tpu.memory_space<semaphore_mem>>) src(%arg10 : memref<128x128xf32, #tpu.memory_space<vmem>>) dst(%dma_wait3A_143 : memref<10240x128xf32, #tpu.memory_space<vmem_shared>>)
        tpu.yield
      }) : () -> ()
      %dma_wait3A_48 = arith.constant 2 : i32
      %dma_wait3A_49 = arith.constant 0 : i32
      %dma_wait3A_50 = tpu.memref_slice %arg7[%dma_wait3A_48, %dma_wait3A_49] : memref<8x128xi32, #tpu.memory_space<vmem>> -> memref<1x128xi32, #tpu.memory_space<vmem>>
      %dma_wait3A_51 = tpu.memref_squeeze %dma_wait3A_50 : memref<1x128xi32, #tpu.memory_space<vmem>> -> memref<128xi32, #tpu.memory_space<vmem>>
      %dma_wait3A_52 = arith.constant 0 : i32
      %dma_wait3A_53 = arith.constant 0 : i32
      %dma_wait3A_54 = tpu.memref_slice %arg2[%dma_wait3A_52, %dma_wait3A_53] : memref<10240x128xf32, #tpu.memory_space<hbm>> -> memref<10240x128xf32, #tpu.memory_space<hbm>>
      tpu.wait_indirect_dma semaphore(%arg12 : memref<!tpu.dma_semaphore, #tpu.memory_space<semaphore_mem>>) src(%dma_wait3A_54 : memref<10240x128xf32, #tpu.memory_space<hbm>>) dst(%arg9 : memref<128x128xf32, #tpu.memory_space<vmem>>)
      %dma_start3A_55 = arith.constant 3 : i32
      %dma_start3A_56 = arith.constant 0 : i32
      %dma_start3A_57 = tpu.memref_slice %arg7[%dma_start3A_55, %dma_start3A_56] : memref<8x128xi32, #tpu.memory_space<vmem>> -> memref<1x128xi32, #tpu.memory_space<vmem>>
      %dma_start3A_58 = tpu.memref_squeeze %dma_start3A_57 : memref<1x128xi32, #tpu.memory_space<vmem>> -> memref<128xi32, #tpu.memory_space<vmem>>
      %dma_start3A_59 = arith.constant 0 : i32
      %dma_start3A_60 = arith.constant 0 : i32
      %dma_start3A_61 = tpu.memref_slice %arg2[%dma_start3A_59, %dma_start3A_60] : memref<10240x128xf32, #tpu.memory_space<hbm>> -> memref<10240x128xf32, #tpu.memory_space<hbm>>
      tpu.enqueue_indirect_dma source(%dma_start3A_61 : memref<10240x128xf32, #tpu.memory_space<hbm>>) target(%arg10 : memref<128x128xf32, #tpu.memory_space<vmem>>) offsets(%dma_start3A_58 : memref<128xi32, #tpu.memory_space<vmem>>) semaphore(%arg13 : memref<!tpu.dma_semaphore, #tpu.memory_space<semaphore_mem>>)
      %run_scoped3A_62 = arith.constant 2 : i32
      "tpu.region"() ({
        %run_scoped3A_131 = tpu.sem_alloc : memref<!tpu.dma_semaphore, #tpu.memory_space<semaphore_mem>>
        %dma_start3A_132 = arith.constant 0 : i32
        %dma_start3A_133 = tpu.memref_slice %arg8[%run_scoped3A_62, %dma_start3A_132] : memref<8x128xi32, #tpu.memory_space<vmem>> -> memref<1x128xi32, #tpu.memory_space<vmem>>
        %dma_start3A_134 = tpu.memref_squeeze %dma_start3A_133 : memref<1x128xi32, #tpu.memory_space<vmem>> -> memref<128xi32, #tpu.memory_space<vmem>>
        %dma_start3A_135 = arith.constant 0 : i32
        %dma_start3A_136 = arith.constant 0 : i32
        %dma_start3A_137 = tpu.memref_slice %arg11[%dma_start3A_135, %dma_start3A_136] : memref<10240x128xf32, #tpu.memory_space<vmem_shared>> -> memref<10240x128xf32, #tpu.memory_space<vmem_shared>>
        tpu.enqueue_indirect_dma source(%arg9 : memref<128x128xf32, #tpu.memory_space<vmem>>) target(%dma_start3A_137 : memref<10240x128xf32, #tpu.memory_space<vmem_shared>>) offsets(%dma_start3A_134 : memref<128xi32, #tpu.memory_space<vmem>>) semaphore(%run_scoped3A_131 : memref<!tpu.dma_semaphore, #tpu.memory_space<semaphore_mem>>) {add = true}
        %dma_wait3A_138 = arith.constant 0 : i32
        %dma_wait3A_139 = tpu.memref_slice %arg8[%run_scoped3A_62, %dma_wait3A_138] : memref<8x128xi32, #tpu.memory_space<vmem>> -> memref<1x128xi32, #tpu.memory_space<vmem>>
        %dma_wait3A_140 = tpu.memref_squeeze %dma_wait3A_139 : memref<1x128xi32, #tpu.memory_space<vmem>> -> memref<128xi32, #tpu.memory_space<vmem>>
        %dma_wait3A_141 = arith.constant 0 : i32
        %dma_wait3A_142 = arith.constant 0 : i32
        %dma_wait3A_143 = tpu.memref_slice %arg11[%dma_wait3A_141, %dma_wait3A_142] : memref<10240x128xf32, #tpu.memory_space<vmem_shared>> -> memref<10240x128xf32, #tpu.memory_space<vmem_shared>>
        tpu.wait_indirect_dma semaphore(%run_scoped3A_131 : memref<!tpu.dma_semaphore, #tpu.memory_space<semaphore_mem>>) src(%arg9 : memref<128x128xf32, #tpu.memory_space<vmem>>) dst(%dma_wait3A_143 : memref<10240x128xf32, #tpu.memory_space<vmem_shared>>)
        tpu.yield
      }) : () -> ()
      %dma_wait3A_63 = arith.constant 3 : i32
      %dma_wait3A_64 = arith.constant 0 : i32
      %dma_wait3A_65 = tpu.memref_slice %arg7[%dma_wait3A_63, %dma_wait3A_64] : memref<8x128xi32, #tpu.memory_space<vmem>> -> memref<1x128xi32, #tpu.memory_space<vmem>>
      %dma_wait3A_66 = tpu.memref_squeeze %dma_wait3A_65 : memref<1x128xi32, #tpu.memory_space<vmem>> -> memref<128xi32, #tpu.memory_space<vmem>>
      %dma_wait3A_67 = arith.constant 0 : i32
      %dma_wait3A_68 = arith.constant 0 : i32
      %dma_wait3A_69 = tpu.memref_slice %arg2[%dma_wait3A_67, %dma_wait3A_68] : memref<10240x128xf32, #tpu.memory_space<hbm>> -> memref<10240x128xf32, #tpu.memory_space<hbm>>
      tpu.wait_indirect_dma semaphore(%arg13 : memref<!tpu.dma_semaphore, #tpu.memory_space<semaphore_mem>>) src(%dma_wait3A_69 : memref<10240x128xf32, #tpu.memory_space<hbm>>) dst(%arg10 : memref<128x128xf32, #tpu.memory_space<vmem>>)
      %dma_start3A_70 = arith.constant 4 : i32
      %dma_start3A_71 = arith.constant 0 : i32
      %dma_start3A_72 = tpu.memref_slice %arg7[%dma_start3A_70, %dma_start3A_71] : memref<8x128xi32, #tpu.memory_space<vmem>> -> memref<1x128xi32, #tpu.memory_space<vmem>>
      %dma_start3A_73 = tpu.memref_squeeze %dma_start3A_72 : memref<1x128xi32, #tpu.memory_space<vmem>> -> memref<128xi32, #tpu.memory_space<vmem>>
      %dma_start3A_74 = arith.constant 0 : i32
      %dma_start3A_75 = arith.constant 0 : i32
      %dma_start3A_76 = tpu.memref_slice %arg2[%dma_start3A_74, %dma_start3A_75] : memref<10240x128xf32, #tpu.memory_space<hbm>> -> memref<10240x128xf32, #tpu.memory_space<hbm>>
      tpu.enqueue_indirect_dma source(%dma_start3A_76 : memref<10240x128xf32, #tpu.memory_space<hbm>>) target(%arg9 : memref<128x128xf32, #tpu.memory_space<vmem>>) offsets(%dma_start3A_73 : memref<128xi32, #tpu.memory_space<vmem>>) semaphore(%arg12 : memref<!tpu.dma_semaphore, #tpu.memory_space<semaphore_mem>>)
      %run_scoped3A_77 = arith.constant 3 : i32
      "tpu.region"() ({
        %run_scoped3A_131 = tpu.sem_alloc : memref<!tpu.dma_semaphore, #tpu.memory_space<semaphore_mem>>
        %dma_start3A_132 = arith.constant 0 : i32
        %dma_start3A_133 = tpu.memref_slice %arg8[%run_scoped3A_77, %dma_start3A_132] : memref<8x128xi32, #tpu.memory_space<vmem>> -> memref<1x128xi32, #tpu.memory_space<vmem>>
        %dma_start3A_134 = tpu.memref_squeeze %dma_start3A_133 : memref<1x128xi32, #tpu.memory_space<vmem>> -> memref<128xi32, #tpu.memory_space<vmem>>
        %dma_start3A_135 = arith.constant 0 : i32
        %dma_start3A_136 = arith.constant 0 : i32
        %dma_start3A_137 = tpu.memref_slice %arg11[%dma_start3A_135, %dma_start3A_136] : memref<10240x128xf32, #tpu.memory_space<vmem_shared>> -> memref<10240x128xf32, #tpu.memory_space<vmem_shared>>
        tpu.enqueue_indirect_dma source(%arg10 : memref<128x128xf32, #tpu.memory_space<vmem>>) target(%dma_start3A_137 : memref<10240x128xf32, #tpu.memory_space<vmem_shared>>) offsets(%dma_start3A_134 : memref<128xi32, #tpu.memory_space<vmem>>) semaphore(%run_scoped3A_131 : memref<!tpu.dma_semaphore, #tpu.memory_space<semaphore_mem>>) {add = true}
        %dma_wait3A_138 = arith.constant 0 : i32
        %dma_wait3A_139 = tpu.memref_slice %arg8[%run_scoped3A_77, %dma_wait3A_138] : memref<8x128xi32, #tpu.memory_space<vmem>> -> memref<1x128xi32, #tpu.memory_space<vmem>>
        %dma_wait3A_140 = tpu.memref_squeeze %dma_wait3A_139 : memref<1x128xi32, #tpu.memory_space<vmem>> -> memref<128xi32, #tpu.memory_space<vmem>>
        %dma_wait3A_141 = arith.constant 0 : i32
        %dma_wait3A_142 = arith.constant 0 : i32
        %dma_wait3A_143 = tpu.memref_slice %arg11[%dma_wait3A_141, %dma_wait3A_142] : memref<10240x128xf32, #tpu.memory_space<vmem_shared>> -> memref<10240x128xf32, #tpu.memory_space<vmem_shared>>
        tpu.wait_indirect_dma semaphore(%run_scoped3A_131 : memref<!tpu.dma_semaphore, #tpu.memory_space<semaphore_mem>>) src(%arg10 : memref<128x128xf32, #tpu.memory_space<vmem>>) dst(%dma_wait3A_143 : memref<10240x128xf32, #tpu.memory_space<vmem_shared>>)
        tpu.yield
      }) : () -> ()
      %dma_wait3A_78 = arith.constant 4 : i32
      %dma_wait3A_79 = arith.constant 0 : i32
      %dma_wait3A_80 = tpu.memref_slice %arg7[%dma_wait3A_78, %dma_wait3A_79] : memref<8x128xi32, #tpu.memory_space<vmem>> -> memref<1x128xi32, #tpu.memory_space<vmem>>
      %dma_wait3A_81 = tpu.memref_squeeze %dma_wait3A_80 : memref<1x128xi32, #tpu.memory_space<vmem>> -> memref<128xi32, #tpu.memory_space<vmem>>
      %dma_wait3A_82 = arith.constant 0 : i32
      %dma_wait3A_83 = arith.constant 0 : i32
      %dma_wait3A_84 = tpu.memref_slice %arg2[%dma_wait3A_82, %dma_wait3A_83] : memref<10240x128xf32, #tpu.memory_space<hbm>> -> memref<10240x128xf32, #tpu.memory_space<hbm>>
      tpu.wait_indirect_dma semaphore(%arg12 : memref<!tpu.dma_semaphore, #tpu.memory_space<semaphore_mem>>) src(%dma_wait3A_84 : memref<10240x128xf32, #tpu.memory_space<hbm>>) dst(%arg9 : memref<128x128xf32, #tpu.memory_space<vmem>>)
      %dma_start3A_85 = arith.constant 5 : i32
      %dma_start3A_86 = arith.constant 0 : i32
      %dma_start3A_87 = tpu.memref_slice %arg7[%dma_start3A_85, %dma_start3A_86] : memref<8x128xi32, #tpu.memory_space<vmem>> -> memref<1x128xi32, #tpu.memory_space<vmem>>
      %dma_start3A_88 = tpu.memref_squeeze %dma_start3A_87 : memref<1x128xi32, #tpu.memory_space<vmem>> -> memref<128xi32, #tpu.memory_space<vmem>>
      %dma_start3A_89 = arith.constant 0 : i32
      %dma_start3A_90 = arith.constant 0 : i32
      %dma_start3A_91 = tpu.memref_slice %arg2[%dma_start3A_89, %dma_start3A_90] : memref<10240x128xf32, #tpu.memory_space<hbm>> -> memref<10240x128xf32, #tpu.memory_space<hbm>>
      tpu.enqueue_indirect_dma source(%dma_start3A_91 : memref<10240x128xf32, #tpu.memory_space<hbm>>) target(%arg10 : memref<128x128xf32, #tpu.memory_space<vmem>>) offsets(%dma_start3A_88 : memref<128xi32, #tpu.memory_space<vmem>>) semaphore(%arg13 : memref<!tpu.dma_semaphore, #tpu.memory_space<semaphore_mem>>)
      %run_scoped3A_92 = arith.constant 4 : i32
      "tpu.region"() ({
        %run_scoped3A_131 = tpu.sem_alloc : memref<!tpu.dma_semaphore, #tpu.memory_space<semaphore_mem>>
        %dma_start3A_132 = arith.constant 0 : i32
        %dma_start3A_133 = tpu.memref_slice %arg8[%run_scoped3A_92, %dma_start3A_132] : memref<8x128xi32, #tpu.memory_space<vmem>> -> memref<1x128xi32, #tpu.memory_space<vmem>>
        %dma_start3A_134 = tpu.memref_squeeze %dma_start3A_133 : memref<1x128xi32, #tpu.memory_space<vmem>> -> memref<128xi32, #tpu.memory_space<vmem>>
        %dma_start3A_135 = arith.constant 0 : i32
        %dma_start3A_136 = arith.constant 0 : i32
        %dma_start3A_137 = tpu.memref_slice %arg11[%dma_start3A_135, %dma_start3A_136] : memref<10240x128xf32, #tpu.memory_space<vmem_shared>> -> memref<10240x128xf32, #tpu.memory_space<vmem_shared>>
        tpu.enqueue_indirect_dma source(%arg9 : memref<128x128xf32, #tpu.memory_space<vmem>>) target(%dma_start3A_137 : memref<10240x128xf32, #tpu.memory_space<vmem_shared>>) offsets(%dma_start3A_134 : memref<128xi32, #tpu.memory_space<vmem>>) semaphore(%run_scoped3A_131 : memref<!tpu.dma_semaphore, #tpu.memory_space<semaphore_mem>>) {add = true}
        %dma_wait3A_138 = arith.constant 0 : i32
        %dma_wait3A_139 = tpu.memref_slice %arg8[%run_scoped3A_92, %dma_wait3A_138] : memref<8x128xi32, #tpu.memory_space<vmem>> -> memref<1x128xi32, #tpu.memory_space<vmem>>
        %dma_wait3A_140 = tpu.memref_squeeze %dma_wait3A_139 : memref<1x128xi32, #tpu.memory_space<vmem>> -> memref<128xi32, #tpu.memory_space<vmem>>
        %dma_wait3A_141 = arith.constant 0 : i32
        %dma_wait3A_142 = arith.constant 0 : i32
        %dma_wait3A_143 = tpu.memref_slice %arg11[%dma_wait3A_141, %dma_wait3A_142] : memref<10240x128xf32, #tpu.memory_space<vmem_shared>> -> memref<10240x128xf32, #tpu.memory_space<vmem_shared>>
        tpu.wait_indirect_dma semaphore(%run_scoped3A_131 : memref<!tpu.dma_semaphore, #tpu.memory_space<semaphore_mem>>) src(%arg9 : memref<128x128xf32, #tpu.memory_space<vmem>>) dst(%dma_wait3A_143 : memref<10240x128xf32, #tpu.memory_space<vmem_shared>>)
        tpu.yield
      }) : () -> ()
      %dma_wait3A_93 = arith.constant 5 : i32
      %dma_wait3A_94 = arith.constant 0 : i32
      %dma_wait3A_95 = tpu.memref_slice %arg7[%dma_wait3A_93, %dma_wait3A_94] : memref<8x128xi32, #tpu.memory_space<vmem>> -> memref<1x128xi32, #tpu.memory_space<vmem>>
      %dma_wait3A_96 = tpu.memref_squeeze %dma_wait3A_95 : memref<1x128xi32, #tpu.memory_space<vmem>> -> memref<128xi32, #tpu.memory_space<vmem>>
      %dma_wait3A_97 = arith.constant 0 : i32
      %dma_wait3A_98 = arith.constant 0 : i32
      %dma_wait3A_99 = tpu.memref_slice %arg2[%dma_wait3A_97, %dma_wait3A_98] : memref<10240x128xf32, #tpu.memory_space<hbm>> -> memref<10240x128xf32, #tpu.memory_space<hbm>>
      tpu.wait_indirect_dma semaphore(%arg13 : memref<!tpu.dma_semaphore, #tpu.memory_space<semaphore_mem>>) src(%dma_wait3A_99 : memref<10240x128xf32, #tpu.memory_space<hbm>>) dst(%arg10 : memref<128x128xf32, #tpu.memory_space<vmem>>)
      %dma_start3A_100 = arith.constant 6 : i32
      %dma_start3A_101 = arith.constant 0 : i32
      %dma_start3A_102 = tpu.memref_slice %arg7[%dma_start3A_100, %dma_start3A_101] : memref<8x128xi32, #tpu.memory_space<vmem>> -> memref<1x128xi32, #tpu.memory_space<vmem>>
      %dma_start3A_103 = tpu.memref_squeeze %dma_start3A_102 : memref<1x128xi32, #tpu.memory_space<vmem>> -> memref<128xi32, #tpu.memory_space<vmem>>
      %dma_start3A_104 = arith.constant 0 : i32
      %dma_start3A_105 = arith.constant 0 : i32
      %dma_start3A_106 = tpu.memref_slice %arg2[%dma_start3A_104, %dma_start3A_105] : memref<10240x128xf32, #tpu.memory_space<hbm>> -> memref<10240x128xf32, #tpu.memory_space<hbm>>
      tpu.enqueue_indirect_dma source(%dma_start3A_106 : memref<10240x128xf32, #tpu.memory_space<hbm>>) target(%arg9 : memref<128x128xf32, #tpu.memory_space<vmem>>) offsets(%dma_start3A_103 : memref<128xi32, #tpu.memory_space<vmem>>) semaphore(%arg12 : memref<!tpu.dma_semaphore, #tpu.memory_space<semaphore_mem>>)
      %run_scoped3A_107 = arith.constant 5 : i32
      "tpu.region"() ({
        %run_scoped3A_131 = tpu.sem_alloc : memref<!tpu.dma_semaphore, #tpu.memory_space<semaphore_mem>>
        %dma_start3A_132 = arith.constant 0 : i32
        %dma_start3A_133 = tpu.memref_slice %arg8[%run_scoped3A_107, %dma_start3A_132] : memref<8x128xi32, #tpu.memory_space<vmem>> -> memref<1x128xi32, #tpu.memory_space<vmem>>
        %dma_start3A_134 = tpu.memref_squeeze %dma_start3A_133 : memref<1x128xi32, #tpu.memory_space<vmem>> -> memref<128xi32, #tpu.memory_space<vmem>>
        %dma_start3A_135 = arith.constant 0 : i32
        %dma_start3A_136 = arith.constant 0 : i32
        %dma_start3A_137 = tpu.memref_slice %arg11[%dma_start3A_135, %dma_start3A_136] : memref<10240x128xf32, #tpu.memory_space<vmem_shared>> -> memref<10240x128xf32, #tpu.memory_space<vmem_shared>>
        tpu.enqueue_indirect_dma source(%arg10 : memref<128x128xf32, #tpu.memory_space<vmem>>) target(%dma_start3A_137 : memref<10240x128xf32, #tpu.memory_space<vmem_shared>>) offsets(%dma_start3A_134 : memref<128xi32, #tpu.memory_space<vmem>>) semaphore(%run_scoped3A_131 : memref<!tpu.dma_semaphore, #tpu.memory_space<semaphore_mem>>) {add = true}
        %dma_wait3A_138 = arith.constant 0 : i32
        %dma_wait3A_139 = tpu.memref_slice %arg8[%run_scoped3A_107, %dma_wait3A_138] : memref<8x128xi32, #tpu.memory_space<vmem>> -> memref<1x128xi32, #tpu.memory_space<vmem>>
        %dma_wait3A_140 = tpu.memref_squeeze %dma_wait3A_139 : memref<1x128xi32, #tpu.memory_space<vmem>> -> memref<128xi32, #tpu.memory_space<vmem>>
        %dma_wait3A_141 = arith.constant 0 : i32
        %dma_wait3A_142 = arith.constant 0 : i32
        %dma_wait3A_143 = tpu.memref_slice %arg11[%dma_wait3A_141, %dma_wait3A_142] : memref<10240x128xf32, #tpu.memory_space<vmem_shared>> -> memref<10240x128xf32, #tpu.memory_space<vmem_shared>>
        tpu.wait_indirect_dma semaphore(%run_scoped3A_131 : memref<!tpu.dma_semaphore, #tpu.memory_space<semaphore_mem>>) src(%arg10 : memref<128x128xf32, #tpu.memory_space<vmem>>) dst(%dma_wait3A_143 : memref<10240x128xf32, #tpu.memory_space<vmem_shared>>)
        tpu.yield
      }) : () -> ()
      %dma_wait3A_108 = arith.constant 6 : i32
      %dma_wait3A_109 = arith.constant 0 : i32
      %dma_wait3A_110 = tpu.memref_slice %arg7[%dma_wait3A_108, %dma_wait3A_109] : memref<8x128xi32, #tpu.memory_space<vmem>> -> memref<1x128xi32, #tpu.memory_space<vmem>>
      %dma_wait3A_111 = tpu.memref_squeeze %dma_wait3A_110 : memref<1x128xi32, #tpu.memory_space<vmem>> -> memref<128xi32, #tpu.memory_space<vmem>>
      %dma_wait3A_112 = arith.constant 0 : i32
      %dma_wait3A_113 = arith.constant 0 : i32
      %dma_wait3A_114 = tpu.memref_slice %arg2[%dma_wait3A_112, %dma_wait3A_113] : memref<10240x128xf32, #tpu.memory_space<hbm>> -> memref<10240x128xf32, #tpu.memory_space<hbm>>
      tpu.wait_indirect_dma semaphore(%arg12 : memref<!tpu.dma_semaphore, #tpu.memory_space<semaphore_mem>>) src(%dma_wait3A_114 : memref<10240x128xf32, #tpu.memory_space<hbm>>) dst(%arg9 : memref<128x128xf32, #tpu.memory_space<vmem>>)
      %dma_start3A_115 = arith.constant 7 : i32
      %dma_start3A_116 = arith.constant 0 : i32
      %dma_start3A_117 = tpu.memref_slice %arg7[%dma_start3A_115, %dma_start3A_116] : memref<8x128xi32, #tpu.memory_space<vmem>> -> memref<1x128xi32, #tpu.memory_space<vmem>>
      %dma_start3A_118 = tpu.memref_squeeze %dma_start3A_117 : memref<1x128xi32, #tpu.memory_space<vmem>> -> memref<128xi32, #tpu.memory_space<vmem>>
      %dma_start3A_119 = arith.constant 0 : i32
      %dma_start3A_120 = arith.constant 0 : i32
      %dma_start3A_121 = tpu.memref_slice %arg2[%dma_start3A_119, %dma_start3A_120] : memref<10240x128xf32, #tpu.memory_space<hbm>> -> memref<10240x128xf32, #tpu.memory_space<hbm>>
      tpu.enqueue_indirect_dma source(%dma_start3A_121 : memref<10240x128xf32, #tpu.memory_space<hbm>>) target(%arg10 : memref<128x128xf32, #tpu.memory_space<vmem>>) offsets(%dma_start3A_118 : memref<128xi32, #tpu.memory_space<vmem>>) semaphore(%arg13 : memref<!tpu.dma_semaphore, #tpu.memory_space<semaphore_mem>>)
      %run_scoped3A_122 = arith.constant 6 : i32
      "tpu.region"() ({
        %run_scoped3A_131 = tpu.sem_alloc : memref<!tpu.dma_semaphore, #tpu.memory_space<semaphore_mem>>
        %dma_start3A_132 = arith.constant 0 : i32
        %dma_start3A_133 = tpu.memref_slice %arg8[%run_scoped3A_122, %dma_start3A_132] : memref<8x128xi32, #tpu.memory_space<vmem>> -> memref<1x128xi32, #tpu.memory_space<vmem>>
        %dma_start3A_134 = tpu.memref_squeeze %dma_start3A_133 : memref<1x128xi32, #tpu.memory_space<vmem>> -> memref<128xi32, #tpu.memory_space<vmem>>
        %dma_start3A_135 = arith.constant 0 : i32
        %dma_start3A_136 = arith.constant 0 : i32
        %dma_start3A_137 = tpu.memref_slice %arg11[%dma_start3A_135, %dma_start3A_136] : memref<10240x128xf32, #tpu.memory_space<vmem_shared>> -> memref<10240x128xf32, #tpu.memory_space<vmem_shared>>
        tpu.enqueue_indirect_dma source(%arg9 : memref<128x128xf32, #tpu.memory_space<vmem>>) target(%dma_start3A_137 : memref<10240x128xf32, #tpu.memory_space<vmem_shared>>) offsets(%dma_start3A_134 : memref<128xi32, #tpu.memory_space<vmem>>) semaphore(%run_scoped3A_131 : memref<!tpu.dma_semaphore, #tpu.memory_space<semaphore_mem>>) {add = true}
        %dma_wait3A_138 = arith.constant 0 : i32
        %dma_wait3A_139 = tpu.memref_slice %arg8[%run_scoped3A_122, %dma_wait3A_138] : memref<8x128xi32, #tpu.memory_space<vmem>> -> memref<1x128xi32, #tpu.memory_space<vmem>>
        %dma_wait3A_140 = tpu.memref_squeeze %dma_wait3A_139 : memref<1x128xi32, #tpu.memory_space<vmem>> -> memref<128xi32, #tpu.memory_space<vmem>>
        %dma_wait3A_141 = arith.constant 0 : i32
        %dma_wait3A_142 = arith.constant 0 : i32
        %dma_wait3A_143 = tpu.memref_slice %arg11[%dma_wait3A_141, %dma_wait3A_142] : memref<10240x128xf32, #tpu.memory_space<vmem_shared>> -> memref<10240x128xf32, #tpu.memory_space<vmem_shared>>
        tpu.wait_indirect_dma semaphore(%run_scoped3A_131 : memref<!tpu.dma_semaphore, #tpu.memory_space<semaphore_mem>>) src(%arg9 : memref<128x128xf32, #tpu.memory_space<vmem>>) dst(%dma_wait3A_143 : memref<10240x128xf32, #tpu.memory_space<vmem_shared>>)
        tpu.yield
      }) : () -> ()
      %dma_wait3A_123 = arith.constant 7 : i32
      %dma_wait3A_124 = arith.constant 0 : i32
      %dma_wait3A_125 = tpu.memref_slice %arg7[%dma_wait3A_123, %dma_wait3A_124] : memref<8x128xi32, #tpu.memory_space<vmem>> -> memref<1x128xi32, #tpu.memory_space<vmem>>
      %dma_wait3A_126 = tpu.memref_squeeze %dma_wait3A_125 : memref<1x128xi32, #tpu.memory_space<vmem>> -> memref<128xi32, #tpu.memory_space<vmem>>
      %dma_wait3A_127 = arith.constant 0 : i32
      %dma_wait3A_128 = arith.constant 0 : i32
      %dma_wait3A_129 = tpu.memref_slice %arg2[%dma_wait3A_127, %dma_wait3A_128] : memref<10240x128xf32, #tpu.memory_space<hbm>> -> memref<10240x128xf32, #tpu.memory_space<hbm>>
      tpu.wait_indirect_dma semaphore(%arg13 : memref<!tpu.dma_semaphore, #tpu.memory_space<semaphore_mem>>) src(%dma_wait3A_129 : memref<10240x128xf32, #tpu.memory_space<hbm>>) dst(%arg10 : memref<128x128xf32, #tpu.memory_space<vmem>>)
      %run_scoped3A_130 = arith.constant 7 : i32
      "tpu.region"() ({
        %run_scoped3A_131 = tpu.sem_alloc : memref<!tpu.dma_semaphore, #tpu.memory_space<semaphore_mem>>
        %dma_start3A_132 = arith.constant 0 : i32
        %dma_start3A_133 = tpu.memref_slice %arg8[%run_scoped3A_130, %dma_start3A_132] : memref<8x128xi32, #tpu.memory_space<vmem>> -> memref<1x128xi32, #tpu.memory_space<vmem>>
        %dma_start3A_134 = tpu.memref_squeeze %dma_start3A_133 : memref<1x128xi32, #tpu.memory_space<vmem>> -> memref<128xi32, #tpu.memory_space<vmem>>
        %dma_start3A_135 = arith.constant 0 : i32
        %dma_start3A_136 = arith.constant 0 : i32
        %dma_start3A_137 = tpu.memref_slice %arg11[%dma_start3A_135, %dma_start3A_136] : memref<10240x128xf32, #tpu.memory_space<vmem_shared>> -> memref<10240x128xf32, #tpu.memory_space<vmem_shared>>
        tpu.enqueue_indirect_dma source(%arg10 : memref<128x128xf32, #tpu.memory_space<vmem>>) target(%dma_start3A_137 : memref<10240x128xf32, #tpu.memory_space<vmem_shared>>) offsets(%dma_start3A_134 : memref<128xi32, #tpu.memory_space<vmem>>) semaphore(%run_scoped3A_131 : memref<!tpu.dma_semaphore, #tpu.memory_space<semaphore_mem>>) {add = true}
        %dma_wait3A_138 = arith.constant 0 : i32
        %dma_wait3A_139 = tpu.memref_slice %arg8[%run_scoped3A_130, %dma_wait3A_138] : memref<8x128xi32, #tpu.memory_space<vmem>> -> memref<1x128xi32, #tpu.memory_space<vmem>>
        %dma_wait3A_140 = tpu.memref_squeeze %dma_wait3A_139 : memref<1x128xi32, #tpu.memory_space<vmem>> -> memref<128xi32, #tpu.memory_space<vmem>>
        %dma_wait3A_141 = arith.constant 0 : i32
        %dma_wait3A_142 = arith.constant 0 : i32
        %dma_wait3A_143 = tpu.memref_slice %arg11[%dma_wait3A_141, %dma_wait3A_142] : memref<10240x128xf32, #tpu.memory_space<vmem_shared>> -> memref<10240x128xf32, #tpu.memory_space<vmem_shared>>
        tpu.wait_indirect_dma semaphore(%run_scoped3A_131 : memref<!tpu.dma_semaphore, #tpu.memory_space<semaphore_mem>>) src(%arg10 : memref<128x128xf32, #tpu.memory_space<vmem>>) dst(%dma_wait3A_143 : memref<10240x128xf32, #tpu.memory_space<vmem_shared>>)
        tpu.yield
      }) : () -> ()
    }
    %scan3A_7 = arith.constant 10 : i32
    %barrier3A_8 = arith.constant 0 : index
    tpu.barrier barrier_id(%barrier3A_8)
    %mul3A_9 = arith.constant 640 : i32
    %mul3A_10 = arith.muli %arg1, %mul3A_9 : i32
    %mul3A_11 = arith.constant 640 : i32
    %mul3A_12 = arith.muli %arg1, %mul3A_11 : i32
    "tpu.region"() ({
      %run_scoped3A = tpu.sem_alloc : memref<!tpu.dma_semaphore, #tpu.memory_space<semaphore_mem>>
      %dma_start3A = arith.constant 0 : i32
      %dma_start3A_13 = tpu.memref_slice %arg6[%arg0, %mul3A_12, %dma_start3A] : memref<2x10240x128xf32, #tpu.memory_space<hbm>> -> memref<1x640x128xf32, #tpu.memory_space<hbm>>
      %dma_start3A_14 = tpu.memref_squeeze %dma_start3A_13 : memref<1x640x128xf32, #tpu.memory_space<hbm>> -> memref<640x128xf32, #tpu.memory_space<hbm>>
      %dma_start3A_15 = arith.constant 0 : i32
      %dma_start3A_16 = tpu.memref_slice %arg11[%mul3A_10, %dma_start3A_15] : memref<10240x128xf32, #tpu.memory_space<vmem_shared>> -> memref<640x128xf32, #tpu.memory_space<vmem_shared>>
      tpu.enqueue_dma source(%dma_start3A_16 : memref<640x128xf32, #tpu.memory_space<vmem_shared>>) target(%dma_start3A_14 : memref<640x128xf32, #tpu.memory_space<hbm>>) target_semaphore(%run_scoped3A : memref<!tpu.dma_semaphore, #tpu.memory_space<semaphore_mem>>)
      %dma_wait3A = arith.constant 0 : i32
      %dma_wait3A_17 = tpu.memref_slice %arg6[%arg0, %mul3A_12, %dma_wait3A] : memref<2x10240x128xf32, #tpu.memory_space<hbm>> -> memref<1x640x128xf32, #tpu.memory_space<hbm>>
      %dma_wait3A_18 = tpu.memref_squeeze %dma_wait3A_17 : memref<1x640x128xf32, #tpu.memory_space<hbm>> -> memref<640x128xf32, #tpu.memory_space<hbm>>
      %dma_wait3A_19 = arith.constant 0 : i32
      %dma_wait3A_20 = tpu.memref_slice %arg11[%mul3A_10, %dma_wait3A_19] : memref<10240x128xf32, #tpu.memory_space<vmem_shared>> -> memref<640x128xf32, #tpu.memory_space<vmem_shared>>
      tpu.wait_dma2 semaphore(%run_scoped3A : memref<!tpu.dma_semaphore, #tpu.memory_space<semaphore_mem>>) src(%dma_wait3A_20 : memref<640x128xf32, #tpu.memory_space<vmem_shared>>) dst(%dma_wait3A_18 : memref<640x128xf32, #tpu.memory_space<hbm>>)
      tpu.yield
    }) : () -> ()
    return
  }
}

#map = affine_map<(d0, d1) -> (0, 0)>
#map1 = affine_map<(d0, d1) -> (0, 0, 0, 0)>
#map2 = affine_map<(d0, d1) -> (0, 0, 0)>
module attributes {stable_mosaic.version = 14 : i64} {
  func.func @_agg_body(%arg0: i32, %arg1: i32, %arg2: memref<10240x128xf32, #tpu.memory_space<hbm>>, %arg3: memref<32x10x8x128xi32, #tpu.memory_space<hbm>>, %arg4: memref<32x10x8x128xi32, #tpu.memory_space<hbm>>, %arg5: memref<640x128xf32, #tpu.memory_space<hbm>>, %arg6: memref<2x10240x128xf32, #tpu.memory_space<hbm>>, %arg7: memref<8x128xi32, #tpu.memory_space<vmem>>, %arg8: memref<8x128xi32, #tpu.memory_space<vmem>>, %arg9: memref<128x128xf32, #tpu.memory_space<vmem>>, %arg10: memref<128x128xf32, #tpu.memory_space<vmem>>, %arg11: memref<10240x128xf32, #tpu.memory_space<vmem_shared>>, %arg12: memref<!tpu.dma_semaphore, #tpu.memory_space<semaphore_mem>>, %arg13: memref<!tpu.dma_semaphore, #tpu.memory_space<semaphore_mem>>) attributes {dimension_semantics = [#tpu.dimension_semantics<core_parallel>, #tpu.dimension_semantics<subcore_parallel>], iteration_bounds = array<i64: 2, 16>, scalar_prefetch = 0 : i64, scratch_operands = 7 : i64, tpu.core_type = #tpu.core_type<sc_vector_subcore>, window_params = [{transform_indices = #map}, {transform_indices = #map1}, {transform_indices = #map1}, {transform_indices = #map}, {transform_indices = #map2}]} {
    %mul3A = arith.constant 16 : i32
    %mul3A_0 = arith.muli %arg0, %mul3A : i32
    %add3A = arith.addi %mul3A_0, %arg1 : i32
    %mul3A_1 = arith.constant 640 : i32
    %mul3A_2 = arith.muli %arg1, %mul3A_1 : i32
    "tpu.region"() ({
      %run_scoped3A = tpu.sem_alloc : memref<!tpu.dma_semaphore, #tpu.memory_space<semaphore_mem>>
      %dma_start3A = arith.constant 0 : i32
      %dma_start3A_13 = tpu.memref_slice %arg11[%mul3A_2, %dma_start3A] : memref<10240x128xf32, #tpu.memory_space<vmem_shared>> -> memref<640x128xf32, #tpu.memory_space<vmem_shared>>
      tpu.enqueue_dma source(%arg5 : memref<640x128xf32, #tpu.memory_space<hbm>>) target(%dma_start3A_13 : memref<640x128xf32, #tpu.memory_space<vmem_shared>>) target_semaphore(%run_scoped3A : memref<!tpu.dma_semaphore, #tpu.memory_space<semaphore_mem>>)
      %dma_wait3A = arith.constant 0 : i32
      %dma_wait3A_14 = tpu.memref_slice %arg11[%mul3A_2, %dma_wait3A] : memref<10240x128xf32, #tpu.memory_space<vmem_shared>> -> memref<640x128xf32, #tpu.memory_space<vmem_shared>>
      tpu.wait_dma2 semaphore(%run_scoped3A : memref<!tpu.dma_semaphore, #tpu.memory_space<semaphore_mem>>) src(%arg5 : memref<640x128xf32, #tpu.memory_space<hbm>>) dst(%dma_wait3A_14 : memref<640x128xf32, #tpu.memory_space<vmem_shared>>)
      tpu.yield
    }) : () -> ()
    %barrier3A = arith.constant 0 : index
    tpu.barrier barrier_id(%barrier3A)
    %scan3A = arith.constant 0 : i32
    %scan3A_3 = arith.constant 0 : i32
    %scan3A_4 = arith.constant 10 : i32
    %scan3A_5 = arith.addi %scan3A_3, %scan3A_4 : i32
    %scan3A_6 = arith.constant 1 : i32
    scf.for %scan3A_13 = %scan3A_3 to %scan3A_5 step %scan3A_6  : i32 {
      "tpu.region"() ({
        %run_scoped3A_131 = tpu.sem_alloc : memref<!tpu.dma_semaphore, #tpu.memory_space<semaphore_mem>>
        %dma_start3A_132 = arith.constant 0 : i32
        %dma_start3A_133 = arith.constant 0 : i32
        %dma_start3A_134 = tpu.memref_slice %arg3[%add3A, %scan3A_13, %dma_start3A_132, %dma_start3A_133] : memref<32x10x8x128xi32, #tpu.memory_space<hbm>> -> memref<1x1x8x128xi32, #tpu.memory_space<hbm>>
        %dma_start3A_135 = tpu.memref_squeeze %dma_start3A_134 : memref<1x1x8x128xi32, #tpu.memory_space<hbm>> -> memref<8x128xi32, #tpu.memory_space<hbm>>
        %dma_start3A_136 = arith.constant 0 : i32
        %dma_start3A_137 = arith.constant 0 : i32
        %dma_start3A_138 = tpu.memref_slice %arg3[%add3A, %scan3A_13, %dma_start3A_136, %dma_start3A_137] : memref<32x10x8x128xi32, #tpu.memory_space<hbm>> -> memref<1x1x8x128xi32, #tpu.memory_space<hbm>>
        %dma_start3A_139 = tpu.memref_squeeze %dma_start3A_138 : memref<1x1x8x128xi32, #tpu.memory_space<hbm>> -> memref<8x128xi32, #tpu.memory_space<hbm>>
        tpu.enqueue_dma source(%dma_start3A_139 : memref<8x128xi32, #tpu.memory_space<hbm>>) target(%arg7 : memref<8x128xi32, #tpu.memory_space<vmem>>) target_semaphore(%run_scoped3A_131 : memref<!tpu.dma_semaphore, #tpu.memory_space<semaphore_mem>>)
        %dma_wait3A_140 = arith.constant 0 : i32
        %dma_wait3A_141 = arith.constant 0 : i32
        %dma_wait3A_142 = tpu.memref_slice %arg3[%add3A, %scan3A_13, %dma_wait3A_140, %dma_wait3A_141] : memref<32x10x8x128xi32, #tpu.memory_space<hbm>> -> memref<1x1x8x128xi32, #tpu.memory_space<hbm>>
        %dma_wait3A_143 = tpu.memref_squeeze %dma_wait3A_142 : memref<1x1x8x128xi32, #tpu.memory_space<hbm>> -> memref<8x128xi32, #tpu.memory_space<hbm>>
        %dma_wait3A_144 = arith.constant 0 : i32
        %dma_wait3A_145 = arith.constant 0 : i32
        %dma_wait3A_146 = tpu.memref_slice %arg3[%add3A, %scan3A_13, %dma_wait3A_144, %dma_wait3A_145] : memref<32x10x8x128xi32, #tpu.memory_space<hbm>> -> memref<1x1x8x128xi32, #tpu.memory_space<hbm>>
        %dma_wait3A_147 = tpu.memref_squeeze %dma_wait3A_146 : memref<1x1x8x128xi32, #tpu.memory_space<hbm>> -> memref<8x128xi32, #tpu.memory_space<hbm>>
        tpu.wait_dma2 semaphore(%run_scoped3A_131 : memref<!tpu.dma_semaphore, #tpu.memory_space<semaphore_mem>>) src(%dma_wait3A_147 : memref<8x128xi32, #tpu.memory_space<hbm>>) dst(%arg7 : memref<8x128xi32, #tpu.memory_space<vmem>>)
        tpu.yield
      }) : () -> ()
      "tpu.region"() ({
        %run_scoped3A_131 = tpu.sem_alloc : memref<!tpu.dma_semaphore, #tpu.memory_space<semaphore_mem>>
        %dma_start3A_132 = arith.constant 0 : i32
        %dma_start3A_133 = arith.constant 0 : i32
        %dma_start3A_134 = tpu.memref_slice %arg4[%add3A, %scan3A_13, %dma_start3A_132, %dma_start3A_133] : memref<32x10x8x128xi32, #tpu.memory_space<hbm>> -> memref<1x1x8x128xi32, #tpu.memory_space<hbm>>
        %dma_start3A_135 = tpu.memref_squeeze %dma_start3A_134 : memref<1x1x8x128xi32, #tpu.memory_space<hbm>> -> memref<8x128xi32, #tpu.memory_space<hbm>>
        %dma_start3A_136 = arith.constant 0 : i32
        %dma_start3A_137 = arith.constant 0 : i32
        %dma_start3A_138 = tpu.memref_slice %arg4[%add3A, %scan3A_13, %dma_start3A_136, %dma_start3A_137] : memref<32x10x8x128xi32, #tpu.memory_space<hbm>> -> memref<1x1x8x128xi32, #tpu.memory_space<hbm>>
        %dma_start3A_139 = tpu.memref_squeeze %dma_start3A_138 : memref<1x1x8x128xi32, #tpu.memory_space<hbm>> -> memref<8x128xi32, #tpu.memory_space<hbm>>
        tpu.enqueue_dma source(%dma_start3A_139 : memref<8x128xi32, #tpu.memory_space<hbm>>) target(%arg8 : memref<8x128xi32, #tpu.memory_space<vmem>>) target_semaphore(%run_scoped3A_131 : memref<!tpu.dma_semaphore, #tpu.memory_space<semaphore_mem>>)
        %dma_wait3A_140 = arith.constant 0 : i32
        %dma_wait3A_141 = arith.constant 0 : i32
        %dma_wait3A_142 = tpu.memref_slice %arg4[%add3A, %scan3A_13, %dma_wait3A_140, %dma_wait3A_141] : memref<32x10x8x128xi32, #tpu.memory_space<hbm>> -> memref<1x1x8x128xi32, #tpu.memory_space<hbm>>
        %dma_wait3A_143 = tpu.memref_squeeze %dma_wait3A_142 : memref<1x1x8x128xi32, #tpu.memory_space<hbm>> -> memref<8x128xi32, #tpu.memory_space<hbm>>
        %dma_wait3A_144 = arith.constant 0 : i32
        %dma_wait3A_145 = arith.constant 0 : i32
        %dma_wait3A_146 = tpu.memref_slice %arg4[%add3A, %scan3A_13, %dma_wait3A_144, %dma_wait3A_145] : memref<32x10x8x128xi32, #tpu.memory_space<hbm>> -> memref<1x1x8x128xi32, #tpu.memory_space<hbm>>
        %dma_wait3A_147 = tpu.memref_squeeze %dma_wait3A_146 : memref<1x1x8x128xi32, #tpu.memory_space<hbm>> -> memref<8x128xi32, #tpu.memory_space<hbm>>
        tpu.wait_dma2 semaphore(%run_scoped3A_131 : memref<!tpu.dma_semaphore, #tpu.memory_space<semaphore_mem>>) src(%dma_wait3A_147 : memref<8x128xi32, #tpu.memory_space<hbm>>) dst(%arg8 : memref<8x128xi32, #tpu.memory_space<vmem>>)
        tpu.yield
      }) : () -> ()
      %dma_start3A = arith.constant 0 : i32
      %dma_start3A_14 = arith.constant 0 : i32
      %dma_start3A_15 = tpu.memref_slice %arg7[%dma_start3A, %dma_start3A_14] : memref<8x128xi32, #tpu.memory_space<vmem>> -> memref<1x128xi32, #tpu.memory_space<vmem>>
      %dma_start3A_16 = tpu.memref_squeeze %dma_start3A_15 : memref<1x128xi32, #tpu.memory_space<vmem>> -> memref<128xi32, #tpu.memory_space<vmem>>
      %dma_start3A_17 = arith.constant 0 : i32
      %dma_start3A_18 = arith.constant 0 : i32
      %dma_start3A_19 = tpu.memref_slice %arg2[%dma_start3A_17, %dma_start3A_18] : memref<10240x128xf32, #tpu.memory_space<hbm>> -> memref<10240x128xf32, #tpu.memory_space<hbm>>
      tpu.enqueue_indirect_dma source(%dma_start3A_19 : memref<10240x128xf32, #tpu.memory_space<hbm>>) target(%arg9 : memref<128x128xf32, #tpu.memory_space<vmem>>) offsets(%dma_start3A_16 : memref<128xi32, #tpu.memory_space<vmem>>) semaphore(%arg12 : memref<!tpu.dma_semaphore, #tpu.memory_space<semaphore_mem>>)
      %dma_wait3A = arith.constant 0 : i32
      %dma_wait3A_20 = arith.constant 0 : i32
      %dma_wait3A_21 = tpu.memref_slice %arg7[%dma_wait3A, %dma_wait3A_20] : memref<8x128xi32, #tpu.memory_space<vmem>> -> memref<1x128xi32, #tpu.memory_space<vmem>>
      %dma_wait3A_22 = tpu.memref_squeeze %dma_wait3A_21 : memref<1x128xi32, #tpu.memory_space<vmem>> -> memref<128xi32, #tpu.memory_space<vmem>>
      %dma_wait3A_23 = arith.constant 0 : i32
      %dma_wait3A_24 = arith.constant 0 : i32
      %dma_wait3A_25 = tpu.memref_slice %arg2[%dma_wait3A_23, %dma_wait3A_24] : memref<10240x128xf32, #tpu.memory_space<hbm>> -> memref<10240x128xf32, #tpu.memory_space<hbm>>
      tpu.wait_indirect_dma semaphore(%arg12 : memref<!tpu.dma_semaphore, #tpu.memory_space<semaphore_mem>>) src(%dma_wait3A_25 : memref<10240x128xf32, #tpu.memory_space<hbm>>) dst(%arg9 : memref<128x128xf32, #tpu.memory_space<vmem>>)
      %dma_start3A_26 = arith.constant 1 : i32
      %dma_start3A_27 = arith.constant 0 : i32
      %dma_start3A_28 = tpu.memref_slice %arg7[%dma_start3A_26, %dma_start3A_27] : memref<8x128xi32, #tpu.memory_space<vmem>> -> memref<1x128xi32, #tpu.memory_space<vmem>>
      %dma_start3A_29 = tpu.memref_squeeze %dma_start3A_28 : memref<1x128xi32, #tpu.memory_space<vmem>> -> memref<128xi32, #tpu.memory_space<vmem>>
      %dma_start3A_30 = arith.constant 0 : i32
      %dma_start3A_31 = arith.constant 0 : i32
      %dma_start3A_32 = tpu.memref_slice %arg2[%dma_start3A_30, %dma_start3A_31] : memref<10240x128xf32, #tpu.memory_space<hbm>> -> memref<10240x128xf32, #tpu.memory_space<hbm>>
      tpu.enqueue_indirect_dma source(%dma_start3A_32 : memref<10240x128xf32, #tpu.memory_space<hbm>>) target(%arg10 : memref<128x128xf32, #tpu.memory_space<vmem>>) offsets(%dma_start3A_29 : memref<128xi32, #tpu.memory_space<vmem>>) semaphore(%arg13 : memref<!tpu.dma_semaphore, #tpu.memory_space<semaphore_mem>>)
      %run_scoped3A = arith.constant 0 : i32
      "tpu.region"() ({
        %run_scoped3A_131 = tpu.sem_alloc : memref<!tpu.dma_semaphore, #tpu.memory_space<semaphore_mem>>
        %dma_start3A_132 = arith.constant 0 : i32
        %dma_start3A_133 = tpu.memref_slice %arg8[%run_scoped3A, %dma_start3A_132] : memref<8x128xi32, #tpu.memory_space<vmem>> -> memref<1x128xi32, #tpu.memory_space<vmem>>
        %dma_start3A_134 = tpu.memref_squeeze %dma_start3A_133 : memref<1x128xi32, #tpu.memory_space<vmem>> -> memref<128xi32, #tpu.memory_space<vmem>>
        %dma_start3A_135 = arith.constant 0 : i32
        %dma_start3A_136 = arith.constant 0 : i32
        %dma_start3A_137 = tpu.memref_slice %arg11[%dma_start3A_135, %dma_start3A_136] : memref<10240x128xf32, #tpu.memory_space<vmem_shared>> -> memref<10240x128xf32, #tpu.memory_space<vmem_shared>>
        tpu.enqueue_indirect_dma source(%arg9 : memref<128x128xf32, #tpu.memory_space<vmem>>) target(%dma_start3A_137 : memref<10240x128xf32, #tpu.memory_space<vmem_shared>>) offsets(%dma_start3A_134 : memref<128xi32, #tpu.memory_space<vmem>>) semaphore(%run_scoped3A_131 : memref<!tpu.dma_semaphore, #tpu.memory_space<semaphore_mem>>) {add = true}
        %dma_wait3A_138 = arith.constant 0 : i32
        %dma_wait3A_139 = tpu.memref_slice %arg8[%run_scoped3A, %dma_wait3A_138] : memref<8x128xi32, #tpu.memory_space<vmem>> -> memref<1x128xi32, #tpu.memory_space<vmem>>
        %dma_wait3A_140 = tpu.memref_squeeze %dma_wait3A_139 : memref<1x128xi32, #tpu.memory_space<vmem>> -> memref<128xi32, #tpu.memory_space<vmem>>
        %dma_wait3A_141 = arith.constant 0 : i32
        %dma_wait3A_142 = arith.constant 0 : i32
        %dma_wait3A_143 = tpu.memref_slice %arg11[%dma_wait3A_141, %dma_wait3A_142] : memref<10240x128xf32, #tpu.memory_space<vmem_shared>> -> memref<10240x128xf32, #tpu.memory_space<vmem_shared>>
        tpu.wait_indirect_dma semaphore(%run_scoped3A_131 : memref<!tpu.dma_semaphore, #tpu.memory_space<semaphore_mem>>) src(%arg9 : memref<128x128xf32, #tpu.memory_space<vmem>>) dst(%dma_wait3A_143 : memref<10240x128xf32, #tpu.memory_space<vmem_shared>>)
        tpu.yield
      }) : () -> ()
      %dma_wait3A_33 = arith.constant 1 : i32
      %dma_wait3A_34 = arith.constant 0 : i32
      %dma_wait3A_35 = tpu.memref_slice %arg7[%dma_wait3A_33, %dma_wait3A_34] : memref<8x128xi32, #tpu.memory_space<vmem>> -> memref<1x128xi32, #tpu.memory_space<vmem>>
      %dma_wait3A_36 = tpu.memref_squeeze %dma_wait3A_35 : memref<1x128xi32, #tpu.memory_space<vmem>> -> memref<128xi32, #tpu.memory_space<vmem>>
      %dma_wait3A_37 = arith.constant 0 : i32
      %dma_wait3A_38 = arith.constant 0 : i32
      %dma_wait3A_39 = tpu.memref_slice %arg2[%dma_wait3A_37, %dma_wait3A_38] : memref<10240x128xf32, #tpu.memory_space<hbm>> -> memref<10240x128xf32, #tpu.memory_space<hbm>>
      tpu.wait_indirect_dma semaphore(%arg13 : memref<!tpu.dma_semaphore, #tpu.memory_space<semaphore_mem>>) src(%dma_wait3A_39 : memref<10240x128xf32, #tpu.memory_space<hbm>>) dst(%arg10 : memref<128x128xf32, #tpu.memory_space<vmem>>)
      %dma_start3A_40 = arith.constant 2 : i32
      %dma_start3A_41 = arith.constant 0 : i32
      %dma_start3A_42 = tpu.memref_slice %arg7[%dma_start3A_40, %dma_start3A_41] : memref<8x128xi32, #tpu.memory_space<vmem>> -> memref<1x128xi32, #tpu.memory_space<vmem>>
      %dma_start3A_43 = tpu.memref_squeeze %dma_start3A_42 : memref<1x128xi32, #tpu.memory_space<vmem>> -> memref<128xi32, #tpu.memory_space<vmem>>
      %dma_start3A_44 = arith.constant 0 : i32
      %dma_start3A_45 = arith.constant 0 : i32
      %dma_start3A_46 = tpu.memref_slice %arg2[%dma_start3A_44, %dma_start3A_45] : memref<10240x128xf32, #tpu.memory_space<hbm>> -> memref<10240x128xf32, #tpu.memory_space<hbm>>
      tpu.enqueue_indirect_dma source(%dma_start3A_46 : memref<10240x128xf32, #tpu.memory_space<hbm>>) target(%arg9 : memref<128x128xf32, #tpu.memory_space<vmem>>) offsets(%dma_start3A_43 : memref<128xi32, #tpu.memory_space<vmem>>) semaphore(%arg12 : memref<!tpu.dma_semaphore, #tpu.memory_space<semaphore_mem>>)
      %run_scoped3A_47 = arith.constant 1 : i32
      "tpu.region"() ({
        %run_scoped3A_131 = tpu.sem_alloc : memref<!tpu.dma_semaphore, #tpu.memory_space<semaphore_mem>>
        %dma_start3A_132 = arith.constant 0 : i32
        %dma_start3A_133 = tpu.memref_slice %arg8[%run_scoped3A_47, %dma_start3A_132] : memref<8x128xi32, #tpu.memory_space<vmem>> -> memref<1x128xi32, #tpu.memory_space<vmem>>
        %dma_start3A_134 = tpu.memref_squeeze %dma_start3A_133 : memref<1x128xi32, #tpu.memory_space<vmem>> -> memref<128xi32, #tpu.memory_space<vmem>>
        %dma_start3A_135 = arith.constant 0 : i32
        %dma_start3A_136 = arith.constant 0 : i32
        %dma_start3A_137 = tpu.memref_slice %arg11[%dma_start3A_135, %dma_start3A_136] : memref<10240x128xf32, #tpu.memory_space<vmem_shared>> -> memref<10240x128xf32, #tpu.memory_space<vmem_shared>>
        tpu.enqueue_indirect_dma source(%arg10 : memref<128x128xf32, #tpu.memory_space<vmem>>) target(%dma_start3A_137 : memref<10240x128xf32, #tpu.memory_space<vmem_shared>>) offsets(%dma_start3A_134 : memref<128xi32, #tpu.memory_space<vmem>>) semaphore(%run_scoped3A_131 : memref<!tpu.dma_semaphore, #tpu.memory_space<semaphore_mem>>) {add = true}
        %dma_wait3A_138 = arith.constant 0 : i32
        %dma_wait3A_139 = tpu.memref_slice %arg8[%run_scoped3A_47, %dma_wait3A_138] : memref<8x128xi32, #tpu.memory_space<vmem>> -> memref<1x128xi32, #tpu.memory_space<vmem>>
        %dma_wait3A_140 = tpu.memref_squeeze %dma_wait3A_139 : memref<1x128xi32, #tpu.memory_space<vmem>> -> memref<128xi32, #tpu.memory_space<vmem>>
        %dma_wait3A_141 = arith.constant 0 : i32
        %dma_wait3A_142 = arith.constant 0 : i32
        %dma_wait3A_143 = tpu.memref_slice %arg11[%dma_wait3A_141, %dma_wait3A_142] : memref<10240x128xf32, #tpu.memory_space<vmem_shared>> -> memref<10240x128xf32, #tpu.memory_space<vmem_shared>>
        tpu.wait_indirect_dma semaphore(%run_scoped3A_131 : memref<!tpu.dma_semaphore, #tpu.memory_space<semaphore_mem>>) src(%arg10 : memref<128x128xf32, #tpu.memory_space<vmem>>) dst(%dma_wait3A_143 : memref<10240x128xf32, #tpu.memory_space<vmem_shared>>)
        tpu.yield
      }) : () -> ()
      %dma_wait3A_48 = arith.constant 2 : i32
      %dma_wait3A_49 = arith.constant 0 : i32
      %dma_wait3A_50 = tpu.memref_slice %arg7[%dma_wait3A_48, %dma_wait3A_49] : memref<8x128xi32, #tpu.memory_space<vmem>> -> memref<1x128xi32, #tpu.memory_space<vmem>>
      %dma_wait3A_51 = tpu.memref_squeeze %dma_wait3A_50 : memref<1x128xi32, #tpu.memory_space<vmem>> -> memref<128xi32, #tpu.memory_space<vmem>>
      %dma_wait3A_52 = arith.constant 0 : i32
      %dma_wait3A_53 = arith.constant 0 : i32
      %dma_wait3A_54 = tpu.memref_slice %arg2[%dma_wait3A_52, %dma_wait3A_53] : memref<10240x128xf32, #tpu.memory_space<hbm>> -> memref<10240x128xf32, #tpu.memory_space<hbm>>
      tpu.wait_indirect_dma semaphore(%arg12 : memref<!tpu.dma_semaphore, #tpu.memory_space<semaphore_mem>>) src(%dma_wait3A_54 : memref<10240x128xf32, #tpu.memory_space<hbm>>) dst(%arg9 : memref<128x128xf32, #tpu.memory_space<vmem>>)
      %dma_start3A_55 = arith.constant 3 : i32
      %dma_start3A_56 = arith.constant 0 : i32
      %dma_start3A_57 = tpu.memref_slice %arg7[%dma_start3A_55, %dma_start3A_56] : memref<8x128xi32, #tpu.memory_space<vmem>> -> memref<1x128xi32, #tpu.memory_space<vmem>>
      %dma_start3A_58 = tpu.memref_squeeze %dma_start3A_57 : memref<1x128xi32, #tpu.memory_space<vmem>> -> memref<128xi32, #tpu.memory_space<vmem>>
      %dma_start3A_59 = arith.constant 0 : i32
      %dma_start3A_60 = arith.constant 0 : i32
      %dma_start3A_61 = tpu.memref_slice %arg2[%dma_start3A_59, %dma_start3A_60] : memref<10240x128xf32, #tpu.memory_space<hbm>> -> memref<10240x128xf32, #tpu.memory_space<hbm>>
      tpu.enqueue_indirect_dma source(%dma_start3A_61 : memref<10240x128xf32, #tpu.memory_space<hbm>>) target(%arg10 : memref<128x128xf32, #tpu.memory_space<vmem>>) offsets(%dma_start3A_58 : memref<128xi32, #tpu.memory_space<vmem>>) semaphore(%arg13 : memref<!tpu.dma_semaphore, #tpu.memory_space<semaphore_mem>>)
      %run_scoped3A_62 = arith.constant 2 : i32
      "tpu.region"() ({
        %run_scoped3A_131 = tpu.sem_alloc : memref<!tpu.dma_semaphore, #tpu.memory_space<semaphore_mem>>
        %dma_start3A_132 = arith.constant 0 : i32
        %dma_start3A_133 = tpu.memref_slice %arg8[%run_scoped3A_62, %dma_start3A_132] : memref<8x128xi32, #tpu.memory_space<vmem>> -> memref<1x128xi32, #tpu.memory_space<vmem>>
        %dma_start3A_134 = tpu.memref_squeeze %dma_start3A_133 : memref<1x128xi32, #tpu.memory_space<vmem>> -> memref<128xi32, #tpu.memory_space<vmem>>
        %dma_start3A_135 = arith.constant 0 : i32
        %dma_start3A_136 = arith.constant 0 : i32
        %dma_start3A_137 = tpu.memref_slice %arg11[%dma_start3A_135, %dma_start3A_136] : memref<10240x128xf32, #tpu.memory_space<vmem_shared>> -> memref<10240x128xf32, #tpu.memory_space<vmem_shared>>
        tpu.enqueue_indirect_dma source(%arg9 : memref<128x128xf32, #tpu.memory_space<vmem>>) target(%dma_start3A_137 : memref<10240x128xf32, #tpu.memory_space<vmem_shared>>) offsets(%dma_start3A_134 : memref<128xi32, #tpu.memory_space<vmem>>) semaphore(%run_scoped3A_131 : memref<!tpu.dma_semaphore, #tpu.memory_space<semaphore_mem>>) {add = true}
        %dma_wait3A_138 = arith.constant 0 : i32
        %dma_wait3A_139 = tpu.memref_slice %arg8[%run_scoped3A_62, %dma_wait3A_138] : memref<8x128xi32, #tpu.memory_space<vmem>> -> memref<1x128xi32, #tpu.memory_space<vmem>>
        %dma_wait3A_140 = tpu.memref_squeeze %dma_wait3A_139 : memref<1x128xi32, #tpu.memory_space<vmem>> -> memref<128xi32, #tpu.memory_space<vmem>>
        %dma_wait3A_141 = arith.constant 0 : i32
        %dma_wait3A_142 = arith.constant 0 : i32
        %dma_wait3A_143 = tpu.memref_slice %arg11[%dma_wait3A_141, %dma_wait3A_142] : memref<10240x128xf32, #tpu.memory_space<vmem_shared>> -> memref<10240x128xf32, #tpu.memory_space<vmem_shared>>
        tpu.wait_indirect_dma semaphore(%run_scoped3A_131 : memref<!tpu.dma_semaphore, #tpu.memory_space<semaphore_mem>>) src(%arg9 : memref<128x128xf32, #tpu.memory_space<vmem>>) dst(%dma_wait3A_143 : memref<10240x128xf32, #tpu.memory_space<vmem_shared>>)
        tpu.yield
      }) : () -> ()
      %dma_wait3A_63 = arith.constant 3 : i32
      %dma_wait3A_64 = arith.constant 0 : i32
      %dma_wait3A_65 = tpu.memref_slice %arg7[%dma_wait3A_63, %dma_wait3A_64] : memref<8x128xi32, #tpu.memory_space<vmem>> -> memref<1x128xi32, #tpu.memory_space<vmem>>
      %dma_wait3A_66 = tpu.memref_squeeze %dma_wait3A_65 : memref<1x128xi32, #tpu.memory_space<vmem>> -> memref<128xi32, #tpu.memory_space<vmem>>
      %dma_wait3A_67 = arith.constant 0 : i32
      %dma_wait3A_68 = arith.constant 0 : i32
      %dma_wait3A_69 = tpu.memref_slice %arg2[%dma_wait3A_67, %dma_wait3A_68] : memref<10240x128xf32, #tpu.memory_space<hbm>> -> memref<10240x128xf32, #tpu.memory_space<hbm>>
      tpu.wait_indirect_dma semaphore(%arg13 : memref<!tpu.dma_semaphore, #tpu.memory_space<semaphore_mem>>) src(%dma_wait3A_69 : memref<10240x128xf32, #tpu.memory_space<hbm>>) dst(%arg10 : memref<128x128xf32, #tpu.memory_space<vmem>>)
      %dma_start3A_70 = arith.constant 4 : i32
      %dma_start3A_71 = arith.constant 0 : i32
      %dma_start3A_72 = tpu.memref_slice %arg7[%dma_start3A_70, %dma_start3A_71] : memref<8x128xi32, #tpu.memory_space<vmem>> -> memref<1x128xi32, #tpu.memory_space<vmem>>
      %dma_start3A_73 = tpu.memref_squeeze %dma_start3A_72 : memref<1x128xi32, #tpu.memory_space<vmem>> -> memref<128xi32, #tpu.memory_space<vmem>>
      %dma_start3A_74 = arith.constant 0 : i32
      %dma_start3A_75 = arith.constant 0 : i32
      %dma_start3A_76 = tpu.memref_slice %arg2[%dma_start3A_74, %dma_start3A_75] : memref<10240x128xf32, #tpu.memory_space<hbm>> -> memref<10240x128xf32, #tpu.memory_space<hbm>>
      tpu.enqueue_indirect_dma source(%dma_start3A_76 : memref<10240x128xf32, #tpu.memory_space<hbm>>) target(%arg9 : memref<128x128xf32, #tpu.memory_space<vmem>>) offsets(%dma_start3A_73 : memref<128xi32, #tpu.memory_space<vmem>>) semaphore(%arg12 : memref<!tpu.dma_semaphore, #tpu.memory_space<semaphore_mem>>)
      %run_scoped3A_77 = arith.constant 3 : i32
      "tpu.region"() ({
        %run_scoped3A_131 = tpu.sem_alloc : memref<!tpu.dma_semaphore, #tpu.memory_space<semaphore_mem>>
        %dma_start3A_132 = arith.constant 0 : i32
        %dma_start3A_133 = tpu.memref_slice %arg8[%run_scoped3A_77, %dma_start3A_132] : memref<8x128xi32, #tpu.memory_space<vmem>> -> memref<1x128xi32, #tpu.memory_space<vmem>>
        %dma_start3A_134 = tpu.memref_squeeze %dma_start3A_133 : memref<1x128xi32, #tpu.memory_space<vmem>> -> memref<128xi32, #tpu.memory_space<vmem>>
        %dma_start3A_135 = arith.constant 0 : i32
        %dma_start3A_136 = arith.constant 0 : i32
        %dma_start3A_137 = tpu.memref_slice %arg11[%dma_start3A_135, %dma_start3A_136] : memref<10240x128xf32, #tpu.memory_space<vmem_shared>> -> memref<10240x128xf32, #tpu.memory_space<vmem_shared>>
        tpu.enqueue_indirect_dma source(%arg10 : memref<128x128xf32, #tpu.memory_space<vmem>>) target(%dma_start3A_137 : memref<10240x128xf32, #tpu.memory_space<vmem_shared>>) offsets(%dma_start3A_134 : memref<128xi32, #tpu.memory_space<vmem>>) semaphore(%run_scoped3A_131 : memref<!tpu.dma_semaphore, #tpu.memory_space<semaphore_mem>>) {add = true}
        %dma_wait3A_138 = arith.constant 0 : i32
        %dma_wait3A_139 = tpu.memref_slice %arg8[%run_scoped3A_77, %dma_wait3A_138] : memref<8x128xi32, #tpu.memory_space<vmem>> -> memref<1x128xi32, #tpu.memory_space<vmem>>
        %dma_wait3A_140 = tpu.memref_squeeze %dma_wait3A_139 : memref<1x128xi32, #tpu.memory_space<vmem>> -> memref<128xi32, #tpu.memory_space<vmem>>
        %dma_wait3A_141 = arith.constant 0 : i32
        %dma_wait3A_142 = arith.constant 0 : i32
        %dma_wait3A_143 = tpu.memref_slice %arg11[%dma_wait3A_141, %dma_wait3A_142] : memref<10240x128xf32, #tpu.memory_space<vmem_shared>> -> memref<10240x128xf32, #tpu.memory_space<vmem_shared>>
        tpu.wait_indirect_dma semaphore(%run_scoped3A_131 : memref<!tpu.dma_semaphore, #tpu.memory_space<semaphore_mem>>) src(%arg10 : memref<128x128xf32, #tpu.memory_space<vmem>>) dst(%dma_wait3A_143 : memref<10240x128xf32, #tpu.memory_space<vmem_shared>>)
        tpu.yield
      }) : () -> ()
      %dma_wait3A_78 = arith.constant 4 : i32
      %dma_wait3A_79 = arith.constant 0 : i32
      %dma_wait3A_80 = tpu.memref_slice %arg7[%dma_wait3A_78, %dma_wait3A_79] : memref<8x128xi32, #tpu.memory_space<vmem>> -> memref<1x128xi32, #tpu.memory_space<vmem>>
      %dma_wait3A_81 = tpu.memref_squeeze %dma_wait3A_80 : memref<1x128xi32, #tpu.memory_space<vmem>> -> memref<128xi32, #tpu.memory_space<vmem>>
      %dma_wait3A_82 = arith.constant 0 : i32
      %dma_wait3A_83 = arith.constant 0 : i32
      %dma_wait3A_84 = tpu.memref_slice %arg2[%dma_wait3A_82, %dma_wait3A_83] : memref<10240x128xf32, #tpu.memory_space<hbm>> -> memref<10240x128xf32, #tpu.memory_space<hbm>>
      tpu.wait_indirect_dma semaphore(%arg12 : memref<!tpu.dma_semaphore, #tpu.memory_space<semaphore_mem>>) src(%dma_wait3A_84 : memref<10240x128xf32, #tpu.memory_space<hbm>>) dst(%arg9 : memref<128x128xf32, #tpu.memory_space<vmem>>)
      %dma_start3A_85 = arith.constant 5 : i32
      %dma_start3A_86 = arith.constant 0 : i32
      %dma_start3A_87 = tpu.memref_slice %arg7[%dma_start3A_85, %dma_start3A_86] : memref<8x128xi32, #tpu.memory_space<vmem>> -> memref<1x128xi32, #tpu.memory_space<vmem>>
      %dma_start3A_88 = tpu.memref_squeeze %dma_start3A_87 : memref<1x128xi32, #tpu.memory_space<vmem>> -> memref<128xi32, #tpu.memory_space<vmem>>
      %dma_start3A_89 = arith.constant 0 : i32
      %dma_start3A_90 = arith.constant 0 : i32
      %dma_start3A_91 = tpu.memref_slice %arg2[%dma_start3A_89, %dma_start3A_90] : memref<10240x128xf32, #tpu.memory_space<hbm>> -> memref<10240x128xf32, #tpu.memory_space<hbm>>
      tpu.enqueue_indirect_dma source(%dma_start3A_91 : memref<10240x128xf32, #tpu.memory_space<hbm>>) target(%arg10 : memref<128x128xf32, #tpu.memory_space<vmem>>) offsets(%dma_start3A_88 : memref<128xi32, #tpu.memory_space<vmem>>) semaphore(%arg13 : memref<!tpu.dma_semaphore, #tpu.memory_space<semaphore_mem>>)
      %run_scoped3A_92 = arith.constant 4 : i32
      "tpu.region"() ({
        %run_scoped3A_131 = tpu.sem_alloc : memref<!tpu.dma_semaphore, #tpu.memory_space<semaphore_mem>>
        %dma_start3A_132 = arith.constant 0 : i32
        %dma_start3A_133 = tpu.memref_slice %arg8[%run_scoped3A_92, %dma_start3A_132] : memref<8x128xi32, #tpu.memory_space<vmem>> -> memref<1x128xi32, #tpu.memory_space<vmem>>
        %dma_start3A_134 = tpu.memref_squeeze %dma_start3A_133 : memref<1x128xi32, #tpu.memory_space<vmem>> -> memref<128xi32, #tpu.memory_space<vmem>>
        %dma_start3A_135 = arith.constant 0 : i32
        %dma_start3A_136 = arith.constant 0 : i32
        %dma_start3A_137 = tpu.memref_slice %arg11[%dma_start3A_135, %dma_start3A_136] : memref<10240x128xf32, #tpu.memory_space<vmem_shared>> -> memref<10240x128xf32, #tpu.memory_space<vmem_shared>>
        tpu.enqueue_indirect_dma source(%arg9 : memref<128x128xf32, #tpu.memory_space<vmem>>) target(%dma_start3A_137 : memref<10240x128xf32, #tpu.memory_space<vmem_shared>>) offsets(%dma_start3A_134 : memref<128xi32, #tpu.memory_space<vmem>>) semaphore(%run_scoped3A_131 : memref<!tpu.dma_semaphore, #tpu.memory_space<semaphore_mem>>) {add = true}
        %dma_wait3A_138 = arith.constant 0 : i32
        %dma_wait3A_139 = tpu.memref_slice %arg8[%run_scoped3A_92, %dma_wait3A_138] : memref<8x128xi32, #tpu.memory_space<vmem>> -> memref<1x128xi32, #tpu.memory_space<vmem>>
        %dma_wait3A_140 = tpu.memref_squeeze %dma_wait3A_139 : memref<1x128xi32, #tpu.memory_space<vmem>> -> memref<128xi32, #tpu.memory_space<vmem>>
        %dma_wait3A_141 = arith.constant 0 : i32
        %dma_wait3A_142 = arith.constant 0 : i32
        %dma_wait3A_143 = tpu.memref_slice %arg11[%dma_wait3A_141, %dma_wait3A_142] : memref<10240x128xf32, #tpu.memory_space<vmem_shared>> -> memref<10240x128xf32, #tpu.memory_space<vmem_shared>>
        tpu.wait_indirect_dma semaphore(%run_scoped3A_131 : memref<!tpu.dma_semaphore, #tpu.memory_space<semaphore_mem>>) src(%arg9 : memref<128x128xf32, #tpu.memory_space<vmem>>) dst(%dma_wait3A_143 : memref<10240x128xf32, #tpu.memory_space<vmem_shared>>)
        tpu.yield
      }) : () -> ()
      %dma_wait3A_93 = arith.constant 5 : i32
      %dma_wait3A_94 = arith.constant 0 : i32
      %dma_wait3A_95 = tpu.memref_slice %arg7[%dma_wait3A_93, %dma_wait3A_94] : memref<8x128xi32, #tpu.memory_space<vmem>> -> memref<1x128xi32, #tpu.memory_space<vmem>>
      %dma_wait3A_96 = tpu.memref_squeeze %dma_wait3A_95 : memref<1x128xi32, #tpu.memory_space<vmem>> -> memref<128xi32, #tpu.memory_space<vmem>>
      %dma_wait3A_97 = arith.constant 0 : i32
      %dma_wait3A_98 = arith.constant 0 : i32
      %dma_wait3A_99 = tpu.memref_slice %arg2[%dma_wait3A_97, %dma_wait3A_98] : memref<10240x128xf32, #tpu.memory_space<hbm>> -> memref<10240x128xf32, #tpu.memory_space<hbm>>
      tpu.wait_indirect_dma semaphore(%arg13 : memref<!tpu.dma_semaphore, #tpu.memory_space<semaphore_mem>>) src(%dma_wait3A_99 : memref<10240x128xf32, #tpu.memory_space<hbm>>) dst(%arg10 : memref<128x128xf32, #tpu.memory_space<vmem>>)
      %dma_start3A_100 = arith.constant 6 : i32
      %dma_start3A_101 = arith.constant 0 : i32
      %dma_start3A_102 = tpu.memref_slice %arg7[%dma_start3A_100, %dma_start3A_101] : memref<8x128xi32, #tpu.memory_space<vmem>> -> memref<1x128xi32, #tpu.memory_space<vmem>>
      %dma_start3A_103 = tpu.memref_squeeze %dma_start3A_102 : memref<1x128xi32, #tpu.memory_space<vmem>> -> memref<128xi32, #tpu.memory_space<vmem>>
      %dma_start3A_104 = arith.constant 0 : i32
      %dma_start3A_105 = arith.constant 0 : i32
      %dma_start3A_106 = tpu.memref_slice %arg2[%dma_start3A_104, %dma_start3A_105] : memref<10240x128xf32, #tpu.memory_space<hbm>> -> memref<10240x128xf32, #tpu.memory_space<hbm>>
      tpu.enqueue_indirect_dma source(%dma_start3A_106 : memref<10240x128xf32, #tpu.memory_space<hbm>>) target(%arg9 : memref<128x128xf32, #tpu.memory_space<vmem>>) offsets(%dma_start3A_103 : memref<128xi32, #tpu.memory_space<vmem>>) semaphore(%arg12 : memref<!tpu.dma_semaphore, #tpu.memory_space<semaphore_mem>>)
      %run_scoped3A_107 = arith.constant 5 : i32
      "tpu.region"() ({
        %run_scoped3A_131 = tpu.sem_alloc : memref<!tpu.dma_semaphore, #tpu.memory_space<semaphore_mem>>
        %dma_start3A_132 = arith.constant 0 : i32
        %dma_start3A_133 = tpu.memref_slice %arg8[%run_scoped3A_107, %dma_start3A_132] : memref<8x128xi32, #tpu.memory_space<vmem>> -> memref<1x128xi32, #tpu.memory_space<vmem>>
        %dma_start3A_134 = tpu.memref_squeeze %dma_start3A_133 : memref<1x128xi32, #tpu.memory_space<vmem>> -> memref<128xi32, #tpu.memory_space<vmem>>
        %dma_start3A_135 = arith.constant 0 : i32
        %dma_start3A_136 = arith.constant 0 : i32
        %dma_start3A_137 = tpu.memref_slice %arg11[%dma_start3A_135, %dma_start3A_136] : memref<10240x128xf32, #tpu.memory_space<vmem_shared>> -> memref<10240x128xf32, #tpu.memory_space<vmem_shared>>
        tpu.enqueue_indirect_dma source(%arg10 : memref<128x128xf32, #tpu.memory_space<vmem>>) target(%dma_start3A_137 : memref<10240x128xf32, #tpu.memory_space<vmem_shared>>) offsets(%dma_start3A_134 : memref<128xi32, #tpu.memory_space<vmem>>) semaphore(%run_scoped3A_131 : memref<!tpu.dma_semaphore, #tpu.memory_space<semaphore_mem>>) {add = true}
        %dma_wait3A_138 = arith.constant 0 : i32
        %dma_wait3A_139 = tpu.memref_slice %arg8[%run_scoped3A_107, %dma_wait3A_138] : memref<8x128xi32, #tpu.memory_space<vmem>> -> memref<1x128xi32, #tpu.memory_space<vmem>>
        %dma_wait3A_140 = tpu.memref_squeeze %dma_wait3A_139 : memref<1x128xi32, #tpu.memory_space<vmem>> -> memref<128xi32, #tpu.memory_space<vmem>>
        %dma_wait3A_141 = arith.constant 0 : i32
        %dma_wait3A_142 = arith.constant 0 : i32
        %dma_wait3A_143 = tpu.memref_slice %arg11[%dma_wait3A_141, %dma_wait3A_142] : memref<10240x128xf32, #tpu.memory_space<vmem_shared>> -> memref<10240x128xf32, #tpu.memory_space<vmem_shared>>
        tpu.wait_indirect_dma semaphore(%run_scoped3A_131 : memref<!tpu.dma_semaphore, #tpu.memory_space<semaphore_mem>>) src(%arg10 : memref<128x128xf32, #tpu.memory_space<vmem>>) dst(%dma_wait3A_143 : memref<10240x128xf32, #tpu.memory_space<vmem_shared>>)
        tpu.yield
      }) : () -> ()
      %dma_wait3A_108 = arith.constant 6 : i32
      %dma_wait3A_109 = arith.constant 0 : i32
      %dma_wait3A_110 = tpu.memref_slice %arg7[%dma_wait3A_108, %dma_wait3A_109] : memref<8x128xi32, #tpu.memory_space<vmem>> -> memref<1x128xi32, #tpu.memory_space<vmem>>
      %dma_wait3A_111 = tpu.memref_squeeze %dma_wait3A_110 : memref<1x128xi32, #tpu.memory_space<vmem>> -> memref<128xi32, #tpu.memory_space<vmem>>
      %dma_wait3A_112 = arith.constant 0 : i32
      %dma_wait3A_113 = arith.constant 0 : i32
      %dma_wait3A_114 = tpu.memref_slice %arg2[%dma_wait3A_112, %dma_wait3A_113] : memref<10240x128xf32, #tpu.memory_space<hbm>> -> memref<10240x128xf32, #tpu.memory_space<hbm>>
      tpu.wait_indirect_dma semaphore(%arg12 : memref<!tpu.dma_semaphore, #tpu.memory_space<semaphore_mem>>) src(%dma_wait3A_114 : memref<10240x128xf32, #tpu.memory_space<hbm>>) dst(%arg9 : memref<128x128xf32, #tpu.memory_space<vmem>>)
      %dma_start3A_115 = arith.constant 7 : i32
      %dma_start3A_116 = arith.constant 0 : i32
      %dma_start3A_117 = tpu.memref_slice %arg7[%dma_start3A_115, %dma_start3A_116] : memref<8x128xi32, #tpu.memory_space<vmem>> -> memref<1x128xi32, #tpu.memory_space<vmem>>
      %dma_start3A_118 = tpu.memref_squeeze %dma_start3A_117 : memref<1x128xi32, #tpu.memory_space<vmem>> -> memref<128xi32, #tpu.memory_space<vmem>>
      %dma_start3A_119 = arith.constant 0 : i32
      %dma_start3A_120 = arith.constant 0 : i32
      %dma_start3A_121 = tpu.memref_slice %arg2[%dma_start3A_119, %dma_start3A_120] : memref<10240x128xf32, #tpu.memory_space<hbm>> -> memref<10240x128xf32, #tpu.memory_space<hbm>>
      tpu.enqueue_indirect_dma source(%dma_start3A_121 : memref<10240x128xf32, #tpu.memory_space<hbm>>) target(%arg10 : memref<128x128xf32, #tpu.memory_space<vmem>>) offsets(%dma_start3A_118 : memref<128xi32, #tpu.memory_space<vmem>>) semaphore(%arg13 : memref<!tpu.dma_semaphore, #tpu.memory_space<semaphore_mem>>)
      %run_scoped3A_122 = arith.constant 6 : i32
      "tpu.region"() ({
        %run_scoped3A_131 = tpu.sem_alloc : memref<!tpu.dma_semaphore, #tpu.memory_space<semaphore_mem>>
        %dma_start3A_132 = arith.constant 0 : i32
        %dma_start3A_133 = tpu.memref_slice %arg8[%run_scoped3A_122, %dma_start3A_132] : memref<8x128xi32, #tpu.memory_space<vmem>> -> memref<1x128xi32, #tpu.memory_space<vmem>>
        %dma_start3A_134 = tpu.memref_squeeze %dma_start3A_133 : memref<1x128xi32, #tpu.memory_space<vmem>> -> memref<128xi32, #tpu.memory_space<vmem>>
        %dma_start3A_135 = arith.constant 0 : i32
        %dma_start3A_136 = arith.constant 0 : i32
        %dma_start3A_137 = tpu.memref_slice %arg11[%dma_start3A_135, %dma_start3A_136] : memref<10240x128xf32, #tpu.memory_space<vmem_shared>> -> memref<10240x128xf32, #tpu.memory_space<vmem_shared>>
        tpu.enqueue_indirect_dma source(%arg9 : memref<128x128xf32, #tpu.memory_space<vmem>>) target(%dma_start3A_137 : memref<10240x128xf32, #tpu.memory_space<vmem_shared>>) offsets(%dma_start3A_134 : memref<128xi32, #tpu.memory_space<vmem>>) semaphore(%run_scoped3A_131 : memref<!tpu.dma_semaphore, #tpu.memory_space<semaphore_mem>>) {add = true}
        %dma_wait3A_138 = arith.constant 0 : i32
        %dma_wait3A_139 = tpu.memref_slice %arg8[%run_scoped3A_122, %dma_wait3A_138] : memref<8x128xi32, #tpu.memory_space<vmem>> -> memref<1x128xi32, #tpu.memory_space<vmem>>
        %dma_wait3A_140 = tpu.memref_squeeze %dma_wait3A_139 : memref<1x128xi32, #tpu.memory_space<vmem>> -> memref<128xi32, #tpu.memory_space<vmem>>
        %dma_wait3A_141 = arith.constant 0 : i32
        %dma_wait3A_142 = arith.constant 0 : i32
        %dma_wait3A_143 = tpu.memref_slice %arg11[%dma_wait3A_141, %dma_wait3A_142] : memref<10240x128xf32, #tpu.memory_space<vmem_shared>> -> memref<10240x128xf32, #tpu.memory_space<vmem_shared>>
        tpu.wait_indirect_dma semaphore(%run_scoped3A_131 : memref<!tpu.dma_semaphore, #tpu.memory_space<semaphore_mem>>) src(%arg9 : memref<128x128xf32, #tpu.memory_space<vmem>>) dst(%dma_wait3A_143 : memref<10240x128xf32, #tpu.memory_space<vmem_shared>>)
        tpu.yield
      }) : () -> ()
      %dma_wait3A_123 = arith.constant 7 : i32
      %dma_wait3A_124 = arith.constant 0 : i32
      %dma_wait3A_125 = tpu.memref_slice %arg7[%dma_wait3A_123, %dma_wait3A_124] : memref<8x128xi32, #tpu.memory_space<vmem>> -> memref<1x128xi32, #tpu.memory_space<vmem>>
      %dma_wait3A_126 = tpu.memref_squeeze %dma_wait3A_125 : memref<1x128xi32, #tpu.memory_space<vmem>> -> memref<128xi32, #tpu.memory_space<vmem>>
      %dma_wait3A_127 = arith.constant 0 : i32
      %dma_wait3A_128 = arith.constant 0 : i32
      %dma_wait3A_129 = tpu.memref_slice %arg2[%dma_wait3A_127, %dma_wait3A_128] : memref<10240x128xf32, #tpu.memory_space<hbm>> -> memref<10240x128xf32, #tpu.memory_space<hbm>>
      tpu.wait_indirect_dma semaphore(%arg13 : memref<!tpu.dma_semaphore, #tpu.memory_space<semaphore_mem>>) src(%dma_wait3A_129 : memref<10240x128xf32, #tpu.memory_space<hbm>>) dst(%arg10 : memref<128x128xf32, #tpu.memory_space<vmem>>)
      %run_scoped3A_130 = arith.constant 7 : i32
      "tpu.region"() ({
        %run_scoped3A_131 = tpu.sem_alloc : memref<!tpu.dma_semaphore, #tpu.memory_space<semaphore_mem>>
        %dma_start3A_132 = arith.constant 0 : i32
        %dma_start3A_133 = tpu.memref_slice %arg8[%run_scoped3A_130, %dma_start3A_132] : memref<8x128xi32, #tpu.memory_space<vmem>> -> memref<1x128xi32, #tpu.memory_space<vmem>>
        %dma_start3A_134 = tpu.memref_squeeze %dma_start3A_133 : memref<1x128xi32, #tpu.memory_space<vmem>> -> memref<128xi32, #tpu.memory_space<vmem>>
        %dma_start3A_135 = arith.constant 0 : i32
        %dma_start3A_136 = arith.constant 0 : i32
        %dma_start3A_137 = tpu.memref_slice %arg11[%dma_start3A_135, %dma_start3A_136] : memref<10240x128xf32, #tpu.memory_space<vmem_shared>> -> memref<10240x128xf32, #tpu.memory_space<vmem_shared>>
        tpu.enqueue_indirect_dma source(%arg10 : memref<128x128xf32, #tpu.memory_space<vmem>>) target(%dma_start3A_137 : memref<10240x128xf32, #tpu.memory_space<vmem_shared>>) offsets(%dma_start3A_134 : memref<128xi32, #tpu.memory_space<vmem>>) semaphore(%run_scoped3A_131 : memref<!tpu.dma_semaphore, #tpu.memory_space<semaphore_mem>>) {add = true}
        %dma_wait3A_138 = arith.constant 0 : i32
        %dma_wait3A_139 = tpu.memref_slice %arg8[%run_scoped3A_130, %dma_wait3A_138] : memref<8x128xi32, #tpu.memory_space<vmem>> -> memref<1x128xi32, #tpu.memory_space<vmem>>
        %dma_wait3A_140 = tpu.memref_squeeze %dma_wait3A_139 : memref<1x128xi32, #tpu.memory_space<vmem>> -> memref<128xi32, #tpu.memory_space<vmem>>
        %dma_wait3A_141 = arith.constant 0 : i32
        %dma_wait3A_142 = arith.constant 0 : i32
        %dma_wait3A_143 = tpu.memref_slice %arg11[%dma_wait3A_141, %dma_wait3A_142] : memref<10240x128xf32, #tpu.memory_space<vmem_shared>> -> memref<10240x128xf32, #tpu.memory_space<vmem_shared>>
        tpu.wait_indirect_dma semaphore(%run_scoped3A_131 : memref<!tpu.dma_semaphore, #tpu.memory_space<semaphore_mem>>) src(%arg10 : memref<128x128xf32, #tpu.memory_space<vmem>>) dst(%dma_wait3A_143 : memref<10240x128xf32, #tpu.memory_space<vmem_shared>>)
        tpu.yield
      }) : () -> ()
    }
    %scan3A_7 = arith.constant 10 : i32
    %barrier3A_8 = arith.constant 0 : index
    tpu.barrier barrier_id(%barrier3A_8)
    %mul3A_9 = arith.constant 640 : i32
    %mul3A_10 = arith.muli %arg1, %mul3A_9 : i32
    %mul3A_11 = arith.constant 640 : i32
    %mul3A_12 = arith.muli %arg1, %mul3A_11 : i32
    "tpu.region"() ({
      %run_scoped3A = tpu.sem_alloc : memref<!tpu.dma_semaphore, #tpu.memory_space<semaphore_mem>>
      %dma_start3A = arith.constant 0 : i32
      %dma_start3A_13 = tpu.memref_slice %arg6[%arg0, %mul3A_12, %dma_start3A] : memref<2x10240x128xf32, #tpu.memory_space<hbm>> -> memref<1x640x128xf32, #tpu.memory_space<hbm>>
      %dma_start3A_14 = tpu.memref_squeeze %dma_start3A_13 : memref<1x640x128xf32, #tpu.memory_space<hbm>> -> memref<640x128xf32, #tpu.memory_space<hbm>>
      %dma_start3A_15 = arith.constant 0 : i32
      %dma_start3A_16 = tpu.memref_slice %arg11[%mul3A_10, %dma_start3A_15] : memref<10240x128xf32, #tpu.memory_space<vmem_shared>> -> memref<640x128xf32, #tpu.memory_space<vmem_shared>>
      tpu.enqueue_dma source(%dma_start3A_16 : memref<640x128xf32, #tpu.memory_space<vmem_shared>>) target(%dma_start3A_14 : memref<640x128xf32, #tpu.memory_space<hbm>>) target_semaphore(%run_scoped3A : memref<!tpu.dma_semaphore, #tpu.memory_space<semaphore_mem>>)
      %dma_wait3A = arith.constant 0 : i32
      %dma_wait3A_17 = tpu.memref_slice %arg6[%arg0, %mul3A_12, %dma_wait3A] : memref<2x10240x128xf32, #tpu.memory_space<hbm>> -> memref<1x640x128xf32, #tpu.memory_space<hbm>>
      %dma_wait3A_18 = tpu.memref_squeeze %dma_wait3A_17 : memref<1x640x128xf32, #tpu.memory_space<hbm>> -> memref<640x128xf32, #tpu.memory_space<hbm>>
      %dma_wait3A_19 = arith.constant 0 : i32
      %dma_wait3A_20 = tpu.memref_slice %arg11[%mul3A_10, %dma_wait3A_19] : memref<10240x128xf32, #tpu.memory_space<vmem_shared>> -> memref<640x128xf32, #tpu.memory_space<vmem_shared>>
      tpu.wait_dma2 semaphore(%run_scoped3A : memref<!tpu.dma_semaphore, #tpu.memory_space<semaphore_mem>>) src(%dma_wait3A_20 : memref<640x128xf32, #tpu.memory_space<vmem_shared>>) dst(%dma_wait3A_18 : memref<640x128xf32, #tpu.memory_space<hbm>>)
      tpu.yield
    }) : () -> ()
    return
  }
}

module attributes {stable_mosaic.version = 14 : i64} {
  func.func @_init_body(%arg0: i32, %arg1: memref<256x128xf32, #tpu.memory_space<vmem>>, %arg2: memref<128x128xf32, #tpu.memory_space<vmem>>, %arg3: memref<2x256x16xf32, #tpu.memory_space<vmem>>, %arg4: memref<1x1x256xi32, #tpu.memory_space<vmem>>, %arg5: memref<256x128xf32, #tpu.memory_space<vmem>>, %arg6: memref<256x16xf32, #tpu.memory_space<vmem>>, %arg7: memref<64x128xf32, #tpu.memory_space<vmem>>, %arg8: memref<64x128xf32, #tpu.memory_space<vmem>>) attributes {dimension_semantics = [#tpu.dimension_semantics<arbitrary>], iteration_bounds = array<i64: 40>, scalar_prefetch = 0 : i64, scratch_operands = 1 : i64, tpu.core_type = #tpu.core_type<tc>, window_params = [{transform_indices = @transform_0, window_bounds = array<i64: 256, 128>}, {pipeline_mode = #tpu.pipeline_mode<synchronous>, transform_indices = @transform_1, window_bounds = array<i64: 128, 128>}, {transform_indices = @transform_2, window_bounds = array<i64: 2, 256, 16>}, {transform_indices = @transform_3, window_bounds = array<i64: 1, 1, 256>}, {transform_indices = @transform_4, window_bounds = array<i64: 256, 128>}, {transform_indices = @transform_5, window_bounds = array<i64: 256, 16>}, {pipeline_mode = #tpu.pipeline_mode<synchronous>, transform_indices = @transform_6, window_bounds = array<i64: 64, 128>}]} {
    %get3A = arith.constant 0 : index
    %get3A_0 = arith.constant 0 : index
    %get3A_1 = arith.constant 0 : index
    %get3A_2 = vector.load %arg3[%get3A, %get3A_0, %get3A_1] : memref<2x256x16xf32, #tpu.memory_space<vmem>>, vector<1x256x16xf32>
    %get3A_3 = vector.shape_cast %get3A_2 : vector<1x256x16xf32> to vector<256x16xf32>
    %add3A = arith.constant 1.000000e+00 : f32
    %add3A_4 = vector.broadcast %add3A : f32 to vector<256x16xf32>
    %add3A_5 = arith.addf %add3A_4, %get3A_3 : vector<256x16xf32>
    %get3A_6 = arith.constant 1 : index
    %get3A_7 = arith.constant 0 : index
    %get3A_8 = arith.constant 0 : index
    %get3A_9 = vector.load %arg3[%get3A_6, %get3A_7, %get3A_8] : memref<2x256x16xf32, #tpu.memory_space<vmem>>, vector<1x256x16xf32>
    %get3A_10 = vector.shape_cast %get3A_9 : vector<1x256x16xf32> to vector<256x16xf32>
    %add3A_11 = arith.addf %add3A_5, %get3A_10 : vector<256x16xf32>
    %rsqrt3A = math.rsqrt %add3A_11 : vector<256x16xf32>
    %swap3A = arith.constant 0 : index
    %swap3A_12 = arith.constant 0 : index
    %swap3A_13 = vector.load %arg6[%swap3A, %swap3A_12] : memref<256x16xf32, #tpu.memory_space<vmem>>, vector<256x16xf32>
    tpu.vector_store %arg6[%swap3A, %swap3A_12], %rsqrt3A {strides = array<i32>} : memref<256x16xf32, #tpu.memory_space<vmem>>, vector<256x16xf32>,
    %slice3A = vector.extract_strided_slice %rsqrt3A {offsets = [0, 0], sizes = [256, 1], strides = [1, 1]} : vector<256x16xf32> to vector<256x1xf32>
    %get3A_14 = arith.constant 0 : index
    %get3A_15 = arith.constant 0 : index
    %get3A_16 = vector.load %arg1[%get3A_14, %get3A_15] : memref<256x128xf32, #tpu.memory_space<vmem>>, vector<256x128xf32>
    %get3A_17 = arith.constant 0 : index
    %get3A_18 = arith.constant 0 : index
    %get3A_19 = vector.load %arg2[%get3A_17, %get3A_18] : memref<128x128xf32, #tpu.memory_space<vmem>>, vector<128x128xf32>
    %dot_general3A = arith.constant dense<0.000000e+00> : vector<256x128xf32>
    %dot_general3A_20 = tpu.matmul %get3A_16, %get3A_19, %dot_general3A {dimension_numbers = #tpu.dot_dimension_numbers<[1], [0], [0], [1], [0, 0, 1, 1], [], []>, precision = #tpu.contract_precision<fp32>, transpose_lhs_hint = false} : vector<256x128xf32>, vector<128x128xf32>, vector<256x128xf32> -> vector<256x128xf32>
    %mul3A = vector.broadcast %slice3A : vector<256x1xf32> to vector<256x128xf32>
    %mul3A_21 = arith.mulf %mul3A, %dot_general3A_20 : vector<256x128xf32>
    %swap3A_22 = arith.constant 0 : index
    %swap3A_23 = arith.constant 0 : index
    %swap3A_24 = vector.load %arg5[%swap3A_22, %swap3A_23] : memref<256x128xf32, #tpu.memory_space<vmem>>, vector<256x128xf32>
    tpu.vector_store %arg5[%swap3A_22, %swap3A_23], %mul3A_21 {strides = array<i32>} : memref<256x128xf32, #tpu.memory_space<vmem>>, vector<256x128xf32>,
    %get3A_25 = arith.constant 0 : index
    %get3A_26 = arith.constant 0 : index
    %get3A_27 = arith.constant 0 : index
    %get3A_28 = vector.load %arg4[%get3A_25, %get3A_26, %get3A_27] : memref<1x1x256xi32, #tpu.memory_space<vmem>>, vector<1x1x256xi32>
    %get3A_29 = vector.shape_cast %get3A_28 : vector<1x1x256xi32> to vector<256xi32>
    %broadcast_in_dim3A = vector.shape_cast %get3A_29 : vector<256xi32> to vector<256x1xi32>
    %iota3A = tpu.iota {dimensions = array<i32: 1>} : vector<256x64xi32>
    %eq3A = vector.broadcast %broadcast_in_dim3A : vector<256x1xi32> to vector<256x64xi32>
    %eq3A_30 = arith.cmpi eq, %eq3A, %iota3A : vector<256x64xi32>
    %convert_element_type3A = arith.extui %eq3A_30 : vector<256x64xi1> to vector<256x64xi32>
    %convert_element_type3A_31 = arith.sitofp %convert_element_type3A : vector<256x64xi32> to vector<256x64xf32>
    %broadcast_in_dim3A_32 = arith.constant 1.000000e+00 : f32
    %broadcast_in_dim3A_33 = vector.broadcast %broadcast_in_dim3A_32 : f32 to vector<256x128xf32>
    %eq3A_34 = arith.constant 0 : i32
    %eq3A_35 = arith.cmpi eq, %arg0, %eq3A_34 : i32
    %convert_element_type3A_36 = arith.extui %eq3A_35 : i1 to i32
    %cond3A = arith.constant 0 : i32
    %cond3A_37 = arith.cmpi ne, %convert_element_type3A_36, %cond3A : i32
    scf.if %cond3A_37 {
      %broadcast_in_dim3A_55 = arith.constant 0.000000e+00 : f32
      %broadcast_in_dim3A_56 = vector.broadcast %broadcast_in_dim3A_55 : f32 to vector<64x128xf32>
      %swap3A_57 = arith.constant 0 : index
      %swap3A_58 = arith.constant 0 : index
      %swap3A_59 = vector.load %arg8[%swap3A_57, %swap3A_58] : memref<64x128xf32, #tpu.memory_space<vmem>>, vector<64x128xf32>
      tpu.vector_store %arg8[%swap3A_57, %swap3A_58], %broadcast_in_dim3A_56 {strides = array<i32>} : memref<64x128xf32, #tpu.memory_space<vmem>>, vector<64x128xf32>,
    } else {
    }
    %get3A_38 = arith.constant 0 : index
    %get3A_39 = arith.constant 0 : index
    %get3A_40 = vector.load %arg8[%get3A_38, %get3A_39] : memref<64x128xf32, #tpu.memory_space<vmem>>, vector<64x128xf32>
    %dot_general3A_41 = arith.constant dense<0.000000e+00> : vector<64x128xf32>
    %dot_general3A_42 = tpu.matmul %convert_element_type3A_31, %broadcast_in_dim3A_33, %dot_general3A_41 {dimension_numbers = #tpu.dot_dimension_numbers<[0], [0], [1], [1], [0, 1, 1, 1], [], []>, precision = #tpu.contract_precision<fp32>, transpose_lhs_hint = false} : vector<256x64xf32>, vector<256x128xf32>, vector<64x128xf32> -> vector<64x128xf32>
    %add3A_43 = arith.addf %get3A_40, %dot_general3A_42 : vector<64x128xf32>
    %swap3A_44 = arith.constant 0 : index
    %swap3A_45 = arith.constant 0 : index
    %swap3A_46 = vector.load %arg8[%swap3A_44, %swap3A_45] : memref<64x128xf32, #tpu.memory_space<vmem>>, vector<64x128xf32>
    tpu.vector_store %arg8[%swap3A_44, %swap3A_45], %add3A_43 {strides = array<i32>} : memref<64x128xf32, #tpu.memory_space<vmem>>, vector<64x128xf32>,
    %get3A_47 = arith.constant 0 : index
    %get3A_48 = arith.constant 0 : index
    %get3A_49 = vector.load %arg8[%get3A_47, %get3A_48] : memref<64x128xf32, #tpu.memory_space<vmem>>, vector<64x128xf32>
    %max3A = arith.constant 1.000000e+00 : f32
    %max3A_50 = vector.broadcast %max3A : f32 to vector<64x128xf32>
    %max3A_51 = arith.maximumf %get3A_49, %max3A_50 : vector<64x128xf32>
    %swap3A_52 = arith.constant 0 : index
    %swap3A_53 = arith.constant 0 : index
    %swap3A_54 = vector.load %arg7[%swap3A_52, %swap3A_53] : memref<64x128xf32, #tpu.memory_space<vmem>>, vector<64x128xf32>
    tpu.vector_store %arg7[%swap3A_52, %swap3A_53], %max3A_51 {strides = array<i32>} : memref<64x128xf32, #tpu.memory_space<vmem>>, vector<64x128xf32>,
    return
  }
  func.func @transform_0(%arg0: i32) -> (i32, i32) {
    %c0_i32 = arith.constant 0 : i32
    %c0_i32_0 = arith.constant 0 : i32
    return %arg0, %c0_i32 : i32, i32
  }
  func.func @transform_1(%arg0: i32) -> (i32, i32) {
    %c0_i32 = arith.constant 0 : i32
    %c0_i32_0 = arith.constant 0 : i32
    %c0_i32_1 = arith.constant 0 : i32
    return %c0_i32, %c0_i32_0 : i32, i32
  }
  func.func @transform_2(%arg0: i32) -> (i32, i32, i32) {
    %c0_i32 = arith.constant 0 : i32
    %c0_i32_0 = arith.constant 0 : i32
    %c0_i32_1 = arith.constant 0 : i32
    return %c0_i32, %arg0, %c0_i32_0 : i32, i32, i32
  }
  func.func @transform_3(%arg0: i32) -> (i32, i32, i32) {
    %c0_i32 = arith.constant 0 : i32
    %c0_i32_0 = arith.constant 0 : i32
    %c0_i32_1 = arith.constant 0 : i32
    return %arg0, %c0_i32, %c0_i32_0 : i32, i32, i32
  }
  func.func @transform_4(%arg0: i32) -> (i32, i32) {
    %c0_i32 = arith.constant 0 : i32
    %c0_i32_0 = arith.constant 0 : i32
    return %arg0, %c0_i32 : i32, i32
  }
  func.func @transform_5(%arg0: i32) -> (i32, i32) {
    %c0_i32 = arith.constant 0 : i32
    %c0_i32_0 = arith.constant 0 : i32
    return %arg0, %c0_i32 : i32, i32
  }
  func.func @transform_6(%arg0: i32) -> (i32, i32) {
    %c0_i32 = arith.constant 0 : i32
    %c0_i32_0 = arith.constant 0 : i32
    %c0_i32_1 = arith.constant 0 : i32
    return %c0_i32, %c0_i32_0 : i32, i32
  }
}

module attributes {stable_mosaic.version = 14 : i64} {
  func.func @_a_body(%arg0: i32, %arg1: memref<2x256x128xf32, #tpu.memory_space<vmem>>, %arg2: memref<256x128xf32, #tpu.memory_space<vmem>>, %arg3: memref<256x16xf32, #tpu.memory_space<vmem>>, %arg4: memref<1x1x256xi32, #tpu.memory_space<vmem>>, %arg5: memref<64x128xf32, #tpu.memory_space<vmem>>, %arg6: memref<1x128xf32, #tpu.memory_space<vmem>>, %arg7: memref<1x128xf32, #tpu.memory_space<vmem>>, %arg8: memref<256x128xf32, #tpu.memory_space<vmem>>, %arg9: memref<64x128xf32, #tpu.memory_space<vmem>>, %arg10: memref<64x128xf32, #tpu.memory_space<vmem>>, %arg11: memref<64x128xf32, #tpu.memory_space<vmem>>, %arg12: memref<64x128xf32, #tpu.memory_space<vmem>>) attributes {dimension_semantics = [#tpu.dimension_semantics<arbitrary>], iteration_bounds = array<i64: 40>, scalar_prefetch = 0 : i64, scratch_operands = 2 : i64, tpu.core_type = #tpu.core_type<tc>, window_params = [{transform_indices = @transform_0, window_bounds = array<i64: 2, 256, 128>}, {transform_indices = @transform_1, window_bounds = array<i64: 256, 128>}, {transform_indices = @transform_2, window_bounds = array<i64: 256, 16>}, {transform_indices = @transform_3, window_bounds = array<i64: 1, 1, 256>}, {pipeline_mode = #tpu.pipeline_mode<synchronous>, transform_indices = @transform_4, window_bounds = array<i64: 64, 128>}, {pipeline_mode = #tpu.pipeline_mode<synchronous>, transform_indices = @transform_5, window_bounds = array<i64: 1, 128>}, {pipeline_mode = #tpu.pipeline_mode<synchronous>, transform_indices = @transform_6, window_bounds = array<i64: 1, 128>}, {transform_indices = @transform_7, window_bounds = array<i64: 256, 128>}, {pipeline_mode = #tpu.pipeline_mode<synchronous>, transform_indices = @transform_8, window_bounds = array<i64: 64, 128>}, {pipeline_mode = #tpu.pipeline_mode<synchronous>, transform_indices = @transform_9, window_bounds = array<i64: 64, 128>}]} {
    %get3A = arith.constant 0 : index
    %get3A_0 = arith.constant 0 : index
    %get3A_1 = vector.load %arg3[%get3A, %get3A_0] : memref<256x16xf32, #tpu.memory_space<vmem>>, vector<256x1xf32>
    %get3A_2 = arith.constant 0 : index
    %get3A_3 = arith.constant 0 : index
    %get3A_4 = arith.constant 0 : index
    %get3A_5 = vector.load %arg1[%get3A_2, %get3A_3, %get3A_4] : memref<2x256x128xf32, #tpu.memory_space<vmem>>, vector<1x256x128xf32>
    %get3A_6 = vector.shape_cast %get3A_5 : vector<1x256x128xf32> to vector<256x128xf32>
    %get3A_7 = arith.constant 1 : index
    %get3A_8 = arith.constant 0 : index
    %get3A_9 = arith.constant 0 : index
    %get3A_10 = vector.load %arg1[%get3A_7, %get3A_8, %get3A_9] : memref<2x256x128xf32, #tpu.memory_space<vmem>>, vector<1x256x128xf32>
    %get3A_11 = vector.shape_cast %get3A_10 : vector<1x256x128xf32> to vector<256x128xf32>
    %add3A = arith.addf %get3A_6, %get3A_11 : vector<256x128xf32>
    %get3A_12 = arith.constant 0 : index
    %get3A_13 = arith.constant 0 : index
    %get3A_14 = vector.load %arg2[%get3A_12, %get3A_13] : memref<256x128xf32, #tpu.memory_space<vmem>>, vector<256x128xf32>
    %add3A_15 = arith.addf %add3A, %get3A_14 : vector<256x128xf32>
    %mul3A = vector.broadcast %get3A_1 : vector<256x1xf32> to vector<256x128xf32>
    %mul3A_16 = arith.mulf %mul3A, %add3A_15 : vector<256x128xf32>
    %get3A_17 = arith.constant 0 : index
    %get3A_18 = arith.constant 0 : index
    %get3A_19 = vector.load %arg6[%get3A_17, %get3A_18] : memref<1x128xf32, #tpu.memory_space<vmem>>, vector<1x128xf32>
    %add3A_20 = vector.broadcast %get3A_19 : vector<1x128xf32> to vector<256x128xf32>
    %add3A_21 = arith.addf %mul3A_16, %add3A_20 : vector<256x128xf32>
    %swap3A = arith.constant 0 : index
    %swap3A_22 = arith.constant 0 : index
    %swap3A_23 = vector.load %arg8[%swap3A, %swap3A_22] : memref<256x128xf32, #tpu.memory_space<vmem>>, vector<256x128xf32>
    tpu.vector_store %arg8[%swap3A, %swap3A_22], %add3A_21 {strides = array<i32>} : memref<256x128xf32, #tpu.memory_space<vmem>>, vector<256x128xf32>,
    %get3A_24 = arith.constant 0 : index
    %get3A_25 = arith.constant 0 : index
    %get3A_26 = arith.constant 0 : index
    %get3A_27 = vector.load %arg4[%get3A_24, %get3A_25, %get3A_26] : memref<1x1x256xi32, #tpu.memory_space<vmem>>, vector<1x1x256xi32>
    %get3A_28 = vector.shape_cast %get3A_27 : vector<1x1x256xi32> to vector<256xi32>
    %broadcast_in_dim3A = vector.shape_cast %get3A_28 : vector<256xi32> to vector<256x1xi32>
    %iota3A = tpu.iota {dimensions = array<i32: 1>} : vector<256x64xi32>
    %eq3A = vector.broadcast %broadcast_in_dim3A : vector<256x1xi32> to vector<256x64xi32>
    %eq3A_29 = arith.cmpi eq, %eq3A, %iota3A : vector<256x64xi32>
    %convert_element_type3A = arith.extui %eq3A_29 : vector<256x64xi1> to vector<256x64xi32>
    %convert_element_type3A_30 = arith.sitofp %convert_element_type3A : vector<256x64xi32> to vector<256x64xf32>
    %eq3A_31 = arith.constant 0 : i32
    %eq3A_32 = arith.cmpi eq, %arg0, %eq3A_31 : i32
    %convert_element_type3A_33 = arith.extui %eq3A_32 : i1 to i32
    %cond3A = arith.constant 0 : i32
    %cond3A_34 = arith.cmpi ne, %convert_element_type3A_33, %cond3A : i32
    scf.if %cond3A_34 {
      %broadcast_in_dim3A_86 = arith.constant 0.000000e+00 : f32
      %broadcast_in_dim3A_87 = vector.broadcast %broadcast_in_dim3A_86 : f32 to vector<64x128xf32>
      %swap3A_88 = arith.constant 0 : index
      %swap3A_89 = arith.constant 0 : index
      %swap3A_90 = vector.load %arg11[%swap3A_88, %swap3A_89] : memref<64x128xf32, #tpu.memory_space<vmem>>, vector<64x128xf32>
      tpu.vector_store %arg11[%swap3A_88, %swap3A_89], %broadcast_in_dim3A_87 {strides = array<i32>} : memref<64x128xf32, #tpu.memory_space<vmem>>, vector<64x128xf32>,
      %broadcast_in_dim3A_91 = arith.constant 0.000000e+00 : f32
      %broadcast_in_dim3A_92 = vector.broadcast %broadcast_in_dim3A_91 : f32 to vector<64x128xf32>
      %swap3A_93 = arith.constant 0 : index
      %swap3A_94 = arith.constant 0 : index
      %swap3A_95 = vector.load %arg12[%swap3A_93, %swap3A_94] : memref<64x128xf32, #tpu.memory_space<vmem>>, vector<64x128xf32>
      tpu.vector_store %arg12[%swap3A_93, %swap3A_94], %broadcast_in_dim3A_92 {strides = array<i32>} : memref<64x128xf32, #tpu.memory_space<vmem>>, vector<64x128xf32>,
    } else {
    }
    %get3A_35 = arith.constant 0 : index
    %get3A_36 = arith.constant 0 : index
    %get3A_37 = vector.load %arg11[%get3A_35, %get3A_36] : memref<64x128xf32, #tpu.memory_space<vmem>>, vector<64x128xf32>
    %dot_general3A = arith.constant dense<0.000000e+00> : vector<64x128xf32>
    %dot_general3A_38 = tpu.matmul %convert_element_type3A_30, %add3A_21, %dot_general3A {dimension_numbers = #tpu.dot_dimension_numbers<[0], [0], [1], [1], [0, 1, 1, 1], [], []>, precision = #tpu.contract_precision<fp32>, transpose_lhs_hint = false} : vector<256x64xf32>, vector<256x128xf32>, vector<64x128xf32> -> vector<64x128xf32>
    %add3A_39 = arith.addf %get3A_37, %dot_general3A_38 : vector<64x128xf32>
    %swap3A_40 = arith.constant 0 : index
    %swap3A_41 = arith.constant 0 : index
    %swap3A_42 = vector.load %arg11[%swap3A_40, %swap3A_41] : memref<64x128xf32, #tpu.memory_space<vmem>>, vector<64x128xf32>
    tpu.vector_store %arg11[%swap3A_40, %swap3A_41], %add3A_39 {strides = array<i32>} : memref<64x128xf32, #tpu.memory_space<vmem>>, vector<64x128xf32>,
    %get3A_43 = arith.constant 0 : index
    %get3A_44 = arith.constant 0 : index
    %get3A_45 = vector.load %arg12[%get3A_43, %get3A_44] : memref<64x128xf32, #tpu.memory_space<vmem>>, vector<64x128xf32>
    %mul3A_46 = arith.mulf %add3A_21, %add3A_21 : vector<256x128xf32>
    %dot_general3A_47 = arith.constant dense<0.000000e+00> : vector<64x128xf32>
    %dot_general3A_48 = tpu.matmul %convert_element_type3A_30, %mul3A_46, %dot_general3A_47 {dimension_numbers = #tpu.dot_dimension_numbers<[0], [0], [1], [1], [0, 1, 1, 1], [], []>, precision = #tpu.contract_precision<fp32>, transpose_lhs_hint = false} : vector<256x64xf32>, vector<256x128xf32>, vector<64x128xf32> -> vector<64x128xf32>
    %add3A_49 = arith.addf %get3A_45, %dot_general3A_48 : vector<64x128xf32>
    %swap3A_50 = arith.constant 0 : index
    %swap3A_51 = arith.constant 0 : index
    %swap3A_52 = vector.load %arg12[%swap3A_50, %swap3A_51] : memref<64x128xf32, #tpu.memory_space<vmem>>, vector<64x128xf32>
    tpu.vector_store %arg12[%swap3A_50, %swap3A_51], %add3A_49 {strides = array<i32>} : memref<64x128xf32, #tpu.memory_space<vmem>>, vector<64x128xf32>,
    %get3A_53 = arith.constant 0 : index
    %get3A_54 = arith.constant 0 : index
    %get3A_55 = vector.load %arg11[%get3A_53, %get3A_54] : memref<64x128xf32, #tpu.memory_space<vmem>>, vector<64x128xf32>
    %get3A_56 = arith.constant 0 : index
    %get3A_57 = arith.constant 0 : index
    %get3A_58 = vector.load %arg5[%get3A_56, %get3A_57] : memref<64x128xf32, #tpu.memory_space<vmem>>, vector<64x128xf32>
    %div3A = arith.divf %get3A_55, %get3A_58 : vector<64x128xf32>
    %swap3A_59 = arith.constant 0 : index
    %swap3A_60 = arith.constant 0 : index
    %swap3A_61 = vector.load %arg9[%swap3A_59, %swap3A_60] : memref<64x128xf32, #tpu.memory_space<vmem>>, vector<64x128xf32>
    tpu.vector_store %arg9[%swap3A_59, %swap3A_60], %div3A {strides = array<i32>} : memref<64x128xf32, #tpu.memory_space<vmem>>, vector<64x128xf32>,
    %get3A_62 = arith.constant 0 : index
    %get3A_63 = arith.constant 0 : index
    %get3A_64 = vector.load %arg7[%get3A_62, %get3A_63] : memref<1x128xf32, #tpu.memory_space<vmem>>, vector<1x128xf32>
    %mul3A_65 = vector.broadcast %get3A_64 : vector<1x128xf32> to vector<64x128xf32>
    %mul3A_66 = arith.mulf %mul3A_65, %div3A : vector<64x128xf32>
    %get3A_67 = arith.constant 0 : index
    %get3A_68 = arith.constant 0 : index
    %get3A_69 = vector.load %arg12[%get3A_67, %get3A_68] : memref<64x128xf32, #tpu.memory_space<vmem>>, vector<64x128xf32>
    %get3A_70 = arith.constant 0 : index
    %get3A_71 = arith.constant 0 : index
    %get3A_72 = vector.load %arg5[%get3A_70, %get3A_71] : memref<64x128xf32, #tpu.memory_space<vmem>>, vector<64x128xf32>
    %div3A_73 = arith.divf %get3A_69, %get3A_72 : vector<64x128xf32>
    %mul3A_74 = arith.constant 2.000000e+00 : f32
    %mul3A_75 = vector.broadcast %mul3A_74 : f32 to vector<64x128xf32>
    %mul3A_76 = arith.mulf %mul3A_75, %mul3A_66 : vector<64x128xf32>
    %mul3A_77 = arith.mulf %mul3A_76, %div3A : vector<64x128xf32>
    %sub3A = arith.subf %div3A_73, %mul3A_77 : vector<64x128xf32>
    %mul3A_78 = arith.mulf %mul3A_66, %mul3A_66 : vector<64x128xf32>
    %add3A_79 = arith.addf %sub3A, %mul3A_78 : vector<64x128xf32>
    %add3A_80 = arith.constant 9.99999974E-6 : f32
    %add3A_81 = vector.broadcast %add3A_80 : f32 to vector<64x128xf32>
    %add3A_82 = arith.addf %add3A_79, %add3A_81 : vector<64x128xf32>
    %rsqrt3A = math.rsqrt %add3A_82 : vector<64x128xf32>
    %swap3A_83 = arith.constant 0 : index
    %swap3A_84 = arith.constant 0 : index
    %swap3A_85 = vector.load %arg10[%swap3A_83, %swap3A_84] : memref<64x128xf32, #tpu.memory_space<vmem>>, vector<64x128xf32>
    tpu.vector_store %arg10[%swap3A_83, %swap3A_84], %rsqrt3A {strides = array<i32>} : memref<64x128xf32, #tpu.memory_space<vmem>>, vector<64x128xf32>,
    return
  }
  func.func @transform_0(%arg0: i32) -> (i32, i32, i32) {
    %c0_i32 = arith.constant 0 : i32
    %c0_i32_0 = arith.constant 0 : i32
    %c0_i32_1 = arith.constant 0 : i32
    return %c0_i32, %arg0, %c0_i32_0 : i32, i32, i32
  }
  func.func @transform_1(%arg0: i32) -> (i32, i32) {
    %c0_i32 = arith.constant 0 : i32
    %c0_i32_0 = arith.constant 0 : i32
    return %arg0, %c0_i32 : i32, i32
  }
  func.func @transform_2(%arg0: i32) -> (i32, i32) {
    %c0_i32 = arith.constant 0 : i32
    %c0_i32_0 = arith.constant 0 : i32
    return %arg0, %c0_i32 : i32, i32
  }
  func.func @transform_3(%arg0: i32) -> (i32, i32, i32) {
    %c0_i32 = arith.constant 0 : i32
    %c0_i32_0 = arith.constant 0 : i32
    %c0_i32_1 = arith.constant 0 : i32
    return %arg0, %c0_i32, %c0_i32_0 : i32, i32, i32
  }
  func.func @transform_4(%arg0: i32) -> (i32, i32) {
    %c0_i32 = arith.constant 0 : i32
    %c0_i32_0 = arith.constant 0 : i32
    %c0_i32_1 = arith.constant 0 : i32
    return %c0_i32, %c0_i32_0 : i32, i32
  }
  func.func @transform_5(%arg0: i32) -> (i32, i32) {
    %c0_i32 = arith.constant 0 : i32
    %c0_i32_0 = arith.constant 0 : i32
    %c0_i32_1 = arith.constant 0 : i32
    return %c0_i32, %c0_i32_0 : i32, i32
  }
  func.func @transform_6(%arg0: i32) -> (i32, i32) {
    %c0_i32 = arith.constant 0 : i32
    %c0_i32_0 = arith.constant 0 : i32
    %c0_i32_1 = arith.constant 0 : i32
    return %c0_i32, %c0_i32_0 : i32, i32
  }
  func.func @transform_7(%arg0: i32) -> (i32, i32) {
    %c0_i32 = arith.constant 0 : i32
    %c0_i32_0 = arith.constant 0 : i32
    return %arg0, %c0_i32 : i32, i32
  }
  func.func @transform_8(%arg0: i32) -> (i32, i32) {
    %c0_i32 = arith.constant 0 : i32
    %c0_i32_0 = arith.constant 0 : i32
    %c0_i32_1 = arith.constant 0 : i32
    return %c0_i32, %c0_i32_0 : i32, i32
  }
  func.func @transform_9(%arg0: i32) -> (i32, i32) {
    %c0_i32 = arith.constant 0 : i32
    %c0_i32_0 = arith.constant 0 : i32
    %c0_i32_1 = arith.constant 0 : i32
    return %c0_i32, %c0_i32_0 : i32, i32
  }
}

module attributes {stable_mosaic.version = 14 : i64} {
  func.func @_b_mid_body(%arg0: i32, %arg1: memref<256x128xf32, #tpu.memory_space<vmem>>, %arg2: memref<64x128xf32, #tpu.memory_space<vmem>>, %arg3: memref<64x128xf32, #tpu.memory_space<vmem>>, %arg4: memref<1x1x256xi32, #tpu.memory_space<vmem>>, %arg5: memref<256x16xf32, #tpu.memory_space<vmem>>, %arg6: memref<1x128xf32, #tpu.memory_space<vmem>>, %arg7: memref<1x128xf32, #tpu.memory_space<vmem>>, %arg8: memref<1x128xf32, #tpu.memory_space<vmem>>, %arg9: memref<128x128xf32, #tpu.memory_space<vmem>>, %arg10: memref<256x128xf32, #tpu.memory_space<vmem>>) attributes {dimension_semantics = [#tpu.dimension_semantics<arbitrary>], iteration_bounds = array<i64: 40>, scalar_prefetch = 0 : i64, scratch_operands = 0 : i64, tpu.core_type = #tpu.core_type<tc>, window_params = [{transform_indices = @transform_0, window_bounds = array<i64: 256, 128>}, {pipeline_mode = #tpu.pipeline_mode<synchronous>, transform_indices = @transform_1, window_bounds = array<i64: 64, 128>}, {pipeline_mode = #tpu.pipeline_mode<synchronous>, transform_indices = @transform_2, window_bounds = array<i64: 64, 128>}, {transform_indices = @transform_3, window_bounds = array<i64: 1, 1, 256>}, {transform_indices = @transform_4, window_bounds = array<i64: 256, 16>}, {pipeline_mode = #tpu.pipeline_mode<synchronous>, transform_indices = @transform_5, window_bounds = array<i64: 1, 128>}, {pipeline_mode = #tpu.pipeline_mode<synchronous>, transform_indices = @transform_6, window_bounds = array<i64: 1, 128>}, {pipeline_mode = #tpu.pipeline_mode<synchronous>, transform_indices = @transform_7, window_bounds = array<i64: 1, 128>}, {pipeline_mode = #tpu.pipeline_mode<synchronous>, transform_indices = @transform_8, window_bounds = array<i64: 128, 128>}, {transform_indices = @transform_9, window_bounds = array<i64: 256, 128>}]} {
    %get3A = arith.constant 0 : index
    %get3A_0 = arith.constant 0 : index
    %get3A_1 = arith.constant 0 : index
    %get3A_2 = vector.load %arg4[%get3A, %get3A_0, %get3A_1] : memref<1x1x256xi32, #tpu.memory_space<vmem>>, vector<1x1x256xi32>
    %get3A_3 = vector.shape_cast %get3A_2 : vector<1x1x256xi32> to vector<256xi32>
    %broadcast_in_dim3A = vector.shape_cast %get3A_3 : vector<256xi32> to vector<256x1xi32>
    %iota3A = tpu.iota {dimensions = array<i32: 1>} : vector<256x64xi32>
    %eq3A = vector.broadcast %broadcast_in_dim3A : vector<256x1xi32> to vector<256x64xi32>
    %eq3A_4 = arith.cmpi eq, %eq3A, %iota3A : vector<256x64xi32>
    %convert_element_type3A = arith.extui %eq3A_4 : vector<256x64xi1> to vector<256x64xi32>
    %convert_element_type3A_5 = arith.sitofp %convert_element_type3A : vector<256x64xi32> to vector<256x64xf32>
    %get3A_6 = arith.constant 0 : index
    %get3A_7 = arith.constant 0 : index
    %get3A_8 = vector.load %arg1[%get3A_6, %get3A_7] : memref<256x128xf32, #tpu.memory_space<vmem>>, vector<256x128xf32>
    %get3A_9 = arith.constant 0 : index
    %get3A_10 = arith.constant 0 : index
    %get3A_11 = vector.load %arg8[%get3A_9, %get3A_10] : memref<1x128xf32, #tpu.memory_space<vmem>>, vector<1x128xf32>
    %get3A_12 = arith.constant 0 : index
    %get3A_13 = arith.constant 0 : index
    %get3A_14 = vector.load %arg2[%get3A_12, %get3A_13] : memref<64x128xf32, #tpu.memory_space<vmem>>, vector<64x128xf32>
    %dot_general3A = arith.constant dense<0.000000e+00> : vector<256x128xf32>
    %dot_general3A_15 = tpu.matmul %convert_element_type3A_5, %get3A_14, %dot_general3A {dimension_numbers = #tpu.dot_dimension_numbers<[1], [0], [0], [1], [0, 0, 1, 1], [], []>, precision = #tpu.contract_precision<fp32>, transpose_lhs_hint = false} : vector<256x64xf32>, vector<64x128xf32>, vector<256x128xf32> -> vector<256x128xf32>
    %mul3A = vector.broadcast %get3A_11 : vector<1x128xf32> to vector<256x128xf32>
    %mul3A_16 = arith.mulf %mul3A, %dot_general3A_15 : vector<256x128xf32>
    %sub3A = arith.subf %get3A_8, %mul3A_16 : vector<256x128xf32>
    %get3A_17 = arith.constant 0 : index
    %get3A_18 = arith.constant 0 : index
    %get3A_19 = vector.load %arg6[%get3A_17, %get3A_18] : memref<1x128xf32, #tpu.memory_space<vmem>>, vector<1x128xf32>
    %mul3A_20 = vector.broadcast %get3A_19 : vector<1x128xf32> to vector<256x128xf32>
    %mul3A_21 = arith.mulf %mul3A_20, %sub3A : vector<256x128xf32>
    %get3A_22 = arith.constant 0 : index
    %get3A_23 = arith.constant 0 : index
    %get3A_24 = vector.load %arg3[%get3A_22, %get3A_23] : memref<64x128xf32, #tpu.memory_space<vmem>>, vector<64x128xf32>
    %dot_general3A_25 = arith.constant dense<0.000000e+00> : vector<256x128xf32>
    %dot_general3A_26 = tpu.matmul %convert_element_type3A_5, %get3A_24, %dot_general3A_25 {dimension_numbers = #tpu.dot_dimension_numbers<[1], [0], [0], [1], [0, 0, 1, 1], [], []>, precision = #tpu.contract_precision<fp32>, transpose_lhs_hint = false} : vector<256x64xf32>, vector<64x128xf32>, vector<256x128xf32> -> vector<256x128xf32>
    %mul3A_27 = arith.mulf %mul3A_21, %dot_general3A_26 : vector<256x128xf32>
    %get3A_28 = arith.constant 0 : index
    %get3A_29 = arith.constant 0 : index
    %get3A_30 = vector.load %arg7[%get3A_28, %get3A_29] : memref<1x128xf32, #tpu.memory_space<vmem>>, vector<1x128xf32>
    %add3A = vector.broadcast %get3A_30 : vector<1x128xf32> to vector<256x128xf32>
    %add3A_31 = arith.addf %mul3A_27, %add3A : vector<256x128xf32>
    %max3A = arith.constant 0.000000e+00 : f32
    %max3A_32 = vector.broadcast %max3A : f32 to vector<256x128xf32>
    %max3A_33 = arith.maximumf %add3A_31, %max3A_32 : vector<256x128xf32>
    %get3A_34 = arith.constant 0 : index
    %get3A_35 = arith.constant 0 : index
    %get3A_36 = vector.load %arg5[%get3A_34, %get3A_35] : memref<256x16xf32, #tpu.memory_space<vmem>>, vector<256x1xf32>
    %get3A_37 = arith.constant 0 : index
    %get3A_38 = arith.constant 0 : index
    %get3A_39 = vector.load %arg9[%get3A_37, %get3A_38] : memref<128x128xf32, #tpu.memory_space<vmem>>, vector<128x128xf32>
    %dot_general3A_40 = arith.constant dense<0.000000e+00> : vector<256x128xf32>
    %dot_general3A_41 = tpu.matmul %max3A_33, %get3A_39, %dot_general3A_40 {dimension_numbers = #tpu.dot_dimension_numbers<[1], [0], [0], [1], [0, 0, 1, 1], [], []>, precision = #tpu.contract_precision<fp32>, transpose_lhs_hint = false} : vector<256x128xf32>, vector<128x128xf32>, vector<256x128xf32> -> vector<256x128xf32>
    %mul3A_42 = vector.broadcast %get3A_36 : vector<256x1xf32> to vector<256x128xf32>
    %mul3A_43 = arith.mulf %mul3A_42, %dot_general3A_41 : vector<256x128xf32>
    %iota3A_44 = tpu.iota {dimensions = array<i32: 0>} : vector<256x128xi32>
    %mul3A_45 = arith.constant 256 : i32
    %mul3A_46 = arith.muli %arg0, %mul3A_45 : i32
    %add3A_47 = vector.broadcast %mul3A_46 : i32 to vector<256x128xi32>
    %add3A_48 = arith.addi %iota3A_44, %add3A_47 : vector<256x128xi32>
    %lt3A = arith.constant 10000 : i32
    %lt3A_49 = vector.broadcast %lt3A : i32 to vector<256x128xi32>
    %lt3A_50 = arith.cmpi slt, %add3A_48, %lt3A_49 : vector<256x128xi32>
    %jit3A = arith.constant 0.000000e+00 : f32
    %broadcast_in_dim3A_51 = vector.broadcast %jit3A : f32 to vector<256x128xf32>
    %select_n3A = arith.select %lt3A_50, %mul3A_43, %broadcast_in_dim3A_51 : vector<256x128xi1>, vector<256x128xf32>
    %swap3A = arith.constant 0 : index
    %swap3A_52 = arith.constant 0 : index
    %swap3A_53 = vector.load %arg10[%swap3A, %swap3A_52] : memref<256x128xf32, #tpu.memory_space<vmem>>, vector<256x128xf32>
    tpu.vector_store %arg10[%swap3A, %swap3A_52], %select_n3A {strides = array<i32>} : memref<256x128xf32, #tpu.memory_space<vmem>>, vector<256x128xf32>,
    return
  }
  func.func @transform_0(%arg0: i32) -> (i32, i32) {
    %c0_i32 = arith.constant 0 : i32
    %c0_i32_0 = arith.constant 0 : i32
    return %arg0, %c0_i32 : i32, i32
  }
  func.func @transform_1(%arg0: i32) -> (i32, i32) {
    %c0_i32 = arith.constant 0 : i32
    %c0_i32_0 = arith.constant 0 : i32
    %c0_i32_1 = arith.constant 0 : i32
    return %c0_i32, %c0_i32_0 : i32, i32
  }
  func.func @transform_2(%arg0: i32) -> (i32, i32) {
    %c0_i32 = arith.constant 0 : i32
    %c0_i32_0 = arith.constant 0 : i32
    %c0_i32_1 = arith.constant 0 : i32
    return %c0_i32, %c0_i32_0 : i32, i32
  }
  func.func @transform_3(%arg0: i32) -> (i32, i32, i32) {
    %c0_i32 = arith.constant 0 : i32
    %c0_i32_0 = arith.constant 0 : i32
    %c0_i32_1 = arith.constant 0 : i32
    return %arg0, %c0_i32, %c0_i32_0 : i32, i32, i32
  }
  func.func @transform_4(%arg0: i32) -> (i32, i32) {
    %c0_i32 = arith.constant 0 : i32
    %c0_i32_0 = arith.constant 0 : i32
    return %arg0, %c0_i32 : i32, i32
  }
  func.func @transform_5(%arg0: i32) -> (i32, i32) {
    %c0_i32 = arith.constant 0 : i32
    %c0_i32_0 = arith.constant 0 : i32
    %c0_i32_1 = arith.constant 0 : i32
    return %c0_i32, %c0_i32_0 : i32, i32
  }
  func.func @transform_6(%arg0: i32) -> (i32, i32) {
    %c0_i32 = arith.constant 0 : i32
    %c0_i32_0 = arith.constant 0 : i32
    %c0_i32_1 = arith.constant 0 : i32
    return %c0_i32, %c0_i32_0 : i32, i32
  }
  func.func @transform_7(%arg0: i32) -> (i32, i32) {
    %c0_i32 = arith.constant 0 : i32
    %c0_i32_0 = arith.constant 0 : i32
    %c0_i32_1 = arith.constant 0 : i32
    return %c0_i32, %c0_i32_0 : i32, i32
  }
  func.func @transform_8(%arg0: i32) -> (i32, i32) {
    %c0_i32 = arith.constant 0 : i32
    %c0_i32_0 = arith.constant 0 : i32
    %c0_i32_1 = arith.constant 0 : i32
    return %c0_i32, %c0_i32_0 : i32, i32
  }
  func.func @transform_9(%arg0: i32) -> (i32, i32) {
    %c0_i32 = arith.constant 0 : i32
    %c0_i32_0 = arith.constant 0 : i32
    return %arg0, %c0_i32 : i32, i32
  }
}

module attributes {stable_mosaic.version = 14 : i64} {
  func.func @_b_last_body(%arg0: i32, %arg1: memref<256x128xf32, #tpu.memory_space<vmem>>, %arg2: memref<64x128xf32, #tpu.memory_space<vmem>>, %arg3: memref<64x128xf32, #tpu.memory_space<vmem>>, %arg4: memref<1x1x256xi32, #tpu.memory_space<vmem>>, %arg5: memref<64x128xf32, #tpu.memory_space<vmem>>, %arg6: memref<1x128xf32, #tpu.memory_space<vmem>>, %arg7: memref<1x128xf32, #tpu.memory_space<vmem>>, %arg8: memref<1x128xf32, #tpu.memory_space<vmem>>, %arg9: memref<128x128xf32, #tpu.memory_space<vmem>>, %arg10: memref<1x128xf32, #tpu.memory_space<vmem>>, %arg11: memref<128x128xf32, #tpu.memory_space<vmem>>, %arg12: memref<1x128xf32, #tpu.memory_space<vmem>>, %arg13: memref<128x128xf32, #tpu.memory_space<vmem>>, %arg14: memref<1x128xf32, #tpu.memory_space<vmem>>, %arg15: memref<64x128xf32, #tpu.memory_space<vmem>>, %arg16: memref<64x128xf32, #tpu.memory_space<vmem>>) attributes {dimension_semantics = [#tpu.dimension_semantics<arbitrary>], iteration_bounds = array<i64: 40>, scalar_prefetch = 0 : i64, scratch_operands = 1 : i64, tpu.core_type = #tpu.core_type<tc>, window_params = [{transform_indices = @transform_0, window_bounds = array<i64: 256, 128>}, {pipeline_mode = #tpu.pipeline_mode<synchronous>, transform_indices = @transform_1, window_bounds = array<i64: 64, 128>}, {pipeline_mode = #tpu.pipeline_mode<synchronous>, transform_indices = @transform_2, window_bounds = array<i64: 64, 128>}, {transform_indices = @transform_3, window_bounds = array<i64: 1, 1, 256>}, {pipeline_mode = #tpu.pipeline_mode<synchronous>, transform_indices = @transform_4, window_bounds = array<i64: 64, 128>}, {pipeline_mode = #tpu.pipeline_mode<synchronous>, transform_indices = @transform_5, window_bounds = array<i64: 1, 128>}, {pipeline_mode = #tpu.pipeline_mode<synchronous>, transform_indices = @transform_6, window_bounds = array<i64: 1, 128>}, {pipeline_mode = #tpu.pipeline_mode<synchronous>, transform_indices = @transform_7, window_bounds = array<i64: 1, 128>}, {pipeline_mode = #tpu.pipeline_mode<synchronous>, transform_indices = @transform_8, window_bounds = array<i64: 128, 128>}, {pipeline_mode = #tpu.pipeline_mode<synchronous>, transform_indices = @transform_9, window_bounds = array<i64: 1, 128>}, {pipeline_mode = #tpu.pipeline_mode<synchronous>, transform_indices = @transform_10, window_bounds = array<i64: 128, 128>}, {pipeline_mode = #tpu.pipeline_mode<synchronous>, transform_indices = @transform_11, window_bounds = array<i64: 1, 128>}, {pipeline_mode = #tpu.pipeline_mode<synchronous>, transform_indices = @transform_12, window_bounds = array<i64: 128, 128>}, {pipeline_mode = #tpu.pipeline_mode<synchronous>, transform_indices = @transform_13, window_bounds = array<i64: 1, 128>}, {pipeline_mode = #tpu.pipeline_mode<synchronous>, transform_indices = @transform_14, window_bounds = array<i64: 64, 128>}]} {
    %get3A = arith.constant 0 : index
    %get3A_0 = arith.constant 0 : index
    %get3A_1 = arith.constant 0 : index
    %get3A_2 = vector.load %arg4[%get3A, %get3A_0, %get3A_1] : memref<1x1x256xi32, #tpu.memory_space<vmem>>, vector<1x1x256xi32>
    %get3A_3 = vector.shape_cast %get3A_2 : vector<1x1x256xi32> to vector<256xi32>
    %broadcast_in_dim3A = vector.shape_cast %get3A_3 : vector<256xi32> to vector<256x1xi32>
    %iota3A = tpu.iota {dimensions = array<i32: 1>} : vector<256x64xi32>
    %eq3A = vector.broadcast %broadcast_in_dim3A : vector<256x1xi32> to vector<256x64xi32>
    %eq3A_4 = arith.cmpi eq, %eq3A, %iota3A : vector<256x64xi32>
    %convert_element_type3A = arith.extui %eq3A_4 : vector<256x64xi1> to vector<256x64xi32>
    %convert_element_type3A_5 = arith.sitofp %convert_element_type3A : vector<256x64xi32> to vector<256x64xf32>
    %get3A_6 = arith.constant 0 : index
    %get3A_7 = arith.constant 0 : index
    %get3A_8 = vector.load %arg1[%get3A_6, %get3A_7] : memref<256x128xf32, #tpu.memory_space<vmem>>, vector<256x128xf32>
    %get3A_9 = arith.constant 0 : index
    %get3A_10 = arith.constant 0 : index
    %get3A_11 = vector.load %arg8[%get3A_9, %get3A_10] : memref<1x128xf32, #tpu.memory_space<vmem>>, vector<1x128xf32>
    %get3A_12 = arith.constant 0 : index
    %get3A_13 = arith.constant 0 : index
    %get3A_14 = vector.load %arg2[%get3A_12, %get3A_13] : memref<64x128xf32, #tpu.memory_space<vmem>>, vector<64x128xf32>
    %dot_general3A = arith.constant dense<0.000000e+00> : vector<256x128xf32>
    %dot_general3A_15 = tpu.matmul %convert_element_type3A_5, %get3A_14, %dot_general3A {dimension_numbers = #tpu.dot_dimension_numbers<[1], [0], [0], [1], [0, 0, 1, 1], [], []>, precision = #tpu.contract_precision<fp32>, transpose_lhs_hint = false} : vector<256x64xf32>, vector<64x128xf32>, vector<256x128xf32> -> vector<256x128xf32>
    %mul3A = vector.broadcast %get3A_11 : vector<1x128xf32> to vector<256x128xf32>
    %mul3A_16 = arith.mulf %mul3A, %dot_general3A_15 : vector<256x128xf32>
    %sub3A = arith.subf %get3A_8, %mul3A_16 : vector<256x128xf32>
    %get3A_17 = arith.constant 0 : index
    %get3A_18 = arith.constant 0 : index
    %get3A_19 = vector.load %arg6[%get3A_17, %get3A_18] : memref<1x128xf32, #tpu.memory_space<vmem>>, vector<1x128xf32>
    %mul3A_20 = vector.broadcast %get3A_19 : vector<1x128xf32> to vector<256x128xf32>
    %mul3A_21 = arith.mulf %mul3A_20, %sub3A : vector<256x128xf32>
    %get3A_22 = arith.constant 0 : index
    %get3A_23 = arith.constant 0 : index
    %get3A_24 = vector.load %arg3[%get3A_22, %get3A_23] : memref<64x128xf32, #tpu.memory_space<vmem>>, vector<64x128xf32>
    %dot_general3A_25 = arith.constant dense<0.000000e+00> : vector<256x128xf32>
    %dot_general3A_26 = tpu.matmul %convert_element_type3A_5, %get3A_24, %dot_general3A_25 {dimension_numbers = #tpu.dot_dimension_numbers<[1], [0], [0], [1], [0, 0, 1, 1], [], []>, precision = #tpu.contract_precision<fp32>, transpose_lhs_hint = false} : vector<256x64xf32>, vector<64x128xf32>, vector<256x128xf32> -> vector<256x128xf32>
    %mul3A_27 = arith.mulf %mul3A_21, %dot_general3A_26 : vector<256x128xf32>
    %get3A_28 = arith.constant 0 : index
    %get3A_29 = arith.constant 0 : index
    %get3A_30 = vector.load %arg7[%get3A_28, %get3A_29] : memref<1x128xf32, #tpu.memory_space<vmem>>, vector<1x128xf32>
    %add3A = vector.broadcast %get3A_30 : vector<1x128xf32> to vector<256x128xf32>
    %add3A_31 = arith.addf %mul3A_27, %add3A : vector<256x128xf32>
    %eq3A_32 = arith.constant 0 : i32
    %eq3A_33 = arith.cmpi eq, %arg0, %eq3A_32 : i32
    %convert_element_type3A_34 = arith.extui %eq3A_33 : i1 to i32
    %cond3A = arith.constant 0 : i32
    %cond3A_35 = arith.cmpi ne, %convert_element_type3A_34, %cond3A : i32
    scf.if %cond3A_35 {
      %broadcast_in_dim3A_83 = arith.constant 0.000000e+00 : f32
      %broadcast_in_dim3A_84 = vector.broadcast %broadcast_in_dim3A_83 : f32 to vector<64x128xf32>
      %swap3A_85 = arith.constant 0 : index
      %swap3A_86 = arith.constant 0 : index
      %swap3A_87 = vector.load %arg16[%swap3A_85, %swap3A_86] : memref<64x128xf32, #tpu.memory_space<vmem>>, vector<64x128xf32>
      tpu.vector_store %arg16[%swap3A_85, %swap3A_86], %broadcast_in_dim3A_84 {strides = array<i32>} : memref<64x128xf32, #tpu.memory_space<vmem>>, vector<64x128xf32>,
    } else {
    }
    %get3A_36 = arith.constant 0 : index
    %get3A_37 = arith.constant 0 : index
    %get3A_38 = vector.load %arg16[%get3A_36, %get3A_37] : memref<64x128xf32, #tpu.memory_space<vmem>>, vector<64x128xf32>
    %dot_general3A_39 = arith.constant dense<0.000000e+00> : vector<64x128xf32>
    %dot_general3A_40 = tpu.matmul %convert_element_type3A_5, %add3A_31, %dot_general3A_39 {dimension_numbers = #tpu.dot_dimension_numbers<[0], [0], [1], [1], [0, 1, 1, 1], [], []>, precision = #tpu.contract_precision<fp32>, transpose_lhs_hint = false} : vector<256x64xf32>, vector<256x128xf32>, vector<64x128xf32> -> vector<64x128xf32>
    %add3A_41 = arith.addf %get3A_38, %dot_general3A_40 : vector<64x128xf32>
    %swap3A = arith.constant 0 : index
    %swap3A_42 = arith.constant 0 : index
    %swap3A_43 = vector.load %arg16[%swap3A, %swap3A_42] : memref<64x128xf32, #tpu.memory_space<vmem>>, vector<64x128xf32>
    tpu.vector_store %arg16[%swap3A, %swap3A_42], %add3A_41 {strides = array<i32>} : memref<64x128xf32, #tpu.memory_space<vmem>>, vector<64x128xf32>,
    %get3A_44 = arith.constant 0 : index
    %get3A_45 = arith.constant 0 : index
    %get3A_46 = vector.load %arg16[%get3A_44, %get3A_45] : memref<64x128xf32, #tpu.memory_space<vmem>>, vector<64x128xf32>
    %get3A_47 = arith.constant 0 : index
    %get3A_48 = arith.constant 0 : index
    %get3A_49 = vector.load %arg5[%get3A_47, %get3A_48] : memref<64x128xf32, #tpu.memory_space<vmem>>, vector<64x128xf32>
    %div3A = arith.divf %get3A_46, %get3A_49 : vector<64x128xf32>
    %get3A_50 = arith.constant 0 : index
    %get3A_51 = arith.constant 0 : index
    %get3A_52 = vector.load %arg9[%get3A_50, %get3A_51] : memref<128x128xf32, #tpu.memory_space<vmem>>, vector<128x128xf32>
    %dot_general3A_53 = arith.constant dense<0.000000e+00> : vector<64x128xf32>
    %dot_general3A_54 = tpu.matmul %div3A, %get3A_52, %dot_general3A_53 {dimension_numbers = #tpu.dot_dimension_numbers<[1], [0], [0], [1], [0, 0, 1, 1], [], []>, precision = #tpu.contract_precision<fp32>, transpose_lhs_hint = false} : vector<64x128xf32>, vector<128x128xf32>, vector<64x128xf32> -> vector<64x128xf32>
    %get3A_55 = arith.constant 0 : index
    %get3A_56 = arith.constant 0 : index
    %get3A_57 = vector.load %arg10[%get3A_55, %get3A_56] : memref<1x128xf32, #tpu.memory_space<vmem>>, vector<1x128xf32>
    %add3A_58 = vector.broadcast %get3A_57 : vector<1x128xf32> to vector<64x128xf32>
    %add3A_59 = arith.addf %dot_general3A_54, %add3A_58 : vector<64x128xf32>
    %get3A_60 = arith.constant 0 : index
    %get3A_61 = arith.constant 0 : index
    %get3A_62 = vector.load %arg11[%get3A_60, %get3A_61] : memref<128x128xf32, #tpu.memory_space<vmem>>, vector<128x128xf32>
    %dot_general3A_63 = arith.constant dense<0.000000e+00> : vector<64x128xf32>
    %dot_general3A_64 = tpu.matmul %add3A_59, %get3A_62, %dot_general3A_63 {dimension_numbers = #tpu.dot_dimension_numbers<[1], [0], [0], [1], [0, 0, 1, 1], [], []>, precision = #tpu.contract_precision<fp32>, transpose_lhs_hint = false} : vector<64x128xf32>, vector<128x128xf32>, vector<64x128xf32> -> vector<64x128xf32>
    %get3A_65 = arith.constant 0 : index
    %get3A_66 = arith.constant 0 : index
    %get3A_67 = vector.load %arg12[%get3A_65, %get3A_66] : memref<1x128xf32, #tpu.memory_space<vmem>>, vector<1x128xf32>
    %add3A_68 = vector.broadcast %get3A_67 : vector<1x128xf32> to vector<64x128xf32>
    %add3A_69 = arith.addf %dot_general3A_64, %add3A_68 : vector<64x128xf32>
    %get3A_70 = arith.constant 0 : index
    %get3A_71 = arith.constant 0 : index
    %get3A_72 = vector.load %arg13[%get3A_70, %get3A_71] : memref<128x128xf32, #tpu.memory_space<vmem>>, vector<128x128xf32>
    %dot_general3A_73 = arith.constant dense<0.000000e+00> : vector<64x128xf32>
    %dot_general3A_74 = tpu.matmul %add3A_69, %get3A_72, %dot_general3A_73 {dimension_numbers = #tpu.dot_dimension_numbers<[1], [0], [0], [1], [0, 0, 1, 1], [], []>, precision = #tpu.contract_precision<fp32>, transpose_lhs_hint = false} : vector<64x128xf32>, vector<128x128xf32>, vector<64x128xf32> -> vector<64x128xf32>
    %get3A_75 = arith.constant 0 : index
    %get3A_76 = arith.constant 0 : index
    %get3A_77 = vector.load %arg14[%get3A_75, %get3A_76] : memref<1x128xf32, #tpu.memory_space<vmem>>, vector<1x128xf32>
    %add3A_78 = vector.broadcast %get3A_77 : vector<1x128xf32> to vector<64x128xf32>
    %add3A_79 = arith.addf %dot_general3A_74, %add3A_78 : vector<64x128xf32>
    %swap3A_80 = arith.constant 0 : index
    %swap3A_81 = arith.constant 0 : index
    %swap3A_82 = vector.load %arg15[%swap3A_80, %swap3A_81] : memref<64x128xf32, #tpu.memory_space<vmem>>, vector<64x128xf32>
    tpu.vector_store %arg15[%swap3A_80, %swap3A_81], %add3A_79 {strides = array<i32>} : memref<64x128xf32, #tpu.memory_space<vmem>>, vector<64x128xf32>,
    return
  }
  func.func @transform_0(%arg0: i32) -> (i32, i32) {
    %c0_i32 = arith.constant 0 : i32
    %c0_i32_0 = arith.constant 0 : i32
    return %arg0, %c0_i32 : i32, i32
  }
  func.func @transform_1(%arg0: i32) -> (i32, i32) {
    %c0_i32 = arith.constant 0 : i32
    %c0_i32_0 = arith.constant 0 : i32
    %c0_i32_1 = arith.constant 0 : i32
    return %c0_i32, %c0_i32_0 : i32, i32
  }
  func.func @transform_2(%arg0: i32) -> (i32, i32) {
    %c0_i32 = arith.constant 0 : i32
    %c0_i32_0 = arith.constant 0 : i32
    %c0_i32_1 = arith.constant 0 : i32
    return %c0_i32, %c0_i32_0 : i32, i32
  }
  func.func @transform_3(%arg0: i32) -> (i32, i32, i32) {
    %c0_i32 = arith.constant 0 : i32
    %c0_i32_0 = arith.constant 0 : i32
    %c0_i32_1 = arith.constant 0 : i32
    return %arg0, %c0_i32, %c0_i32_0 : i32, i32, i32
  }
  func.func @transform_4(%arg0: i32) -> (i32, i32) {
    %c0_i32 = arith.constant 0 : i32
    %c0_i32_0 = arith.constant 0 : i32
    %c0_i32_1 = arith.constant 0 : i32
    return %c0_i32, %c0_i32_0 : i32, i32
  }
  func.func @transform_5(%arg0: i32) -> (i32, i32) {
    %c0_i32 = arith.constant 0 : i32
    %c0_i32_0 = arith.constant 0 : i32
    %c0_i32_1 = arith.constant 0 : i32
    return %c0_i32, %c0_i32_0 : i32, i32
  }
  func.func @transform_6(%arg0: i32) -> (i32, i32) {
    %c0_i32 = arith.constant 0 : i32
    %c0_i32_0 = arith.constant 0 : i32
    %c0_i32_1 = arith.constant 0 : i32
    return %c0_i32, %c0_i32_0 : i32, i32
  }
  func.func @transform_7(%arg0: i32) -> (i32, i32) {
    %c0_i32 = arith.constant 0 : i32
    %c0_i32_0 = arith.constant 0 : i32
    %c0_i32_1 = arith.constant 0 : i32
    return %c0_i32, %c0_i32_0 : i32, i32
  }
  func.func @transform_8(%arg0: i32) -> (i32, i32) {
    %c0_i32 = arith.constant 0 : i32
    %c0_i32_0 = arith.constant 0 : i32
    %c0_i32_1 = arith.constant 0 : i32
    return %c0_i32, %c0_i32_0 : i32, i32
  }
  func.func @transform_9(%arg0: i32) -> (i32, i32) {
    %c0_i32 = arith.constant 0 : i32
    %c0_i32_0 = arith.constant 0 : i32
    %c0_i32_1 = arith.constant 0 : i32
    return %c0_i32, %c0_i32_0 : i32, i32
  }
  func.func @transform_10(%arg0: i32) -> (i32, i32) {
    %c0_i32 = arith.constant 0 : i32
    %c0_i32_0 = arith.constant 0 : i32
    %c0_i32_1 = arith.constant 0 : i32
    return %c0_i32, %c0_i32_0 : i32, i32
  }
  func.func @transform_11(%arg0: i32) -> (i32, i32) {
    %c0_i32 = arith.constant 0 : i32
    %c0_i32_0 = arith.constant 0 : i32
    %c0_i32_1 = arith.constant 0 : i32
    return %c0_i32, %c0_i32_0 : i32, i32
  }
  func.func @transform_12(%arg0: i32) -> (i32, i32) {
    %c0_i32 = arith.constant 0 : i32
    %c0_i32_0 = arith.constant 0 : i32
    %c0_i32_1 = arith.constant 0 : i32
    return %c0_i32, %c0_i32_0 : i32, i32
  }
  func.func @transform_13(%arg0: i32) -> (i32, i32) {
    %c0_i32 = arith.constant 0 : i32
    %c0_i32_0 = arith.constant 0 : i32
    %c0_i32_1 = arith.constant 0 : i32
    return %c0_i32, %c0_i32_0 : i32, i32
  }
  func.func @transform_14(%arg0: i32) -> (i32, i32) {
    %c0_i32 = arith.constant 0 : i32
    %c0_i32_0 = arith.constant 0 : i32
    %c0_i32_1 = arith.constant 0 : i32
    return %c0_i32, %c0_i32_0 : i32, i32
  }
}

</mosaic_0001>

<sc_bundles>
// kernel: kernel.13.cloned.1.call-start
scs
__scs_entry_jumppad:
0x0: {  	(pc) =	sbr.rel $0x88, $3  }
0x1: {  	(tag) =	ssettag $0x0;
	lr =	simm.s32 $0x1  }
0x2: {  	[smem:$0x3F89] =	sst lr;
	_ =	strace $0xD0000000  }
0x3: {  	_ = 	snop  }
0x4: {  	_ = 	snop  }
0x5: {  	_ = 	snop  }
0x6: {  	_ = 	snop  }
0x7: {  	_ = 	snop  }
__scs_overlays_trampoline_lowered:
0x8: {  	[smem:$0x3F98] =	sst s0  }
0x9: {  	[smem:$0x3F99] =	sst s1  }
0xa: {  	[smem:$0x3F9A] =	sst s2  }
0xb: {  	[smem:$0x3F9B] =	sst s3  }
0xc: {  	[smem:$0x3F9C] =	sst s4  }
0xd: {  	[smem:$0x3F9D] =	sst s5  }
0xe: {  	[smem:$0x3F9E] =	sst s6  }
0xf: {  	[smem:$0x3F9F] =	sst s7  }
0x10: {  	[smem:$0x3FA0] =	sst s8  }
0x11: {  	[smem:$0x3FA1] =	sst s9;
	s0 =	simm.s32 @!p0 $0x0  }
0x12: {  	s1 =	sld [smem:$0x3F87];
	s0 =	simm.s32 @p0 $0x1  }
0x13: {  	[smem:$0x3FA2] =	sst s0;
	s0 =	simm.s32 @!p1 $0x0  }
0x14: {  	s2 =	sld [smem:$0x3F86];
	s0 =	simm.s32 @p1 $0x1  }
0x15: {  	[smem:$0x3FA3] =	sst s0;
	s0 =	simm.s32 @!p2 $0x0  }
0x16: {  	s3 =	sld [smem:$0x3FDB];
	s0 =	simm.s32 @p2 $0x1  }
0x17: {  	s4 =	simm.s32 $0x1BF5;
	[smem:$0x3FA5] =	sst s0  }
0x18: {  	s0 =	sld [smem:$0x3F88];
	_ =	swait.ge [sflag:s4], $0x0  }
0x19: {  	s7 =	sld [smem:$0x3F89]  }
0x1a: {  	s8 =	sadd.s32 $0xFFFFE003, lr  }
0x1b: {  	s9 =	sadd.s32 $0xFFFFFEF7, lr;
	s5 =	simm.s32 $0xFFFFFFFF;
	p2 =	slt.u32 s8, $0xFFFFF086  }
0x1c: {  	p1 =	slt.u32 s9, $0xF7A;
	s5 =	simm.s32 @!p2 $0x0  }
0x1d: {  	s5 =	simm.s32 @p1 $0x1;
	p0 =	seq.s32 s7, s2  }
0x1e: {  	s7 =	smul.u32 @!p0 $0xF7A, s2;
	p2 =	seq.s32 @!p0 s5, $0x0  }
0x1f: {  	s9 =	smul.u32 $0xF7A, s1;
	s8 =	simm.s32 @!p0 $0x1BF5;
	p2 =	por !p2, p0  }
0x20: {  	[sflag:s8] =	ssyncset.s32 @!p0 $0xFFFFF086;
	s6 =	sadd.s32 @!p0 s3, s7;
	s7 =	simm.s32 @!p0 $0x108  }
0x21: {  	s3 =	sadd.s32 s3, s9;
	s6 =	sadd.s32 @!p0 $0x88, s6;
	s7 =	simm.s32 @p2 $0x1082  }
0x22: {  	[simem:s7], [sflag:s8] =	dma.local @!p0 [hbm:s6], $0xF7A  }
0x23: {  	s9 =	sor.u32 $0xD0000000, s2;
	s6 =	simm.s32 $0x108;
	_ =	swait.ge @!p0 [sflag:s8], $0x0  }
0x24: {  	s3 =	sadd.s32 $0x88, s3;
	s6 =	simm.s32 @!p1 $0x1082;
	[sflag:s4] =	ssyncset.s32 $0xFFFFF086  }
0x25: {  	[simem:s6], [sflag:s4] =	dma.local [hbm:s3], $0xF7A  }
0x26: {  	[smem:$0x3F89] =	sst s1;
	(tag) =	ssettag s2;
	_ =	strace s9  }
0x27: {  	s1 =	sld [smem:$0x3F99]  }
0x28: {  	s2 =	sld [smem:$0x3F9A]  }
0x29: {  	s4 =	sld [smem:$0x3F9C]  }
0x2a: {  	p0 =	seq.s32 s5, $0x0;
	s5 =	sld [smem:$0x3F9D]  }
0x2b: {  	s6 =	sld [smem:$0x3F9E]  }
0x2c: {  	s7 =	sld [smem:$0x3F9F]  }
0x2d: {  	s3 =	simm.s32 $0x108;
	s8 =	sld [smem:$0x3FA0]  }
0x2e: {  	s3 =	simm.s32 @!p0 $0x1082;
	s9 =	sld [smem:$0x3FA1]  }
0x2f: {  	lr =	sadd.s32 s0, s3;
	s0 =	sld [smem:$0x3F98]  }
0x30: {  	s3 =	sld [smem:$0x3F9B]  }
0x31: {  	[smem:$0x3FA4] =	sst s10  }
0x32: {  	s10 =	sld [smem:$0x3FA2];
	_ =	sdelay $0x3  }
0x33: {  	p0 =	seq.s32 s10, $0x1;
	s10 =	sld [smem:$0x3FA4];
	_ =	sdelay $0x3  }
0x34: {  	[smem:$0x3FA4] =	sst s10  }
0x35: {  	s10 =	sld [smem:$0x3FA3];
	_ =	sdelay $0x3  }
0x36: {  	p1 =	seq.s32 s10, $0x1;
	s10 =	sld [smem:$0x3FA4];
	_ =	sdelay $0x3  }
0x37: {  	[smem:$0x3FA4] =	sst s10  }
0x38: {  	s10 =	sld [smem:$0x3FA5]  }
0x39: {  	_ = 	snop;
	(pc) =	sbr.ind lr, $3  }
0x3a: {  	_ = 	snop  }
0x3b: {  	_ = 	snop  }
0x3c: {  	p2 =	seq.s32 s10, $0x1;
	s10 =	sld [smem:$0x3FA4]  }
0x3d: {  	_ =	shalt  }
0x3e: {  	_ =	shalt  }
0x3f: {  	_ =	shalt  }
0x40: {  	_ =	shalt  }
0x41: {  	_ =	shalt  }
0x42: {  	_ =	shalt  }
0x43: {  	_ =	shalt  }
0x44: {  	_ =	shalt  }
0x45: {  	_ =	shalt  }
0x46: {  	_ =	shalt  }
0x47: {  	_ =	shalt  }
0x48: {  	_ =	shalt  }
0x49: {  	_ =	shalt  }
0x4a: {  	_ =	shalt  }
0x4b: {  	_ =	shalt  }
0x4c: {  	_ =	shalt  }
0x4d: {  	_ =	shalt  }
0x4e: {  	_ =	shalt  }
0x4f: {  	_ =	shalt  }
0x50: {  	_ =	shalt  }
0x51: {  	_ =	shalt  }
0x52: {  	_ =	shalt  }
0x53: {  	_ =	shalt  }
0x54: {  	_ =	shalt  }
0x55: {  	_ =	shalt  }
0x56: {  	_ =	shalt  }
0x57: {  	_ =	shalt  }
0x58: {  	_ =	shalt  }
0x59: {  	_ =	shalt  }
0x5a: {  	_ =	shalt  }
0x5b: {  	_ =	shalt  }
0x5c: {  	_ =	shalt  }
0x5d: {  	_ =	shalt  }
0x5e: {  	_ =	shalt  }
0x5f: {  	_ =	shalt  }
0x60: {  	_ =	shalt  }
0x61: {  	_ =	shalt  }
0x62: {  	_ =	shalt  }
0x63: {  	_ =	shalt  }
0x64: {  	_ =	shalt  }
0x65: {  	_ =	shalt  }
0x66: {  	_ =	shalt  }
0x67: {  	_ =	shalt  }
0x68: {  	_ =	shalt  }
0x69: {  	_ =	shalt  }
0x6a: {  	_ =	shalt  }
0x6b: {  	_ =	shalt  }
0x6c: {  	_ =	shalt  }
0x6d: {  	_ =	shalt  }
0x6e: {  	_ =	shalt  }
0x6f: {  	_ =	shalt  }
0x70: {  	_ =	shalt  }
0x71: {  	_ =	shalt  }
0x72: {  	_ =	shalt  }
0x73: {  	_ =	shalt  }
0x74: {  	_ =	shalt  }
0x75: {  	_ =	shalt  }
0x76: {  	_ =	shalt  }
0x77: {  	_ =	shalt  }
0x78: {  	_ =	shalt  }
0x79: {  	_ =	shalt  }
0x7a: {  	_ =	shalt  }
0x7b: {  	_ =	shalt  }
0x7c: {  	_ =	shalt  }
0x7d: {  	_ =	shalt  }
0x7e: {  	_ =	shalt  }
0x7f: {  	_ =	shalt  }
0x80: {  	_ =	shalt  }
0x81: {  	_ =	shalt  }
0x82: {  	_ =	shalt  }
0x83: {  	_ =	shalt  }
0x84: {  	_ =	shalt  }
0x85: {  	_ =	shalt  }
0x86: {  	_ =	shalt  }
0x87: {  	_ =	shalt  }
.Lfunc_end0:
.L_simem_size_0:
called_computation_lowered:
.L_overlay_start_0:
0x88: {  	s2 =	sld [smem:$0x3FD9]  }
0x89: {  	s3 =	sld [smem:$0x3FFE];
	_ =	sdelay $0x1  }
0x8a: {  	s1 =	srdreg.scid  }
0x8b: {  	s0 =	sand.u32 $0x1, s1  }
0x8c: {  	s16 =	sshll.u32 s0, $0xA;
	s2 =	sadd.s32 s3, s2  }
0x8d: {  	s2 =	sadd.s32 s2, s16  }
0x8e: {  	[smem:$0x3FB0] =	sst s2  }
0x8f: {  	_ = 	snop  }
0x90: {  	(tm) =	ssettm $0x1  }
0x91: {  	s17 =	sld [smem:$0x3FFB];
	_ =	sdelay $0x3  }
0x92: {  	_ =	strace s17  }
0x93: {  	s2 =	sld [smem:$0x3FFC];
	_ =	sdelay $0x3  }
0x94: {  	_ =	strace s2  }
0x95: {  	s2 =	sld [smem:$0x3FFD];
	_ =	sdelay $0x3  }
0x96: {  	_ =	strace s2  }
0x97: {  	_ =	strace $0x8FFFFFFF  }
0x98: {  	s18 =	sld [smem:$0x3FDB];
	_ =	sdelay $0x1  }
0x99: {  	s19 =	simm.s32 $_scs_section_size  }
0x9a: {  	s4 =	simm.s32 $_size__tile_overlayer_lowered;
	s5 =	simm.s32 $_tile_overlayer_lowered  }
0x9b: {  	s22 =	simm.s32 $0x1BFF;
	s21 =	sshll.u32 s5, $0x1;
	s2 =	sadd.s32 s19, s18  }
0x9c: {  	s6 =	simm.s32 $0x0;
	s20 =	sshll.u32 s4, $0x1;
	s4 =	sadd.s32 s21, s2  }
0x9d: {  	[timem:s6], [sflag:s22] =	dma.local [hbm:s4], s20  }
0x9e: {  	_ =	swait.ge [sflag:s22], s20  }
0x9f: {  	s3 =	ssub.s32 $0x0, s20;
	[sflag:s22] =	ssyncset.done $0x0  }
0xa0: {  	[sflag:s22] =	ssyncadd.s32 s3;
	_ =	sdelay $0x1  }
0xa1: {  	s23 =	simm.s32 $0x1B8B  }
0xa2: {  	_ =	swait.ge [sflag:s23], $0x1  }
0xa3: {  	[sflag:s23] =	ssyncset.done $0x0  }
0xa4: {  	s25 =	simm.s32 $0x1B8E;
	s24 =	sld [smem:$0x3FFE];
	[sflag:s23] =	ssyncadd.s32 $0xFFFFFFFF  }
0xa5: {  	s26 =	simm.s32 $execute0_lowered;
	[smem:$0x3FD2] =	sst s25  }
0xa6: {  	s4 =	sshll.u32 s26, $0x1;
	_ =	strace $0x80000046;
	[dreg:$0x1] =	wrdreg $0xFFFFFFFF  }
0xa7: {  	s28 =	simm.s32 $_size_execute0_lowered;
	s2 =	sadd.s32 s2, s4;
	[dreg:$0x0] =	wrdreg $0x0  }
0xa8: {  	s4 =	sshll.u32 s28, $0x1;
	[dreg:$0x2] =	wrdreg s2  }
0xa9: {  	[dreg:$0x3] =	wrdreg s4  }
0xaa: {  	[dreg:$0x4] =	wrdreg $0xC0  }
0xab: {  	_ =	task [dreg:s6], $0x5FFFF  }
0xac: {  	[dreg:$0x1] =	wrdreg $0xFFFFFFFF  }
0xad: {  	[dreg:$0x0] =	wrdreg $0x60  }
0xae: {  	[dreg:$0x2] =	wrdreg s24  }
0xaf: {  	[dreg:$0x3] =	wrdreg $0x40800  }
0xb0: {  	[dreg:$0x4] =	wrdreg $0x9  }
0xb1: {  	_ =	task.clear_ibuf [dreg:s6], $0x5FFFF;
	_ =	strace $0x90000046  }
0xb2: {  	s29 =	simm.s32 $0x9;
	_ =	strace $0x80000048  }
0xb3: {  	_ =	swait.ge [sflag:s29], $0x1  }
0xb4: {  	[sflag:s29] =	ssyncadd.s32 $0xFFFFFFFF  }
0xb5: {  	_ =	strace $0x90000048  }
0xb6: {  	_ =	sfence  }
0xb7: {  	s30 =	sld [smem:$0x0];
	_ =	sdelay $0x2  }
0xb8: {  	s31 =	sshll.u32 s1, $0xD;
	s1 =	sshrl.u32 s1, $0x2  }
0xb9: {  	s3 =	sand.u32 $0x4000, s31;
	s1 =	sadd.s32 s1, s30  }
0xba: {  	s0 =	sor.u32 s3, s0;
	s1 =	sshll.u32 s1, $0x11  }
0xbb: {  	s0 =	sor.u32 s1, s0  }
0xbc: {  	s0 =	sadd.s32 $0x8F2B, s0  }
0xbd: {  	[sflag:s0] =	ssyncadd.remote.s32 $0x1  }
0xbe: {  	_ =	sfence.sel $0xFFFF  }
0xbf: {  	[dreg:$0x0] =	wrdreg $0xFFFFFFFF;
	(pc) =	sbr.abs _section_cstart, $3  }
0xc0: {  	[dreg:$0x1] =	wrdreg $0xFFFFFFFF  }
0xc1: {  	_ =	task.clear_ibuf [dreg:s6], $0x2FFFF;
	_ =	strace $0x9FFFFFFF  }
0xc2: {  	(tm) =	ssettm $0x7FFFFFFF  }
0xc3: {  	_ =	shalt  }
tec
execute0_lowered:
.L_overlay_start_1:
0x0: {  	(tag) =	ssettag $0x1  }
0x1: {  	s7 =	rddreg [dreg:$0x0];
	s0 =	srdreg.scid  }
0x2: {  	s2 =	rddreg [dreg:$0x1];
	s1 =	stileid.u32  }
0x3: {  	s3 =	simm.s32 $0x0;
	s8 =	sand.u32 $0x1, s0;
	s0 =	rddreg [dreg:$0x2]  }
0x4: {  	s14 =	simm.s32 $0x0;
	s6 =	smul.u32 $0x14000, s1;
	[smem:$0x7FF] =	sst s3  }
0x5: {  	s4 =	sadd.s32 $0x5600, s7;
	s10 =	smul.u32 $0x50000, s1;
	s12 =	sshll.u32 s1, $0x6  }
0x6: {  	s5 =	smul.u32 $0x140000, s8;
	_ =	strace $0x80000047;
	s30 =	ssub.s32 $0x2, s8  }
0x7: {  	s8 =	sshll.u32 s8, $0x4;
	s12 =	sor.u32 $0x1C01, s12;
	s11 =	sshrl.u32 s30, $0x1  }
0x8: {  	s10 =	sshrl.u32 s10, $0x2;
	s31 =	sor.u32 s1, s8;
	s6 =	sadd.s32 s6, s5  }
0x9: {  	s5 =	sadd.s32 $0x11E00, s7;
	s11 =	ssub.s32 s30, s11;
	s13 =	sadd.s32 s10, s2  }
0xa: {  	s10 =	simm.s32 $0x80;
	s9 =	sshrl.u32 s6, $0x3;
	s6 =	sadd.s32 $0xF600, s7  }
0xb: {  	s13 =	sshrl.u32 s13, $0x3;
	s9 =	sadd.s32 s9, s7;
	s7 =	smul.u32 $0x2800, s31  }
0xc: {  	s8 =	sadd.s32 $0x12600, s9;
	s9 =	smax.u32 s11, $0x1;
	s11 =	simm.s32 $0x1  }
.LBB2_1:
0xd: {  	[tilespmem:s10], [sflag:$0x1] =	stream.linear.gather [hbm4b:s5+s3], $0x4000, $0x38;
	[tilespmem:$0x6880] =	vst v63  }
0xe: {  	_ =	swait.ge [sflag:s11], $0x4000  }
0xf: {  	[sflag:s11] =	ssyncset.done $0x0  }
0x10: {  	s15 =	sand.u32 $0x3C00, s3;
	[sflag:s11] =	ssyncadd.s32 $0xFFFFC000  }
0x11: {  	[spmem:s13], [sflag:s12] =	dma.local [hbm:s6], $0x2800  }
0x12: {  	s16 =	sand.u32 $0x380, s3;
	s15 =	sadd.s32 s7, s15;
	_ =	swait.ge [sflag:s11], $0x2800  }
0x13: {  	s15 =	sor.u32 s16, s15;
	[sflag:s11] =	ssyncset.done $0x0  }
0x14: {  	s15 =	sshrl.u32 s15, $0x3;
	[sflag:s11] =	ssyncadd.s32 $0xFFFFD800  }
0x15: {  	s15 =	sadd.s32 s4, s15;
	[bflag:$0x0] =	sbarrier.arrive $0xFFFF  }
0x16: {  	[tilespmem:s3], [sflag:$0x1] =	stream.linear.gather [hbm4b:s15+s3], $0x80, $0x38;
	[tilespmem:$0x6880] =	vst v63  }
0x17: {  	_ =	swait.ge [sflag:s11], $0x80  }
0x18: {  	s30 =	simm.s32 $0x80;
	[sflag:s11] =	ssyncset.done $0x0  }
0x19: {  	s31 =	sand.u32 $0x3C00, s30;
	[sflag:s11] =	ssyncadd.s32 $0xFFFFFF80  }
0x1a: {  	[spmem:s2] =	stream.indirect.scatter.add.f32 [tilespmem:s10], [sflag:$0x1], $0x10, s3, s10, $0xb8;
	[tilespmem:$0x6880] =	vst v63  }
0x1b: {  	s17 =	sand.u32 $0x380, s30;
	s16 =	sadd.s32 s7, s31;
	_ =	swait.ge [sflag:s11], $0x800  }
0x1c: {  	s16 =	sor.u32 s17, s16;
	s15 =	simm.s32 $0x100;
	[sflag:s11] =	ssyncset.done $0x0  }
.LBB2_2:
0x1d: {  	s16 =	sshrl.u32 s16, $0x3  }
0x1e: {  	[sflag:s11] =	ssyncadd.s32 $0xFFFFF800;
	s17 =	smov.u32 s15;
	s18 =	sadd.s32 $0x80, s15  }
0x1f: {  	p0 =	sne.s32 s15, $0x2780;
	s15 =	sadd.s32 s4, s16  }
0x20: {  	[tilespmem:s3], [sflag:$0x1] =	stream.linear.gather [hbm4b:s15+s3], $0x80, $0x38;
	[tilespmem:$0x6880] =	vst v63  }
0x21: {  	_ =	swait.ge [sflag:s11], $0x80  }
.Ltmp0:
0x22: {  	[sflag:s11] =	ssyncset.done $0x0;
	(pc) =	sbr.rel @p0 .LBB2_2-.Ltmp0, $4  }
0x23: {  	s15 =	sand.u32 $0x3C00, s17;
	[sflag:s11] =	ssyncadd.s32 $0xFFFFFF80  }
0x24: {  	[spmem:s2] =	stream.indirect.scatter.add.f32 [tilespmem:s10], [sflag:$0x1], $0x10, s3, s10, $0xb8;
	[tilespmem:$0x6880] =	vst v63  }
0x25: {  	s16 =	sand.u32 $0x380, s17;
	s15 =	sadd.s32 s7, s15;
	_ =	swait.ge [sflag:s11], $0x800  }
0x26: {  	s16 =	sor.u32 s16, s15;
	s15 =	smov.u32 s18;
	[sflag:s11] =	ssyncset.done $0x0  }
0x27: {  	s15 =	sshrl.u32 s16, $0x3  }
0x28: {  	[sflag:s11] =	ssyncadd.s32 $0xFFFFF800;
	s15 =	sadd.s32 s4, s15  }
0x29: {  	[tilespmem:s3], [sflag:$0x1] =	stream.linear.gather [hbm4b:s15+s3], $0x80, $0x38;
	[tilespmem:$0x6880] =	vst v63  }
0x2a: {  	_ =	swait.ge [sflag:s11], $0x80  }
0x2b: {  	[sflag:s11] =	ssyncset.done $0x0  }
0x2c: {  	[sflag:s11] =	ssyncadd.s32 $0xFFFFFF80  }
0x2d: {  	[spmem:s2] =	stream.indirect.scatter.add.f32 [tilespmem:s10], [sflag:$0x1], $0x10, s3, s10, $0xb8;
	[tilespmem:$0x6880] =	vst v63  }
0x2e: {  	_ =	swait.ge [sflag:s11], $0x800  }
0x2f: {  	s14 =	sadd.s32 $0x1, s14;
	[sflag:s11] =	ssyncset.done $0x0  }
0x30: {  	p0 =	sne.s32 s14, s9;
	[sflag:s11] =	ssyncadd.s32 $0xFFFFF800  }
.Ltmp1:
0x31: {  	[bflag:$0x0] =	sbarrier.arrive $0xFFFF;
	(pc) =	sbr.rel @p0 .LBB2_1-.Ltmp1, $4  }
0x32: {  	[hbm:s8], [sflag:s12] =	dma.local [spmem:s13], $0x2800  }
0x33: {  	_ =	swait.ge [sflag:s11], $0x2800  }
0x34: {  	[sflag:s11] =	ssyncset.done $0x0  }
0x35: {  	[sflag:s11] =	ssyncadd.s32 $0xFFFFD800  }
0x36: {  	_ =	sfence.sel $0x180000  }
0x37: {  	[bflag:$0x0] =	sbarrier.arrive $0xFFFF  }
0x38: {  	p0 =	sne.s32 s1, $0x0;
	_ =	strace $0x90000047  }
0x39: {  	s0 =	sadd.s32 @!p0 $0x100000, s0;
	[bflag:$0x2] =	sbarrier.arrive $0xFFFF  }
0x3a: {  	[sflag:s0] =	ssyncadd.tile.s32 @!p0 $0x1;
	_ =	shalt  }
.Lfunc_end2:
_tile_overlayer_lowered:
.L_overlay_start_2:
0x3b: {  	(tag) =	ssettag $0x2  }
0x3c: {  	s0 =	rddreg [dreg:$0x0];
	s2 =	stileid.u32  }
0x3d: {  	s1 =	rddreg [dreg:$0x1];
	p0 =	sne.s32 s2, $0x0  }
0x3e: {  	s3 =	rddreg [dreg:$0x2];
	[bflag:$0x3] =	sbarrier.arrive $0xFFFF;
	s2 =	simm.s32 @!p0 $0x1C01  }
0x3f: {  	[timem:s3], [sflag:s2] =	dma.local @!p0 [hbm:s0], s1  }
0x40: {  	s0 =	simm.s32 @!p0 $0x1  }
0x41: {  	_ =	swait.ge @!p0 [sflag:s0], s1  }
0x42: {  	s1 =	ssub.s32 @!p0 $0x0, s1;
	[sflag:s0] =	ssyncset.done @!p0 $0x0  }
0x43: {  	[sflag:s0] =	ssyncadd.s32 @!p0 s1  }
0x44: {  	[bflag:$0x3] =	sbarrier.arrive $0xFFFF  }
0x45: {  	_ =	shalt  }

// kernel: kernel.16.cloned.1.call-start
scs
__scs_entry_jumppad:
0x0: {  	(pc) =	sbr.rel $0x88, $3  }
0x1: {  	(tag) =	ssettag $0x0;
	lr =	simm.s32 $0x1  }
0x2: {  	[smem:$0x3F89] =	sst lr;
	_ =	strace $0xD0000000  }
0x3: {  	_ = 	snop  }
0x4: {  	_ = 	snop  }
0x5: {  	_ = 	snop  }
0x6: {  	_ = 	snop  }
0x7: {  	_ = 	snop  }
__scs_overlays_trampoline_lowered:
0x8: {  	[smem:$0x3F98] =	sst s0  }
0x9: {  	[smem:$0x3F99] =	sst s1  }
0xa: {  	[smem:$0x3F9A] =	sst s2  }
0xb: {  	[smem:$0x3F9B] =	sst s3  }
0xc: {  	[smem:$0x3F9C] =	sst s4  }
0xd: {  	[smem:$0x3F9D] =	sst s5  }
0xe: {  	[smem:$0x3F9E] =	sst s6  }
0xf: {  	[smem:$0x3F9F] =	sst s7  }
0x10: {  	[smem:$0x3FA0] =	sst s8  }
0x11: {  	[smem:$0x3FA1] =	sst s9;
	s0 =	simm.s32 @!p0 $0x0  }
0x12: {  	s1 =	sld [smem:$0x3F87];
	s0 =	simm.s32 @p0 $0x1  }
0x13: {  	[smem:$0x3FA2] =	sst s0;
	s0 =	simm.s32 @!p1 $0x0  }
0x14: {  	s2 =	sld [smem:$0x3F86];
	s0 =	simm.s32 @p1 $0x1  }
0x15: {  	[smem:$0x3FA3] =	sst s0;
	s0 =	simm.s32 @!p2 $0x0  }
0x16: {  	s3 =	sld [smem:$0x3FDB];
	s0 =	simm.s32 @p2 $0x1  }
0x17: {  	s4 =	simm.s32 $0x1BF5;
	[smem:$0x3FA5] =	sst s0  }
0x18: {  	s0 =	sld [smem:$0x3F88];
	_ =	swait.ge [sflag:s4], $0x0  }
0x19: {  	s7 =	sld [smem:$0x3F89]  }
0x1a: {  	s8 =	sadd.s32 $0xFFFFE003, lr  }
0x1b: {  	s9 =	sadd.s32 $0xFFFFFEF7, lr;
	s5 =	simm.s32 $0xFFFFFFFF;
	p2 =	slt.u32 s8, $0xFFFFF086  }
0x1c: {  	p1 =	slt.u32 s9, $0xF7A;
	s5 =	simm.s32 @!p2 $0x0  }
0x1d: {  	s5 =	simm.s32 @p1 $0x1;
	p0 =	seq.s32 s7, s2  }
0x1e: {  	s7 =	smul.u32 @!p0 $0xF7A, s2;
	p2 =	seq.s32 @!p0 s5, $0x0  }
0x1f: {  	s9 =	smul.u32 $0xF7A, s1;
	s8 =	simm.s32 @!p0 $0x1BF5;
	p2 =	por !p2, p0  }
0x20: {  	[sflag:s8] =	ssyncset.s32 @!p0 $0xFFFFF086;
	s6 =	sadd.s32 @!p0 s3, s7;
	s7 =	simm.s32 @!p0 $0x108  }
0x21: {  	s3 =	sadd.s32 s3, s9;
	s6 =	sadd.s32 @!p0 $0x88, s6;
	s7 =	simm.s32 @p2 $0x1082  }
0x22: {  	[simem:s7], [sflag:s8] =	dma.local @!p0 [hbm:s6], $0xF7A  }
0x23: {  	s9 =	sor.u32 $0xD0000000, s2;
	s6 =	simm.s32 $0x108;
	_ =	swait.ge @!p0 [sflag:s8], $0x0  }
0x24: {  	s3 =	sadd.s32 $0x88, s3;
	s6 =	simm.s32 @!p1 $0x1082;
	[sflag:s4] =	ssyncset.s32 $0xFFFFF086  }
0x25: {  	[simem:s6], [sflag:s4] =	dma.local [hbm:s3], $0xF7A  }
0x26: {  	[smem:$0x3F89] =	sst s1;
	(tag) =	ssettag s2;
	_ =	strace s9  }
0x27: {  	s1 =	sld [smem:$0x3F99]  }
0x28: {  	s2 =	sld [smem:$0x3F9A]  }
0x29: {  	s4 =	sld [smem:$0x3F9C]  }
0x2a: {  	p0 =	seq.s32 s5, $0x0;
	s5 =	sld [smem:$0x3F9D]  }
0x2b: {  	s6 =	sld [smem:$0x3F9E]  }
0x2c: {  	s7 =	sld [smem:$0x3F9F]  }
0x2d: {  	s3 =	simm.s32 $0x108;
	s8 =	sld [smem:$0x3FA0]  }
0x2e: {  	s3 =	simm.s32 @!p0 $0x1082;
	s9 =	sld [smem:$0x3FA1]  }
0x2f: {  	lr =	sadd.s32 s0, s3;
	s0 =	sld [smem:$0x3F98]  }
0x30: {  	s3 =	sld [smem:$0x3F9B]  }
0x31: {  	[smem:$0x3FA4] =	sst s10  }
0x32: {  	s10 =	sld [smem:$0x3FA2];
	_ =	sdelay $0x3  }
0x33: {  	p0 =	seq.s32 s10, $0x1;
	s10 =	sld [smem:$0x3FA4];
	_ =	sdelay $0x3  }
0x34: {  	[smem:$0x3FA4] =	sst s10  }
0x35: {  	s10 =	sld [smem:$0x3FA3];
	_ =	sdelay $0x3  }
0x36: {  	p1 =	seq.s32 s10, $0x1;
	s10 =	sld [smem:$0x3FA4];
	_ =	sdelay $0x3  }
0x37: {  	[smem:$0x3FA4] =	sst s10  }
0x38: {  	s10 =	sld [smem:$0x3FA5]  }
0x39: {  	_ = 	snop;
	(pc) =	sbr.ind lr, $3  }
0x3a: {  	_ = 	snop  }
0x3b: {  	_ = 	snop  }
0x3c: {  	p2 =	seq.s32 s10, $0x1;
	s10 =	sld [smem:$0x3FA4]  }
0x3d: {  	_ =	shalt  }
0x3e: {  	_ =	shalt  }
0x3f: {  	_ =	shalt  }
0x40: {  	_ =	shalt  }
0x41: {  	_ =	shalt  }
0x42: {  	_ =	shalt  }
0x43: {  	_ =	shalt  }
0x44: {  	_ =	shalt  }
0x45: {  	_ =	shalt  }
0x46: {  	_ =	shalt  }
0x47: {  	_ =	shalt  }
0x48: {  	_ =	shalt  }
0x49: {  	_ =	shalt  }
0x4a: {  	_ =	shalt  }
0x4b: {  	_ =	shalt  }
0x4c: {  	_ =	shalt  }
0x4d: {  	_ =	shalt  }
0x4e: {  	_ =	shalt  }
0x4f: {  	_ =	shalt  }
0x50: {  	_ =	shalt  }
0x51: {  	_ =	shalt  }
0x52: {  	_ =	shalt  }
0x53: {  	_ =	shalt  }
0x54: {  	_ =	shalt  }
0x55: {  	_ =	shalt  }
0x56: {  	_ =	shalt  }
0x57: {  	_ =	shalt  }
0x58: {  	_ =	shalt  }
0x59: {  	_ =	shalt  }
0x5a: {  	_ =	shalt  }
0x5b: {  	_ =	shalt  }
0x5c: {  	_ =	shalt  }
0x5d: {  	_ =	shalt  }
0x5e: {  	_ =	shalt  }
0x5f: {  	_ =	shalt  }
0x60: {  	_ =	shalt  }
0x61: {  	_ =	shalt  }
0x62: {  	_ =	shalt  }
0x63: {  	_ =	shalt  }
0x64: {  	_ =	shalt  }
0x65: {  	_ =	shalt  }
0x66: {  	_ =	shalt  }
0x67: {  	_ =	shalt  }
0x68: {  	_ =	shalt  }
0x69: {  	_ =	shalt  }
0x6a: {  	_ =	shalt  }
0x6b: {  	_ =	shalt  }
0x6c: {  	_ =	shalt  }
0x6d: {  	_ =	shalt  }
0x6e: {  	_ =	shalt  }
0x6f: {  	_ =	shalt  }
0x70: {  	_ =	shalt  }
0x71: {  	_ =	shalt  }
0x72: {  	_ =	shalt  }
0x73: {  	_ =	shalt  }
0x74: {  	_ =	shalt  }
0x75: {  	_ =	shalt  }
0x76: {  	_ =	shalt  }
0x77: {  	_ =	shalt  }
0x78: {  	_ =	shalt  }
0x79: {  	_ =	shalt  }
0x7a: {  	_ =	shalt  }
0x7b: {  	_ =	shalt  }
0x7c: {  	_ =	shalt  }
0x7d: {  	_ =	shalt  }
0x7e: {  	_ =	shalt  }
0x7f: {  	_ =	shalt  }
0x80: {  	_ =	shalt  }
0x81: {  	_ =	shalt  }
0x82: {  	_ =	shalt  }
0x83: {  	_ =	shalt  }
0x84: {  	_ =	shalt  }
0x85: {  	_ =	shalt  }
0x86: {  	_ =	shalt  }
0x87: {  	_ =	shalt  }
.Lfunc_end0:
.L_simem_size_0:
called_computation.1_lowered:
.L_overlay_start_0:
0x88: {  	s2 =	sld [smem:$0x3FD9]  }
0x89: {  	s3 =	sld [smem:$0x3FFE];
	_ =	sdelay $0x1  }
0x8a: {  	s1 =	srdreg.scid  }
0x8b: {  	s0 =	sand.u32 $0x1, s1  }
0x8c: {  	s16 =	sshll.u32 s0, $0xA;
	s2 =	sadd.s32 s3, s2  }
0x8d: {  	s2 =	sadd.s32 s2, s16  }
0x8e: {  	[smem:$0x3FB0] =	sst s2  }
0x8f: {  	_ = 	snop  }
0x90: {  	(tm) =	ssettm $0x1  }
0x91: {  	s17 =	sld [smem:$0x3FFB];
	_ =	sdelay $0x3  }
0x92: {  	_ =	strace s17  }
0x93: {  	s2 =	sld [smem:$0x3FFC];
	_ =	sdelay $0x3  }
0x94: {  	_ =	strace s2  }
0x95: {  	s2 =	sld [smem:$0x3FFD];
	_ =	sdelay $0x3  }
0x96: {  	_ =	strace s2  }
0x97: {  	_ =	strace $0x8FFFFFFF  }
0x98: {  	s18 =	sld [smem:$0x3FDB];
	_ =	sdelay $0x1  }
0x99: {  	s19 =	simm.s32 $_scs_section_size  }
0x9a: {  	s4 =	simm.s32 $_size__tile_overlayer_lowered;
	s5 =	simm.s32 $_tile_overlayer_lowered  }
0x9b: {  	s22 =	simm.s32 $0x1BFF;
	s21 =	sshll.u32 s5, $0x1;
	s2 =	sadd.s32 s19, s18  }
0x9c: {  	s6 =	simm.s32 $0x0;
	s20 =	sshll.u32 s4, $0x1;
	s4 =	sadd.s32 s21, s2  }
0x9d: {  	[timem:s6], [sflag:s22] =	dma.local [hbm:s4], s20  }
0x9e: {  	_ =	swait.ge [sflag:s22], s20  }
0x9f: {  	s3 =	ssub.s32 $0x0, s20;
	[sflag:s22] =	ssyncset.done $0x0  }
0xa0: {  	[sflag:s22] =	ssyncadd.s32 s3;
	_ =	sdelay $0x1  }
0xa1: {  	s23 =	simm.s32 $0x1B8B  }
0xa2: {  	_ =	swait.ge [sflag:s23], $0x1  }
0xa3: {  	[sflag:s23] =	ssyncset.done $0x0  }
0xa4: {  	s25 =	simm.s32 $0x1B8E;
	s24 =	sld [smem:$0x3FFE];
	[sflag:s23] =	ssyncadd.s32 $0xFFFFFFFF  }
0xa5: {  	s26 =	simm.s32 $execute0_lowered;
	[smem:$0x3FD2] =	sst s25  }
0xa6: {  	s4 =	sshll.u32 s26, $0x1;
	_ =	strace $0x80000049;
	[dreg:$0x1] =	wrdreg $0xFFFFFFFF  }
0xa7: {  	s28 =	simm.s32 $_size_execute0_lowered;
	s2 =	sadd.s32 s2, s4;
	[dreg:$0x0] =	wrdreg $0x0  }
0xa8: {  	s4 =	sshll.u32 s28, $0x1;
	[dreg:$0x2] =	wrdreg s2  }
0xa9: {  	[dreg:$0x3] =	wrdreg s4  }
0xaa: {  	[dreg:$0x4] =	wrdreg $0xC0  }
0xab: {  	_ =	task [dreg:s6], $0x5FFFF  }
0xac: {  	[dreg:$0x1] =	wrdreg $0xFFFFFFFF  }
0xad: {  	[dreg:$0x0] =	wrdreg $0x60  }
0xae: {  	[dreg:$0x2] =	wrdreg s24  }
0xaf: {  	[dreg:$0x3] =	wrdreg $0x88000  }
0xb0: {  	[dreg:$0x4] =	wrdreg $0x9  }
0xb1: {  	_ =	task.clear_ibuf [dreg:s6], $0x5FFFF;
	_ =	strace $0x90000049  }
0xb2: {  	s29 =	simm.s32 $0x9;
	_ =	strace $0x8000004B  }
0xb3: {  	_ =	swait.ge [sflag:s29], $0x1  }
0xb4: {  	[sflag:s29] =	ssyncadd.s32 $0xFFFFFFFF  }
0xb5: {  	_ =	strace $0x9000004B  }
0xb6: {  	_ =	sfence  }
0xb7: {  	s30 =	sld [smem:$0x0];
	_ =	sdelay $0x2  }
0xb8: {  	s31 =	sshll.u32 s1, $0xD;
	s1 =	sshrl.u32 s1, $0x2  }
0xb9: {  	s3 =	sand.u32 $0x4000, s31;
	s1 =	sadd.s32 s1, s30  }
0xba: {  	s0 =	sor.u32 s3, s0;
	s1 =	sshll.u32 s1, $0x11  }
0xbb: {  	s0 =	sor.u32 s1, s0  }
0xbc: {  	s0 =	sadd.s32 $0x8F2B, s0  }
0xbd: {  	[sflag:s0] =	ssyncadd.remote.s32 $0x1  }
0xbe: {  	_ =	sfence.sel $0xFFFF  }
0xbf: {  	[dreg:$0x0] =	wrdreg $0xFFFFFFFF;
	(pc) =	sbr.abs _section_cstart, $3  }
0xc0: {  	[dreg:$0x1] =	wrdreg $0xFFFFFFFF  }
0xc1: {  	_ =	task.clear_ibuf [dreg:s6], $0x2FFFF;
	_ =	strace $0x9FFFFFFF  }
0xc2: {  	(tm) =	ssettm $0x7FFFFFFF  }
0xc3: {  	_ =	shalt  }
tec
execute0_lowered:
.L_overlay_start_1:
0x0: {  	(tag) =	ssettag $0x1  }
0x1: {  	s0 =	srdreg.scid;
	s1 =	rddreg [dreg:$0x0]  }
0x2: {  	s8 =	stileid.u32;
	s2 =	rddreg [dreg:$0x1];
	s3 =	simm.s32 $0x0  }
0x3: {  	s12 =	simm.s32 $0x3;
	s13 =	simm.s32 $0x400;
	s14 =	simm.s32 $0x80  }
0x4: {  	s15 =	simm.s32 $0x800;
	s16 =	simm.s32 $0x1;
	s17 =	simm.s32 $0x4800  }
0x5: {  	s18 =	simm.s32 $0x2;
	s19 =	simm.s32 $0x100;
	s20 =	simm.s32 $0x480  }
0x6: {  	s21 =	simm.s32 $0x180;
	s22 =	simm.s32 $0x500;
	s23 =	simm.s32 $0x200  }
0x7: {  	s28 =	simm.s32 $0x300;
	s29 =	simm.s32 $0x680;
	s5 =	smul.u32 $0x2800, s8  }
0x8: {  	s30 =	simm.s32 $0x380;
	s31 =	simm.s32 $0x700;
	s7 =	smul.u32 $0x14000, s8  }
0x9: {  	s0 =	sand.u32 $0x1, s0;
	[smem:$0x7FF] =	sst s3;
	s24 =	smul.u32 $0x50000, s8  }
0xa: {  	s9 =	sadd.s32 $0x37600, s1;
	s26 =	sshll.u32 s8, $0x6;
	s4 =	smul.u32 $0x28000, s0  }
0xb: {  	s6 =	smul.u32 $0x140000, s0;
	_ =	strace $0x8000004A;
	s0 =	ssub.s32 $0x2, s0  }
0xc: {  	[dreg:$0x3] =	wrdreg s9;
	s25 =	sshrl.u32 s0, $0x1;
	s5 =	sadd.s32 s5, s4  }
0xd: {  	s4 =	sadd.s32 $0xF600, s1;
	s6 =	sadd.s32 s7, s6;
	s7 =	sshrl.u32 s24, $0x2  }
0xe: {  	s0 =	ssub.s32 s0, s25;
	s24 =	simm.s32 $0x580;
	s25 =	simm.s32 $0x280  }
0xf: {  	s5 =	sshrl.u32 s5, $0x3;
	s6 =	sshrl.u32 s6, $0x3;
	s7 =	sadd.s32 s7, s2  }
0x10: {  	s0 =	smax.u32 s0, $0x1;
	s5 =	sadd.s32 s5, s1;
	s1 =	sadd.s32 s6, s1  }
0x11: {  	s6 =	sor.u32 $0x1C03, s26;
	[dreg:$0x6] =	wrdreg s0;
	s7 =	sshrl.u32 s7, $0x3  }
0x12: {  	s26 =	simm.s32 $0x600;
	s0 =	simm.s32 $0x0;
	[dreg:$0x4] =	wrdreg s6  }
0x13: {  	s1 =	sadd.s32 $0x6C600, s1;
	s9 =	sadd.s32 $0x5600, s5;
	[dreg:$0x7] =	wrdreg s7  }
0x14: {  	s10 =	sadd.s32 $0x62600, s5;
	[dreg:$0x5] =	wrdreg s1;
	s1 =	simm.s32 $0x780  }
.LBB2_1:
0x15: {  	s5 =	rddreg [dreg:$0x3]  }
0x16: {  	[spmem:s7], [sflag:s6] =	dma.local [hbm:s5], $0x2800  }
0x17: {  	_ =	swait.ge [sflag:s12], $0x2800  }
0x18: {  	[sflag:s12] =	ssyncset.done $0x0  }
0x19: {  	[sflag:s12] =	ssyncadd.s32 $0xFFFFD800  }
0x1a: {  	s8 =	sadd.s32 $0x0, s10;
	[bflag:$0x0] =	sbarrier.arrive $0xFFFF  }
0x1b: {  	[tilespmem:s3], [sflag:$0x3] =	stream.linear.gather [hbm4b:s8+s3], $0x400, $0x38;
	[tilespmem:$0x1C800] =	vst v63  }
0x1c: {  	_ =	swait.ge [sflag:s12], $0x400  }
0x1d: {  	[sflag:s12] =	ssyncset.done $0x0  }
0x1e: {  	s11 =	sadd.s32 $0x0, s9;
	[sflag:s12] =	ssyncadd.s32 $0xFFFFFC00  }
0x1f: {  	[tilespmem:s13], [sflag:$0x3] =	stream.linear.gather [hbm4b:s11+s3], $0x400, $0x38;
	[tilespmem:$0x1C800] =	vst v63  }
0x20: {  	_ =	swait.ge [sflag:s12], $0x400  }
0x21: {  	[sflag:s12] =	ssyncset.done $0x0  }
0x22: {  	[sflag:s12] =	ssyncadd.s32 $0xFFFFFC00  }
0x23: {  	[tilespmem:s15], [sflag:$0x1] =	stream.indirect.gather [hbm4b:s4+s14], $0x80, s3, s14, $0xb8;
	[tilespmem:$0x1C800] =	vst v63  }
0x24: {  	_ =	swait.ge [sflag:s16], $0x4000  }
0x25: {  	[sflag:s16] =	ssyncset.done $0x0  }
0x26: {  	[sflag:s16] =	ssyncadd.s32 $0xFFFFC000  }
0x27: {  	[tilespmem:s17], [sflag:$0x2] =	stream.indirect.gather [hbm4b:s4+s14], $0x80, s14, s14, $0xb8;
	[tilespmem:$0x1C800] =	vst v63  }
0x28: {  	_ = 	snop  }
0x29: {  	[spmem:s2] =	stream.indirect.scatter.add.f32 [tilespmem:s15], [sflag:$0x3], $0x80, s13, s14, $0xb8;
	[tilespmem:$0x1C800] =	vst v63  }
0x2a: {  	_ =	swait.ge [sflag:s12], $0x4000  }
0x2b: {  	[sflag:s12] =	ssyncset.done $0x0  }
0x2c: {  	[sflag:s12] =	ssyncadd.s32 $0xFFFFC000  }
0x2d: {  	_ =	swait.ge [sflag:s18], $0x4000  }
0x2e: {  	[sflag:s18] =	ssyncset.done $0x0  }
0x2f: {  	[sflag:s18] =	ssyncadd.s32 $0xFFFFC000  }
0x30: {  	[tilespmem:s15], [sflag:$0x1] =	stream.indirect.gather [hbm4b:s4+s14], $0x80, s19, s14, $0xb8;
	[tilespmem:$0x1C800] =	vst v63  }
0x31: {  	_ = 	snop  }
0x32: {  	[spmem:s2] =	stream.indirect.scatter.add.f32 [tilespmem:s17], [sflag:$0x3], $0x80, s20, s14, $0xb8;
	[tilespmem:$0x1C800] =	vst v63  }
0x33: {  	_ =	swait.ge [sflag:s12], $0x4000  }
0x34: {  	[sflag:s12] =	ssyncset.done $0x0  }
0x35: {  	[sflag:s12] =	ssyncadd.s32 $0xFFFFC000  }
0x36: {  	_ =	swait.ge [sflag:s16], $0x4000  }
0x37: {  	[sflag:s16] =	ssyncset.done $0x0  }
0x38: {  	[sflag:s16] =	ssyncadd.s32 $0xFFFFC000  }
0x39: {  	[tilespmem:s17], [sflag:$0x2] =	stream.indirect.gather [hbm4b:s4+s14], $0x80, s21, s14, $0xb8;
	[tilespmem:$0x1C800] =	vst v63  }
0x3a: {  	_ = 	snop  }
0x3b: {  	[spmem:s2] =	stream.indirect.scatter.add.f32 [tilespmem:s15], [sflag:$0x3], $0x80, s22, s14, $0xb8;
	[tilespmem:$0x1C800] =	vst v63  }
0x3c: {  	_ =	swait.ge [sflag:s12], $0x4000  }
0x3d: {  	[sflag:s12] =	ssyncset.done $0x0  }
0x3e: {  	[sflag:s12] =	ssyncadd.s32 $0xFFFFC000  }
0x3f: {  	_ =	swait.ge [sflag:s18], $0x4000  }
0x40: {  	[sflag:s18] =	ssyncset.done $0x0  }
0x41: {  	[sflag:s18] =	ssyncadd.s32 $0xFFFFC000  }
0x42: {  	[tilespmem:s15], [sflag:$0x1] =	stream.indirect.gather [hbm4b:s4+s14], $0x80, s23, s14, $0xb8;
	[tilespmem:$0x1C800] =	vst v63  }
0x43: {  	_ = 	snop  }
0x44: {  	[spmem:s2] =	stream.indirect.scatter.add.f32 [tilespmem:s17], [sflag:$0x3], $0x80, s24, s14, $0xb8;
	[tilespmem:$0x1C800] =	vst v63  }
0x45: {  	_ =	swait.ge [sflag:s12], $0x4000  }
0x46: {  	[sflag:s12] =	ssyncset.done $0x0  }
0x47: {  	[sflag:s12] =	ssyncadd.s32 $0xFFFFC000  }
0x48: {  	_ =	swait.ge [sflag:s16], $0x4000  }
0x49: {  	[sflag:s16] =	ssyncset.done $0x0  }
0x4a: {  	[sflag:s16] =	ssyncadd.s32 $0xFFFFC000  }
0x4b: {  	[tilespmem:s17], [sflag:$0x2] =	stream.indirect.gather [hbm4b:s4+s14], $0x80, s25, s14, $0xb8;
	[tilespmem:$0x1C800] =	vst v63  }
0x4c: {  	_ = 	snop  }
0x4d: {  	[spmem:s2] =	stream.indirect.scatter.add.f32 [tilespmem:s15], [sflag:$0x3], $0x80, s26, s14, $0xb8;
	[tilespmem:$0x1C800] =	vst v63  }
0x4e: {  	_ =	swait.ge [sflag:s12], $0x4000  }
0x4f: {  	[sflag:s12] =	ssyncset.done $0x0  }
0x50: {  	[sflag:s12] =	ssyncadd.s32 $0xFFFFC000  }
0x51: {  	_ =	swait.ge [sflag:s18], $0x4000  }
0x52: {  	[sflag:s18] =	ssyncset.done $0x0  }
0x53: {  	[sflag:s18] =	ssyncadd.s32 $0xFFFFC000  }
0x54: {  	[tilespmem:s15], [sflag:$0x1] =	stream.indirect.gather [hbm4b:s4+s14], $0x80, s28, s14, $0xb8;
	[tilespmem:$0x1C800] =	vst v63  }
0x55: {  	_ = 	snop  }
0x56: {  	[spmem:s2] =	stream.indirect.scatter.add.f32 [tilespmem:s17], [sflag:$0x3], $0x80, s29, s14, $0xb8;
	[tilespmem:$0x1C800] =	vst v63  }
0x57: {  	_ =	swait.ge [sflag:s12], $0x4000  }
0x58: {  	[sflag:s12] =	ssyncset.done $0x0  }
0x59: {  	[sflag:s12] =	ssyncadd.s32 $0xFFFFC000  }
0x5a: {  	_ =	swait.ge [sflag:s16], $0x4000  }
0x5b: {  	[sflag:s16] =	ssyncset.done $0x0  }
0x5c: {  	[sflag:s16] =	ssyncadd.s32 $0xFFFFC000  }
0x5d: {  	[tilespmem:s17], [sflag:$0x2] =	stream.indirect.gather [hbm4b:s4+s14], $0x80, s30, s14, $0xb8;
	[tilespmem:$0x1C800] =	vst v63  }
0x5e: {  	_ = 	snop  }
0x5f: {  	[spmem:s2] =	stream.indirect.scatter.add.f32 [tilespmem:s15], [sflag:$0x3], $0x80, s31, s14, $0xb8;
	[tilespmem:$0x1C800] =	vst v63  }
0x60: {  	_ =	swait.ge [sflag:s12], $0x4000  }
0x61: {  	[sflag:s12] =	ssyncset.done $0x0  }
0x62: {  	[sflag:s12] =	ssyncadd.s32 $0xFFFFC000  }
0x63: {  	_ =	swait.ge [sflag:s18], $0x4000  }
0x64: {  	[sflag:s18] =	ssyncset.done $0x0  }
0x65: {  	[sflag:s18] =	ssyncadd.s32 $0xFFFFC000  }
0x66: {  	[spmem:s2] =	stream.indirect.scatter.add.f32 [tilespmem:s17], [sflag:$0x3], $0x80, s1, s14, $0xb8;
	[tilespmem:$0x1C800] =	vst v63  }
0x67: {  	_ =	swait.ge [sflag:s12], $0x4000  }
0x68: {  	s5 =	simm.s32 $0x80;
	s7 =	simm.s32 $0x100;
	[sflag:s12] =	ssyncset.done $0x0  }
.LBB2_2:
0x69: {  	s6 =	sadd.s32 s5, s10  }
0x6a: {  	[sflag:s12] =	ssyncadd.s32 $0xFFFFC000;
	s11 =	smov.u32 s7;
	s8 =	sadd.s32 $0x80, s7  }
0x6b: {  	[tilespmem:s3], [sflag:$0x3] =	stream.linear.gather [hbm4b:s6+s3], $0x400, $0x38;
	[tilespmem:$0x1C800] =	vst v63  }
0x6c: {  	p0 =	sne.s32 s7, $0x480;
	_ =	swait.ge [sflag:s12], $0x400  }
0x6d: {  	[sflag:s12] =	ssyncset.done $0x0  }
0x6e: {  	s6 =	sadd.s32 s5, s9;
	s5 =	smov.u32 s11;
	[sflag:s12] =	ssyncadd.s32 $0xFFFFFC00  }
0x6f: {  	[tilespmem:s13], [sflag:$0x3] =	stream.linear.gather [hbm4b:s6+s3], $0x400, $0x38;
	[tilespmem:$0x1C800] =	vst v63  }
0x70: {  	_ =	swait.ge [sflag:s12], $0x400  }
0x71: {  	[sflag:s12] =	ssyncset.done $0x0  }
0x72: {  	[sflag:s12] =	ssyncadd.s32 $0xFFFFFC00  }
0x73: {  	[tilespmem:s15], [sflag:$0x1] =	stream.indirect.gather [hbm4b:s4+s14], $0x80, s3, s14, $0xb8;
	[tilespmem:$0x1C800] =	vst v63  }
0x74: {  	_ =	swait.ge [sflag:s16], $0x4000  }
0x75: {  	[sflag:s16] =	ssyncset.done $0x0  }
0x76: {  	[sflag:s16] =	ssyncadd.s32 $0xFFFFC000  }
0x77: {  	[tilespmem:s17], [sflag:$0x2] =	stream.indirect.gather [hbm4b:s4+s14], $0x80, s14, s14, $0xb8;
	[tilespmem:$0x1C800] =	vst v63  }
0x78: {  	_ = 	snop  }
0x79: {  	[spmem:s2] =	stream.indirect.scatter.add.f32 [tilespmem:s15], [sflag:$0x3], $0x80, s13, s14, $0xb8;
	[tilespmem:$0x1C800] =	vst v63  }
0x7a: {  	_ =	swait.ge [sflag:s12], $0x4000  }
0x7b: {  	[sflag:s12] =	ssyncset.done $0x0  }
0x7c: {  	[sflag:s12] =	ssyncadd.s32 $0xFFFFC000  }
0x7d: {  	_ =	swait.ge [sflag:s18], $0x4000  }
0x7e: {  	[sflag:s18] =	ssyncset.done $0x0  }
0x7f: {  	[sflag:s18] =	ssyncadd.s32 $0xFFFFC000  }
0x80: {  	[tilespmem:s15], [sflag:$0x1] =	stream.indirect.gather [hbm4b:s4+s14], $0x80, s19, s14, $0xb8;
	[tilespmem:$0x1C800] =	vst v63  }
0x81: {  	_ = 	snop  }
0x82: {  	[spmem:s2] =	stream.indirect.scatter.add.f32 [tilespmem:s17], [sflag:$0x3], $0x80, s20, s14, $0xb8;
	[tilespmem:$0x1C800] =	vst v63  }
0x83: {  	_ =	swait.ge [sflag:s12], $0x4000  }
0x84: {  	[sflag:s12] =	ssyncset.done $0x0  }
0x85: {  	[sflag:s12] =	ssyncadd.s32 $0xFFFFC000  }
0x86: {  	_ =	swait.ge [sflag:s16], $0x4000  }
0x87: {  	[sflag:s16] =	ssyncset.done $0x0  }
0x88: {  	[sflag:s16] =	ssyncadd.s32 $0xFFFFC000  }
0x89: {  	[tilespmem:s17], [sflag:$0x2] =	stream.indirect.gather [hbm4b:s4+s14], $0x80, s21, s14, $0xb8;
	[tilespmem:$0x1C800] =	vst v63  }
0x8a: {  	_ = 	snop  }
0x8b: {  	[spmem:s2] =	stream.indirect.scatter.add.f32 [tilespmem:s15], [sflag:$0x3], $0x80, s22, s14, $0xb8;
	[tilespmem:$0x1C800] =	vst v63  }
0x8c: {  	_ =	swait.ge [sflag:s12], $0x4000  }
0x8d: {  	[sflag:s12] =	ssyncset.done $0x0  }
0x8e: {  	[sflag:s12] =	ssyncadd.s32 $0xFFFFC000  }
0x8f: {  	_ =	swait.ge [sflag:s18], $0x4000  }
0x90: {  	[sflag:s18] =	ssyncset.done $0x0  }
0x91: {  	[sflag:s18] =	ssyncadd.s32 $0xFFFFC000  }
0x92: {  	[tilespmem:s15], [sflag:$0x1] =	stream.indirect.gather [hbm4b:s4+s14], $0x80, s23, s14, $0xb8;
	[tilespmem:$0x1C800] =	vst v63  }
0x93: {  	_ = 	snop  }
0x94: {  	[spmem:s2] =	stream.indirect.scatter.add.f32 [tilespmem:s17], [sflag:$0x3], $0x80, s24, s14, $0xb8;
	[tilespmem:$0x1C800] =	vst v63  }
0x95: {  	_ =	swait.ge [sflag:s12], $0x4000  }
0x96: {  	[sflag:s12] =	ssyncset.done $0x0  }
0x97: {  	[sflag:s12] =	ssyncadd.s32 $0xFFFFC000  }
0x98: {  	_ =	swait.ge [sflag:s16], $0x4000  }
0x99: {  	[sflag:s16] =	ssyncset.done $0x0  }
0x9a: {  	[sflag:s16] =	ssyncadd.s32 $0xFFFFC000  }
0x9b: {  	[tilespmem:s17], [sflag:$0x2] =	stream.indirect.gather [hbm4b:s4+s14], $0x80, s25, s14, $0xb8;
	[tilespmem:$0x1C800] =	vst v63  }
0x9c: {  	_ = 	snop  }
0x9d: {  	[spmem:s2] =	stream.indirect.scatter.add.f32 [tilespmem:s15], [sflag:$0x3], $0x80, s26, s14, $0xb8;
	[tilespmem:$0x1C800] =	vst v63  }
0x9e: {  	_ =	swait.ge [sflag:s12], $0x4000  }
0x9f: {  	[sflag:s12] =	ssyncset.done $0x0  }
0xa0: {  	[sflag:s12] =	ssyncadd.s32 $0xFFFFC000  }
0xa1: {  	_ =	swait.ge [sflag:s18], $0x4000  }
0xa2: {  	[sflag:s18] =	ssyncset.done $0x0  }
0xa3: {  	[sflag:s18] =	ssyncadd.s32 $0xFFFFC000  }
0xa4: {  	[tilespmem:s15], [sflag:$0x1] =	stream.indirect.gather [hbm4b:s4+s14], $0x80, s28, s14, $0xb8;
	[tilespmem:$0x1C800] =	vst v63  }
0xa5: {  	_ = 	snop  }
0xa6: {  	[spmem:s2] =	stream.indirect.scatter.add.f32 [tilespmem:s17], [sflag:$0x3], $0x80, s29, s14, $0xb8;
	[tilespmem:$0x1C800] =	vst v63  }
0xa7: {  	_ =	swait.ge [sflag:s12], $0x4000  }
0xa8: {  	[sflag:s12] =	ssyncset.done $0x0  }
0xa9: {  	[sflag:s12] =	ssyncadd.s32 $0xFFFFC000  }
0xaa: {  	_ =	swait.ge [sflag:s16], $0x4000  }
0xab: {  	[sflag:s16] =	ssyncset.done $0x0  }
0xac: {  	[sflag:s16] =	ssyncadd.s32 $0xFFFFC000  }
0xad: {  	[tilespmem:s17], [sflag:$0x2] =	stream.indirect.gather [hbm4b:s4+s14], $0x80, s30, s14, $0xb8;
	[tilespmem:$0x1C800] =	vst v63  }
0xae: {  	_ = 	snop  }
0xaf: {  	[spmem:s2] =	stream.indirect.scatter.add.f32 [tilespmem:s15], [sflag:$0x3], $0x80, s31, s14, $0xb8;
	[tilespmem:$0x1C800] =	vst v63  }
0xb0: {  	_ =	swait.ge [sflag:s12], $0x4000  }
0xb1: {  	[sflag:s12] =	ssyncset.done $0x0  }
0xb2: {  	[sflag:s12] =	ssyncadd.s32 $0xFFFFC000  }
0xb3: {  	_ =	swait.ge [sflag:s18], $0x4000  }
.Ltmp0:
0xb4: {  	[sflag:s18] =	ssyncset.done $0x0;
	(pc) =	sbr.rel @p0 .LBB2_2-.Ltmp0, $4  }
0xb5: {  	[sflag:s18] =	ssyncadd.s32 $0xFFFFC000  }
0xb6: {  	[spmem:s2] =	stream.indirect.scatter.add.f32 [tilespmem:s17], [sflag:$0x3], $0x80, s1, s14, $0xb8;
	[tilespmem:$0x1C800] =	vst v63  }
0xb7: {  	_ =	swait.ge [sflag:s12], $0x4000  }
0xb8: {  	s7 =	smov.u32 s8;
	[sflag:s12] =	ssyncset.done $0x0  }
0xb9: {  	s6 =	sadd.s32 s5, s10;
	[sflag:s12] =	ssyncadd.s32 $0xFFFFC000  }
0xba: {  	[tilespmem:s3], [sflag:$0x3] =	stream.linear.gather [hbm4b:s6+s3], $0x400, $0x38;
	[tilespmem:$0x1C800] =	vst v63  }
0xbb: {  	_ =	swait.ge [sflag:s12], $0x400  }
0xbc: {  	[sflag:s12] =	ssyncset.done $0x0  }
0xbd: {  	s7 =	sadd.s32 s5, s9;
	[sflag:s12] =	ssyncadd.s32 $0xFFFFFC00  }
0xbe: {  	[tilespmem:s13], [sflag:$0x3] =	stream.linear.gather [hbm4b:s7+s3], $0x400, $0x38;
	[tilespmem:$0x1C800] =	vst v63  }
0xbf: {  	_ =	swait.ge [sflag:s12], $0x400  }
0xc0: {  	[sflag:s12] =	ssyncset.done $0x0  }
0xc1: {  	[sflag:s12] =	ssyncadd.s32 $0xFFFFFC00  }
0xc2: {  	[tilespmem:s15], [sflag:$0x1] =	stream.indirect.gather [hbm4b:s4+s14], $0x80, s3, s14, $0xb8;
	[tilespmem:$0x1C800] =	vst v63  }
0xc3: {  	_ =	swait.ge [sflag:s16], $0x4000  }
0xc4: {  	[sflag:s16] =	ssyncset.done $0x0  }
0xc5: {  	[sflag:s16] =	ssyncadd.s32 $0xFFFFC000  }
0xc6: {  	[tilespmem:s17], [sflag:$0x2] =	stream.indirect.gather [hbm4b:s4+s14], $0x80, s14, s14, $0xb8;
	[tilespmem:$0x1C800] =	vst v63  }
0xc7: {  	_ = 	snop  }
0xc8: {  	[spmem:s2] =	stream.indirect.scatter.add.f32 [tilespmem:s15], [sflag:$0x3], $0x80, s13, s14, $0xb8;
	[tilespmem:$0x1C800] =	vst v63  }
0xc9: {  	_ =	swait.ge [sflag:s12], $0x4000  }
0xca: {  	[sflag:s12] =	ssyncset.done $0x0  }
0xcb: {  	[sflag:s12] =	ssyncadd.s32 $0xFFFFC000  }
0xcc: {  	_ =	swait.ge [sflag:s18], $0x4000  }
0xcd: {  	[sflag:s18] =	ssyncset.done $0x0  }
0xce: {  	[sflag:s18] =	ssyncadd.s32 $0xFFFFC000  }
0xcf: {  	[tilespmem:s15], [sflag:$0x1] =	stream.indirect.gather [hbm4b:s4+s14], $0x80, s19, s14, $0xb8;
	[tilespmem:$0x1C800] =	vst v63  }
0xd0: {  	_ = 	snop  }
0xd1: {  	[spmem:s2] =	stream.indirect.scatter.add.f32 [tilespmem:s17], [sflag:$0x3], $0x80, s20, s14, $0xb8;
	[tilespmem:$0x1C800] =	vst v63  }
0xd2: {  	_ =	swait.ge [sflag:s12], $0x4000  }
0xd3: {  	[sflag:s12] =	ssyncset.done $0x0  }
0xd4: {  	[sflag:s12] =	ssyncadd.s32 $0xFFFFC000  }
0xd5: {  	_ =	swait.ge [sflag:s16], $0x4000  }
0xd6: {  	[sflag:s16] =	ssyncset.done $0x0  }
0xd7: {  	[sflag:s16] =	ssyncadd.s32 $0xFFFFC000  }
0xd8: {  	[tilespmem:s17], [sflag:$0x2] =	stream.indirect.gather [hbm4b:s4+s14], $0x80, s21, s14, $0xb8;
	[tilespmem:$0x1C800] =	vst v63  }
0xd9: {  	_ = 	snop  }
0xda: {  	[spmem:s2] =	stream.indirect.scatter.add.f32 [tilespmem:s15], [sflag:$0x3], $0x80, s22, s14, $0xb8;
	[tilespmem:$0x1C800] =	vst v63  }
0xdb: {  	_ =	swait.ge [sflag:s12], $0x4000  }
0xdc: {  	[sflag:s12] =	ssyncset.done $0x0  }
0xdd: {  	[sflag:s12] =	ssyncadd.s32 $0xFFFFC000  }
0xde: {  	_ =	swait.ge [sflag:s18], $0x4000  }
0xdf: {  	[sflag:s18] =	ssyncset.done $0x0  }
0xe0: {  	[sflag:s18] =	ssyncadd.s32 $0xFFFFC000  }
0xe1: {  	[tilespmem:s15], [sflag:$0x1] =	stream.indirect.gather [hbm4b:s4+s14], $0x80, s23, s14, $0xb8;
	[tilespmem:$0x1C800] =	vst v63  }
0xe2: {  	_ = 	snop  }
0xe3: {  	[spmem:s2] =	stream.indirect.scatter.add.f32 [tilespmem:s17], [sflag:$0x3], $0x80, s24, s14, $0xb8;
	[tilespmem:$0x1C800] =	vst v63  }
0xe4: {  	_ =	swait.ge [sflag:s12], $0x4000  }
0xe5: {  	[sflag:s12] =	ssyncset.done $0x0  }
0xe6: {  	[sflag:s12] =	ssyncadd.s32 $0xFFFFC000  }
0xe7: {  	_ =	swait.ge [sflag:s16], $0x4000  }
0xe8: {  	[sflag:s16] =	ssyncset.done $0x0  }
0xe9: {  	[sflag:s16] =	ssyncadd.s32 $0xFFFFC000  }
0xea: {  	[tilespmem:s17], [sflag:$0x2] =	stream.indirect.gather [hbm4b:s4+s14], $0x80, s25, s14, $0xb8;
	[tilespmem:$0x1C800] =	vst v63  }
0xeb: {  	_ = 	snop  }
0xec: {  	[spmem:s2] =	stream.indirect.scatter.add.f32 [tilespmem:s15], [sflag:$0x3], $0x80, s26, s14, $0xb8;
	[tilespmem:$0x1C800] =	vst v63  }
0xed: {  	_ =	swait.ge [sflag:s12], $0x4000  }
0xee: {  	[sflag:s12] =	ssyncset.done $0x0  }
0xef: {  	[sflag:s12] =	ssyncadd.s32 $0xFFFFC000  }
0xf0: {  	_ =	swait.ge [sflag:s18], $0x4000  }
0xf1: {  	[sflag:s18] =	ssyncset.done $0x0  }
0xf2: {  	[sflag:s18] =	ssyncadd.s32 $0xFFFFC000  }
0xf3: {  	[tilespmem:s15], [sflag:$0x1] =	stream.indirect.gather [hbm4b:s4+s14], $0x80, s28, s14, $0xb8;
	[tilespmem:$0x1C800] =	vst v63  }
0xf4: {  	_ = 	snop  }
0xf5: {  	[spmem:s2] =	stream.indirect.scatter.add.f32 [tilespmem:s17], [sflag:$0x3], $0x80, s29, s14, $0xb8;
	[tilespmem:$0x1C800] =	vst v63  }
0xf6: {  	_ =	swait.ge [sflag:s12], $0x4000  }
0xf7: {  	[sflag:s12] =	ssyncset.done $0x0  }
0xf8: {  	[sflag:s12] =	ssyncadd.s32 $0xFFFFC000  }
0xf9: {  	_ =	swait.ge [sflag:s16], $0x4000  }
0xfa: {  	[sflag:s16] =	ssyncset.done $0x0  }
0xfb: {  	[sflag:s16] =	ssyncadd.s32 $0xFFFFC000  }
0xfc: {  	[tilespmem:s17], [sflag:$0x2] =	stream.indirect.gather [hbm4b:s4+s14], $0x80, s30, s14, $0xb8;
	[tilespmem:$0x1C800] =	vst v63  }
0xfd: {  	_ = 	snop  }
0xfe: {  	[spmem:s2] =	stream.indirect.scatter.add.f32 [tilespmem:s15], [sflag:$0x3], $0x80, s31, s14, $0xb8;
	[tilespmem:$0x1C800] =	vst v63  }
0xff: {  	_ =	swait.ge [sflag:s12], $0x4000  }
0x100: {  	[sflag:s12] =	ssyncset.done $0x0  }
0x101: {  	[sflag:s12] =	ssyncadd.s32 $0xFFFFC000  }
0x102: {  	_ =	swait.ge [sflag:s18], $0x4000  }
0x103: {  	[sflag:s18] =	ssyncset.done $0x0  }
0x104: {  	[sflag:s18] =	ssyncadd.s32 $0xFFFFC000  }
0x105: {  	[spmem:s2] =	stream.indirect.scatter.add.f32 [tilespmem:s17], [sflag:$0x3], $0x80, s1, s14, $0xb8;
	[tilespmem:$0x1C800] =	vst v63  }
0x106: {  	_ =	swait.ge [sflag:s12], $0x4000  }
0x107: {  	[sflag:s12] =	ssyncset.done $0x0  }
0x108: {  	[sflag:s12] =	ssyncadd.s32 $0xFFFFC000  }
0x109: {  	[bflag:$0x0] =	sbarrier.arrive $0xFFFF  }
0x10a: {  	s6 =	rddreg [dreg:$0x4]  }
0x10b: {  	s8 =	rddreg [dreg:$0x5]  }
0x10c: {  	s7 =	rddreg [dreg:$0x7]  }
0x10d: {  	[hbm:s8], [sflag:s6] =	dma.local [spmem:s7], $0x2800  }
0x10e: {  	_ =	swait.ge [sflag:s12], $0x2800  }
0x10f: {  	s0 =	sadd.s32 $0x1, s0;
	s11 =	rddreg [dreg:$0x6]  }
0x110: {  	p0 =	sne.s32 s0, s11  }
.Ltmp1:
0x111: {  	_ = 	snop;
	(pc) =	sbr.rel @p0 .LBB2_1-.Ltmp1, $3  }
0x112: {  	_ =	sdelay $0x1  }
0x113: {  	[sflag:s12] =	ssyncset.done $0x0  }
0x114: {  	[sflag:s12] =	ssyncadd.s32 $0xFFFFD800  }
0x115: {  	_ =	sfence.sel $0x180000  }
0x116: {  	[bflag:$0x0] =	sbarrier.arrive $0xFFFF  }
0x117: {  	_ =	strace $0x9000004A  }
0x118: {  	s0 =	stileid.u32;
	[bflag:$0x2] =	sbarrier.arrive $0xFFFF  }
0x119: {  	p0 =	sne.s32 s0, $0x0;
	s0 =	rddreg [dreg:$0x2]  }
0x11a: {  	s0 =	sadd.s32 @!p0 $0x100000, s0  }
0x11b: {  	[sflag:s0] =	ssyncadd.tile.s32 @!p0 $0x1;
	_ =	shalt  }
.Lfunc_end2:
_tile_overlayer_lowered:
.L_overlay_start_2:
0x11c: {  	(tag) =	ssettag $0x2  }
0x11d: {  	s0 =	rddreg [dreg:$0x0];
	s2 =	stileid.u32  }
0x11e: {  	s1 =	rddreg [dreg:$0x1];
	p0 =	sne.s32 s2, $0x0  }
0x11f: {  	s3 =	rddreg [dreg:$0x2];
	[bflag:$0x3] =	sbarrier.arrive $0xFFFF;
	s2 =	simm.s32 @!p0 $0x1C03  }
0x120: {  	[timem:s3], [sflag:s2] =	dma.local @!p0 [hbm:s0], s1  }
0x121: {  	s0 =	simm.s32 @!p0 $0x3  }
0x122: {  	_ =	swait.ge @!p0 [sflag:s0], s1  }
0x123: {  	s1 =	ssub.s32 @!p0 $0x0, s1;
	[sflag:s0] =	ssyncset.done @!p0 $0x0  }
0x124: {  	[sflag:s0] =	ssyncadd.s32 @!p0 s1  }
0x125: {  	[bflag:$0x3] =	sbarrier.arrive $0xFFFF  }
0x126: {  	_ =	shalt  }

// kernel: kernel.19.cloned.1.call-start
scs
__scs_entry_jumppad:
0x0: {  	(pc) =	sbr.rel $0x88, $3  }
0x1: {  	(tag) =	ssettag $0x0;
	lr =	simm.s32 $0x1  }
0x2: {  	[smem:$0x3F89] =	sst lr;
	_ =	strace $0xD0000000  }
0x3: {  	_ = 	snop  }
0x4: {  	_ = 	snop  }
0x5: {  	_ = 	snop  }
0x6: {  	_ = 	snop  }
0x7: {  	_ = 	snop  }
__scs_overlays_trampoline_lowered:
0x8: {  	[smem:$0x3F98] =	sst s0  }
0x9: {  	[smem:$0x3F99] =	sst s1  }
0xa: {  	[smem:$0x3F9A] =	sst s2  }
0xb: {  	[smem:$0x3F9B] =	sst s3  }
0xc: {  	[smem:$0x3F9C] =	sst s4  }
0xd: {  	[smem:$0x3F9D] =	sst s5  }
0xe: {  	[smem:$0x3F9E] =	sst s6  }
0xf: {  	[smem:$0x3F9F] =	sst s7  }
0x10: {  	[smem:$0x3FA0] =	sst s8  }
0x11: {  	[smem:$0x3FA1] =	sst s9;
	s0 =	simm.s32 @!p0 $0x0  }
0x12: {  	s1 =	sld [smem:$0x3F87];
	s0 =	simm.s32 @p0 $0x1  }
0x13: {  	[smem:$0x3FA2] =	sst s0;
	s0 =	simm.s32 @!p1 $0x0  }
0x14: {  	s2 =	sld [smem:$0x3F86];
	s0 =	simm.s32 @p1 $0x1  }
0x15: {  	[smem:$0x3FA3] =	sst s0;
	s0 =	simm.s32 @!p2 $0x0  }
0x16: {  	s3 =	sld [smem:$0x3FDB];
	s0 =	simm.s32 @p2 $0x1  }
0x17: {  	s4 =	simm.s32 $0x1BF5;
	[smem:$0x3FA5] =	sst s0  }
0x18: {  	s0 =	sld [smem:$0x3F88];
	_ =	swait.ge [sflag:s4], $0x0  }
0x19: {  	s7 =	sld [smem:$0x3F89]  }
0x1a: {  	s8 =	sadd.s32 $0xFFFFE003, lr  }
0x1b: {  	s9 =	sadd.s32 $0xFFFFFEF7, lr;
	s5 =	simm.s32 $0xFFFFFFFF;
	p2 =	slt.u32 s8, $0xFFFFF086  }
0x1c: {  	p1 =	slt.u32 s9, $0xF7A;
	s5 =	simm.s32 @!p2 $0x0  }
0x1d: {  	s5 =	simm.s32 @p1 $0x1;
	p0 =	seq.s32 s7, s2  }
0x1e: {  	s7 =	smul.u32 @!p0 $0xF7A, s2;
	p2 =	seq.s32 @!p0 s5, $0x0  }
0x1f: {  	s9 =	smul.u32 $0xF7A, s1;
	s8 =	simm.s32 @!p0 $0x1BF5;
	p2 =	por !p2, p0  }
0x20: {  	[sflag:s8] =	ssyncset.s32 @!p0 $0xFFFFF086;
	s6 =	sadd.s32 @!p0 s3, s7;
	s7 =	simm.s32 @!p0 $0x108  }
0x21: {  	s3 =	sadd.s32 s3, s9;
	s6 =	sadd.s32 @!p0 $0x88, s6;
	s7 =	simm.s32 @p2 $0x1082  }
0x22: {  	[simem:s7], [sflag:s8] =	dma.local @!p0 [hbm:s6], $0xF7A  }
0x23: {  	s9 =	sor.u32 $0xD0000000, s2;
	s6 =	simm.s32 $0x108;
	_ =	swait.ge @!p0 [sflag:s8], $0x0  }
0x24: {  	s3 =	sadd.s32 $0x88, s3;
	s6 =	simm.s32 @!p1 $0x1082;
	[sflag:s4] =	ssyncset.s32 $0xFFFFF086  }
0x25: {  	[simem:s6], [sflag:s4] =	dma.local [hbm:s3], $0xF7A  }
0x26: {  	[smem:$0x3F89] =	sst s1;
	(tag) =	ssettag s2;
	_ =	strace s9  }
0x27: {  	s1 =	sld [smem:$0x3F99]  }
0x28: {  	s2 =	sld [smem:$0x3F9A]  }
0x29: {  	s4 =	sld [smem:$0x3F9C]  }
0x2a: {  	p0 =	seq.s32 s5, $0x0;
	s5 =	sld [smem:$0x3F9D]  }
0x2b: {  	s6 =	sld [smem:$0x3F9E]  }
0x2c: {  	s7 =	sld [smem:$0x3F9F]  }
0x2d: {  	s3 =	simm.s32 $0x108;
	s8 =	sld [smem:$0x3FA0]  }
0x2e: {  	s3 =	simm.s32 @!p0 $0x1082;
	s9 =	sld [smem:$0x3FA1]  }
0x2f: {  	lr =	sadd.s32 s0, s3;
	s0 =	sld [smem:$0x3F98]  }
0x30: {  	s3 =	sld [smem:$0x3F9B]  }
0x31: {  	[smem:$0x3FA4] =	sst s10  }
0x32: {  	s10 =	sld [smem:$0x3FA2];
	_ =	sdelay $0x3  }
0x33: {  	p0 =	seq.s32 s10, $0x1;
	s10 =	sld [smem:$0x3FA4];
	_ =	sdelay $0x3  }
0x34: {  	[smem:$0x3FA4] =	sst s10  }
0x35: {  	s10 =	sld [smem:$0x3FA3];
	_ =	sdelay $0x3  }
0x36: {  	p1 =	seq.s32 s10, $0x1;
	s10 =	sld [smem:$0x3FA4];
	_ =	sdelay $0x3  }
0x37: {  	[smem:$0x3FA4] =	sst s10  }
0x38: {  	s10 =	sld [smem:$0x3FA5]  }
0x39: {  	_ = 	snop;
	(pc) =	sbr.ind lr, $3  }
0x3a: {  	_ = 	snop  }
0x3b: {  	_ = 	snop  }
0x3c: {  	p2 =	seq.s32 s10, $0x1;
	s10 =	sld [smem:$0x3FA4]  }
0x3d: {  	_ =	shalt  }
0x3e: {  	_ =	shalt  }
0x3f: {  	_ =	shalt  }
0x40: {  	_ =	shalt  }
0x41: {  	_ =	shalt  }
0x42: {  	_ =	shalt  }
0x43: {  	_ =	shalt  }
0x44: {  	_ =	shalt  }
0x45: {  	_ =	shalt  }
0x46: {  	_ =	shalt  }
0x47: {  	_ =	shalt  }
0x48: {  	_ =	shalt  }
0x49: {  	_ =	shalt  }
0x4a: {  	_ =	shalt  }
0x4b: {  	_ =	shalt  }
0x4c: {  	_ =	shalt  }
0x4d: {  	_ =	shalt  }
0x4e: {  	_ =	shalt  }
0x4f: {  	_ =	shalt  }
0x50: {  	_ =	shalt  }
0x51: {  	_ =	shalt  }
0x52: {  	_ =	shalt  }
0x53: {  	_ =	shalt  }
0x54: {  	_ =	shalt  }
0x55: {  	_ =	shalt  }
0x56: {  	_ =	shalt  }
0x57: {  	_ =	shalt  }
0x58: {  	_ =	shalt  }
0x59: {  	_ =	shalt  }
0x5a: {  	_ =	shalt  }
0x5b: {  	_ =	shalt  }
0x5c: {  	_ =	shalt  }
0x5d: {  	_ =	shalt  }
0x5e: {  	_ =	shalt  }
0x5f: {  	_ =	shalt  }
0x60: {  	_ =	shalt  }
0x61: {  	_ =	shalt  }
0x62: {  	_ =	shalt  }
0x63: {  	_ =	shalt  }
0x64: {  	_ =	shalt  }
0x65: {  	_ =	shalt  }
0x66: {  	_ =	shalt  }
0x67: {  	_ =	shalt  }
0x68: {  	_ =	shalt  }
0x69: {  	_ =	shalt  }
0x6a: {  	_ =	shalt  }
0x6b: {  	_ =	shalt  }
0x6c: {  	_ =	shalt  }
0x6d: {  	_ =	shalt  }
0x6e: {  	_ =	shalt  }
0x6f: {  	_ =	shalt  }
0x70: {  	_ =	shalt  }
0x71: {  	_ =	shalt  }
0x72: {  	_ =	shalt  }
0x73: {  	_ =	shalt  }
0x74: {  	_ =	shalt  }
0x75: {  	_ =	shalt  }
0x76: {  	_ =	shalt  }
0x77: {  	_ =	shalt  }
0x78: {  	_ =	shalt  }
0x79: {  	_ =	shalt  }
0x7a: {  	_ =	shalt  }
0x7b: {  	_ =	shalt  }
0x7c: {  	_ =	shalt  }
0x7d: {  	_ =	shalt  }
0x7e: {  	_ =	shalt  }
0x7f: {  	_ =	shalt  }
0x80: {  	_ =	shalt  }
0x81: {  	_ =	shalt  }
0x82: {  	_ =	shalt  }
0x83: {  	_ =	shalt  }
0x84: {  	_ =	shalt  }
0x85: {  	_ =	shalt  }
0x86: {  	_ =	shalt  }
0x87: {  	_ =	shalt  }
.Lfunc_end0:
.L_simem_size_0:
called_computation.2_lowered:
.L_overlay_start_0:
0x88: {  	s2 =	sld [smem:$0x3FD9]  }
0x89: {  	s3 =	sld [smem:$0x3FFE];
	_ =	sdelay $0x1  }
0x8a: {  	s1 =	srdreg.scid  }
0x8b: {  	s0 =	sand.u32 $0x1, s1  }
0x8c: {  	s16 =	sshll.u32 s0, $0xA;
	s2 =	sadd.s32 s3, s2  }
0x8d: {  	s2 =	sadd.s32 s2, s16  }
0x8e: {  	[smem:$0x3FB0] =	sst s2  }
0x8f: {  	_ = 	snop  }
0x90: {  	(tm) =	ssettm $0x1  }
0x91: {  	s17 =	sld [smem:$0x3FFB];
	_ =	sdelay $0x3  }
0x92: {  	_ =	strace s17  }
0x93: {  	s2 =	sld [smem:$0x3FFC];
	_ =	sdelay $0x3  }
0x94: {  	_ =	strace s2  }
0x95: {  	s2 =	sld [smem:$0x3FFD];
	_ =	sdelay $0x3  }
0x96: {  	_ =	strace s2  }
0x97: {  	_ =	strace $0x8FFFFFFF  }
0x98: {  	s18 =	sld [smem:$0x3FDB];
	_ =	sdelay $0x1  }
0x99: {  	s19 =	simm.s32 $_scs_section_size  }
0x9a: {  	s4 =	simm.s32 $_size__tile_overlayer_lowered;
	s5 =	simm.s32 $_tile_overlayer_lowered  }
0x9b: {  	s22 =	simm.s32 $0x1BFF;
	s21 =	sshll.u32 s5, $0x1;
	s2 =	sadd.s32 s19, s18  }
0x9c: {  	s6 =	simm.s32 $0x0;
	s20 =	sshll.u32 s4, $0x1;
	s4 =	sadd.s32 s21, s2  }
0x9d: {  	[timem:s6], [sflag:s22] =	dma.local [hbm:s4], s20  }
0x9e: {  	_ =	swait.ge [sflag:s22], s20  }
0x9f: {  	s3 =	ssub.s32 $0x0, s20;
	[sflag:s22] =	ssyncset.done $0x0  }
0xa0: {  	[sflag:s22] =	ssyncadd.s32 s3;
	_ =	sdelay $0x1  }
0xa1: {  	s23 =	simm.s32 $0x1B8B  }
0xa2: {  	_ =	swait.ge [sflag:s23], $0x1  }
0xa3: {  	[sflag:s23] =	ssyncset.done $0x0  }
0xa4: {  	s25 =	simm.s32 $0x1B8E;
	s24 =	sld [smem:$0x3FFE];
	[sflag:s23] =	ssyncadd.s32 $0xFFFFFFFF  }
0xa5: {  	s26 =	simm.s32 $execute0_lowered;
	[smem:$0x3FD2] =	sst s25  }
0xa6: {  	s4 =	sshll.u32 s26, $0x1;
	_ =	strace $0x8000004C;
	[dreg:$0x1] =	wrdreg $0xFFFFFFFF  }
0xa7: {  	s28 =	simm.s32 $_size_execute0_lowered;
	s2 =	sadd.s32 s2, s4;
	[dreg:$0x0] =	wrdreg $0x0  }
0xa8: {  	s4 =	sshll.u32 s28, $0x1;
	[dreg:$0x2] =	wrdreg s2  }
0xa9: {  	[dreg:$0x3] =	wrdreg s4  }
0xaa: {  	[dreg:$0x4] =	wrdreg $0xC0  }
0xab: {  	_ =	task [dreg:s6], $0x5FFFF  }
0xac: {  	[dreg:$0x1] =	wrdreg $0xFFFFFFFF  }
0xad: {  	[dreg:$0x0] =	wrdreg $0x60  }
0xae: {  	[dreg:$0x2] =	wrdreg s24  }
0xaf: {  	[dreg:$0x3] =	wrdreg $0x88000  }
0xb0: {  	[dreg:$0x4] =	wrdreg $0x9  }
0xb1: {  	_ =	task.clear_ibuf [dreg:s6], $0x5FFFF;
	_ =	strace $0x9000004C  }
0xb2: {  	s29 =	simm.s32 $0x9;
	_ =	strace $0x8000004E  }
0xb3: {  	_ =	swait.ge [sflag:s29], $0x1  }
0xb4: {  	[sflag:s29] =	ssyncadd.s32 $0xFFFFFFFF  }
0xb5: {  	_ =	strace $0x9000004E  }
0xb6: {  	_ =	sfence  }
0xb7: {  	s30 =	sld [smem:$0x0];
	_ =	sdelay $0x2  }
0xb8: {  	s31 =	sshll.u32 s1, $0xD;
	s1 =	sshrl.u32 s1, $0x2  }
0xb9: {  	s3 =	sand.u32 $0x4000, s31;
	s1 =	sadd.s32 s1, s30  }
0xba: {  	s0 =	sor.u32 s3, s0;
	s1 =	sshll.u32 s1, $0x11  }
0xbb: {  	s0 =	sor.u32 s1, s0  }
0xbc: {  	s0 =	sadd.s32 $0x8F2B, s0  }
0xbd: {  	[sflag:s0] =	ssyncadd.remote.s32 $0x1  }
0xbe: {  	_ =	sfence.sel $0xFFFF  }
0xbf: {  	[dreg:$0x0] =	wrdreg $0xFFFFFFFF;
	(pc) =	sbr.abs _section_cstart, $3  }
0xc0: {  	[dreg:$0x1] =	wrdreg $0xFFFFFFFF  }
0xc1: {  	_ =	task.clear_ibuf [dreg:s6], $0x2FFFF;
	_ =	strace $0x9FFFFFFF  }
0xc2: {  	(tm) =	ssettm $0x7FFFFFFF  }
0xc3: {  	_ =	shalt  }
tec
execute0_lowered:
.L_overlay_start_1:
0x0: {  	(tag) =	ssettag $0x1  }
0x1: {  	s0 =	srdreg.scid;
	s1 =	rddreg [dreg:$0x0]  }
0x2: {  	s8 =	stileid.u32;
	s2 =	rddreg [dreg:$0x1];
	s3 =	simm.s32 $0x0  }
0x3: {  	s12 =	simm.s32 $0x3;
	s13 =	simm.s32 $0x400;
	s14 =	simm.s32 $0x80  }
0x4: {  	s15 =	simm.s32 $0x800;
	s16 =	simm.s32 $0x1;
	s17 =	simm.s32 $0x4800  }
0x5: {  	s18 =	simm.s32 $0x2;
	s19 =	simm.s32 $0x100;
	s20 =	simm.s32 $0x480  }
0x6: {  	s21 =	simm.s32 $0x180;
	s22 =	simm.s32 $0x500;
	s23 =	simm.s32 $0x200  }
0x7: {  	s28 =	simm.s32 $0x300;
	s29 =	simm.s32 $0x680;
	s5 =	smul.u32 $0x2800, s8  }
0x8: {  	s30 =	simm.s32 $0x380;
	s31 =	simm.s32 $0x700;
	s7 =	smul.u32 $0x14000, s8  }
0x9: {  	s0 =	sand.u32 $0x1, s0;
	[smem:$0x7FF] =	sst s3;
	s24 =	smul.u32 $0x50000, s8  }
0xa: {  	s9 =	sadd.s32 $0x37600, s1;
	s26 =	sshll.u32 s8, $0x6;
	s4 =	smul.u32 $0x28000, s0  }
0xb: {  	s6 =	smul.u32 $0x140000, s0;
	_ =	strace $0x8000004D;
	s0 =	ssub.s32 $0x2, s0  }
0xc: {  	[dreg:$0x3] =	wrdreg s9;
	s25 =	sshrl.u32 s0, $0x1;
	s5 =	sadd.s32 s5, s4  }
0xd: {  	s4 =	sadd.s32 $0xF600, s1;
	s6 =	sadd.s32 s7, s6;
	s7 =	sshrl.u32 s24, $0x2  }
0xe: {  	s0 =	ssub.s32 s0, s25;
	s24 =	simm.s32 $0x580;
	s25 =	simm.s32 $0x280  }
0xf: {  	s5 =	sshrl.u32 s5, $0x3;
	s6 =	sshrl.u32 s6, $0x3;
	s7 =	sadd.s32 s7, s2  }
0x10: {  	s0 =	smax.u32 s0, $0x1;
	s5 =	sadd.s32 s5, s1;
	s1 =	sadd.s32 s6, s1  }
0x11: {  	s6 =	sor.u32 $0x1C03, s26;
	[dreg:$0x6] =	wrdreg s0;
	s7 =	sshrl.u32 s7, $0x3  }
0x12: {  	s26 =	simm.s32 $0x600;
	s0 =	simm.s32 $0x0;
	[dreg:$0x4] =	wrdreg s6  }
0x13: {  	s1 =	sadd.s32 $0x6C600, s1;
	s9 =	sadd.s32 $0x5600, s5;
	[dreg:$0x7] =	wrdreg s7  }
0x14: {  	s10 =	sadd.s32 $0x62600, s5;
	[dreg:$0x5] =	wrdreg s1;
	s1 =	simm.s32 $0x780  }
.LBB2_1:
0x15: {  	s5 =	rddreg [dreg:$0x3]  }
0x16: {  	[spmem:s7], [sflag:s6] =	dma.local [hbm:s5], $0x2800  }
0x17: {  	_ =	swait.ge [sflag:s12], $0x2800  }
0x18: {  	[sflag:s12] =	ssyncset.done $0x0  }
0x19: {  	[sflag:s12] =	ssyncadd.s32 $0xFFFFD800  }
0x1a: {  	s8 =	sadd.s32 $0x0, s10;
	[bflag:$0x0] =	sbarrier.arrive $0xFFFF  }
0x1b: {  	[tilespmem:s3], [sflag:$0x3] =	stream.linear.gather [hbm4b:s8+s3], $0x400, $0x38;
	[tilespmem:$0x1C800] =	vst v63  }
0x1c: {  	_ =	swait.ge [sflag:s12], $0x400  }
0x1d: {  	[sflag:s12] =	ssyncset.done $0x0  }
0x1e: {  	s11 =	sadd.s32 $0x0, s9;
	[sflag:s12] =	ssyncadd.s32 $0xFFFFFC00  }
0x1f: {  	[tilespmem:s13], [sflag:$0x3] =	stream.linear.gather [hbm4b:s11+s3], $0x400, $0x38;
	[tilespmem:$0x1C800] =	vst v63  }
0x20: {  	_ =	swait.ge [sflag:s12], $0x400  }
0x21: {  	[sflag:s12] =	ssyncset.done $0x0  }
0x22: {  	[sflag:s12] =	ssyncadd.s32 $0xFFFFFC00  }
0x23: {  	[tilespmem:s15], [sflag:$0x1] =	stream.indirect.gather [hbm4b:s4+s14], $0x80, s3, s14, $0xb8;
	[tilespmem:$0x1C800] =	vst v63  }
0x24: {  	_ =	swait.ge [sflag:s16], $0x4000  }
0x25: {  	[sflag:s16] =	ssyncset.done $0x0  }
0x26: {  	[sflag:s16] =	ssyncadd.s32 $0xFFFFC000  }
0x27: {  	[tilespmem:s17], [sflag:$0x2] =	stream.indirect.gather [hbm4b:s4+s14], $0x80, s14, s14, $0xb8;
	[tilespmem:$0x1C800] =	vst v63  }
0x28: {  	_ = 	snop  }
0x29: {  	[spmem:s2] =	stream.indirect.scatter.add.f32 [tilespmem:s15], [sflag:$0x3], $0x80, s13, s14, $0xb8;
	[tilespmem:$0x1C800] =	vst v63  }
0x2a: {  	_ =	swait.ge [sflag:s12], $0x4000  }
0x2b: {  	[sflag:s12] =	ssyncset.done $0x0  }
0x2c: {  	[sflag:s12] =	ssyncadd.s32 $0xFFFFC000  }
0x2d: {  	_ =	swait.ge [sflag:s18], $0x4000  }
0x2e: {  	[sflag:s18] =	ssyncset.done $0x0  }
0x2f: {  	[sflag:s18] =	ssyncadd.s32 $0xFFFFC000  }
0x30: {  	[tilespmem:s15], [sflag:$0x1] =	stream.indirect.gather [hbm4b:s4+s14], $0x80, s19, s14, $0xb8;
	[tilespmem:$0x1C800] =	vst v63  }
0x31: {  	_ = 	snop  }
0x32: {  	[spmem:s2] =	stream.indirect.scatter.add.f32 [tilespmem:s17], [sflag:$0x3], $0x80, s20, s14, $0xb8;
	[tilespmem:$0x1C800] =	vst v63  }
0x33: {  	_ =	swait.ge [sflag:s12], $0x4000  }
0x34: {  	[sflag:s12] =	ssyncset.done $0x0  }
0x35: {  	[sflag:s12] =	ssyncadd.s32 $0xFFFFC000  }
0x36: {  	_ =	swait.ge [sflag:s16], $0x4000  }
0x37: {  	[sflag:s16] =	ssyncset.done $0x0  }
0x38: {  	[sflag:s16] =	ssyncadd.s32 $0xFFFFC000  }
0x39: {  	[tilespmem:s17], [sflag:$0x2] =	stream.indirect.gather [hbm4b:s4+s14], $0x80, s21, s14, $0xb8;
	[tilespmem:$0x1C800] =	vst v63  }
0x3a: {  	_ = 	snop  }
0x3b: {  	[spmem:s2] =	stream.indirect.scatter.add.f32 [tilespmem:s15], [sflag:$0x3], $0x80, s22, s14, $0xb8;
	[tilespmem:$0x1C800] =	vst v63  }
0x3c: {  	_ =	swait.ge [sflag:s12], $0x4000  }
0x3d: {  	[sflag:s12] =	ssyncset.done $0x0  }
0x3e: {  	[sflag:s12] =	ssyncadd.s32 $0xFFFFC000  }
0x3f: {  	_ =	swait.ge [sflag:s18], $0x4000  }
0x40: {  	[sflag:s18] =	ssyncset.done $0x0  }
0x41: {  	[sflag:s18] =	ssyncadd.s32 $0xFFFFC000  }
0x42: {  	[tilespmem:s15], [sflag:$0x1] =	stream.indirect.gather [hbm4b:s4+s14], $0x80, s23, s14, $0xb8;
	[tilespmem:$0x1C800] =	vst v63  }
0x43: {  	_ = 	snop  }
0x44: {  	[spmem:s2] =	stream.indirect.scatter.add.f32 [tilespmem:s17], [sflag:$0x3], $0x80, s24, s14, $0xb8;
	[tilespmem:$0x1C800] =	vst v63  }
0x45: {  	_ =	swait.ge [sflag:s12], $0x4000  }
0x46: {  	[sflag:s12] =	ssyncset.done $0x0  }
0x47: {  	[sflag:s12] =	ssyncadd.s32 $0xFFFFC000  }
0x48: {  	_ =	swait.ge [sflag:s16], $0x4000  }
0x49: {  	[sflag:s16] =	ssyncset.done $0x0  }
0x4a: {  	[sflag:s16] =	ssyncadd.s32 $0xFFFFC000  }
0x4b: {  	[tilespmem:s17], [sflag:$0x2] =	stream.indirect.gather [hbm4b:s4+s14], $0x80, s25, s14, $0xb8;
	[tilespmem:$0x1C800] =	vst v63  }
0x4c: {  	_ = 	snop  }
0x4d: {  	[spmem:s2] =	stream.indirect.scatter.add.f32 [tilespmem:s15], [sflag:$0x3], $0x80, s26, s14, $0xb8;
	[tilespmem:$0x1C800] =	vst v63  }
0x4e: {  	_ =	swait.ge [sflag:s12], $0x4000  }
0x4f: {  	[sflag:s12] =	ssyncset.done $0x0  }
0x50: {  	[sflag:s12] =	ssyncadd.s32 $0xFFFFC000  }
0x51: {  	_ =	swait.ge [sflag:s18], $0x4000  }
0x52: {  	[sflag:s18] =	ssyncset.done $0x0  }
0x53: {  	[sflag:s18] =	ssyncadd.s32 $0xFFFFC000  }
0x54: {  	[tilespmem:s15], [sflag:$0x1] =	stream.indirect.gather [hbm4b:s4+s14], $0x80, s28, s14, $0xb8;
	[tilespmem:$0x1C800] =	vst v63  }
0x55: {  	_ = 	snop  }
0x56: {  	[spmem:s2] =	stream.indirect.scatter.add.f32 [tilespmem:s17], [sflag:$0x3], $0x80, s29, s14, $0xb8;
	[tilespmem:$0x1C800] =	vst v63  }
0x57: {  	_ =	swait.ge [sflag:s12], $0x4000  }
0x58: {  	[sflag:s12] =	ssyncset.done $0x0  }
0x59: {  	[sflag:s12] =	ssyncadd.s32 $0xFFFFC000  }
0x5a: {  	_ =	swait.ge [sflag:s16], $0x4000  }
0x5b: {  	[sflag:s16] =	ssyncset.done $0x0  }
0x5c: {  	[sflag:s16] =	ssyncadd.s32 $0xFFFFC000  }
0x5d: {  	[tilespmem:s17], [sflag:$0x2] =	stream.indirect.gather [hbm4b:s4+s14], $0x80, s30, s14, $0xb8;
	[tilespmem:$0x1C800] =	vst v63  }
0x5e: {  	_ = 	snop  }
0x5f: {  	[spmem:s2] =	stream.indirect.scatter.add.f32 [tilespmem:s15], [sflag:$0x3], $0x80, s31, s14, $0xb8;
	[tilespmem:$0x1C800] =	vst v63  }
0x60: {  	_ =	swait.ge [sflag:s12], $0x4000  }
0x61: {  	[sflag:s12] =	ssyncset.done $0x0  }
0x62: {  	[sflag:s12] =	ssyncadd.s32 $0xFFFFC000  }
0x63: {  	_ =	swait.ge [sflag:s18], $0x4000  }
0x64: {  	[sflag:s18] =	ssyncset.done $0x0  }
0x65: {  	[sflag:s18] =	ssyncadd.s32 $0xFFFFC000  }
0x66: {  	[spmem:s2] =	stream.indirect.scatter.add.f32 [tilespmem:s17], [sflag:$0x3], $0x80, s1, s14, $0xb8;
	[tilespmem:$0x1C800] =	vst v63  }
0x67: {  	_ =	swait.ge [sflag:s12], $0x4000  }
0x68: {  	s5 =	simm.s32 $0x80;
	s7 =	simm.s32 $0x100;
	[sflag:s12] =	ssyncset.done $0x0  }
.LBB2_2:
0x69: {  	s6 =	sadd.s32 s5, s10  }
0x6a: {  	[sflag:s12] =	ssyncadd.s32 $0xFFFFC000;
	s11 =	smov.u32 s7;
	s8 =	sadd.s32 $0x80, s7  }
0x6b: {  	[tilespmem:s3], [sflag:$0x3] =	stream.linear.gather [hbm4b:s6+s3], $0x400, $0x38;
	[tilespmem:$0x1C800] =	vst v63  }
0x6c: {  	p0 =	sne.s32 s7, $0x480;
	_ =	swait.ge [sflag:s12], $0x400  }
0x6d: {  	[sflag:s12] =	ssyncset.done $0x0  }
0x6e: {  	s6 =	sadd.s32 s5, s9;
	s5 =	smov.u32 s11;
	[sflag:s12] =	ssyncadd.s32 $0xFFFFFC00  }
0x6f: {  	[tilespmem:s13], [sflag:$0x3] =	stream.linear.gather [hbm4b:s6+s3], $0x400, $0x38;
	[tilespmem:$0x1C800] =	vst v63  }
0x70: {  	_ =	swait.ge [sflag:s12], $0x400  }
0x71: {  	[sflag:s12] =	ssyncset.done $0x0  }
0x72: {  	[sflag:s12] =	ssyncadd.s32 $0xFFFFFC00  }
0x73: {  	[tilespmem:s15], [sflag:$0x1] =	stream.indirect.gather [hbm4b:s4+s14], $0x80, s3, s14, $0xb8;
	[tilespmem:$0x1C800] =	vst v63  }
0x74: {  	_ =	swait.ge [sflag:s16], $0x4000  }
0x75: {  	[sflag:s16] =	ssyncset.done $0x0  }
0x76: {  	[sflag:s16] =	ssyncadd.s32 $0xFFFFC000  }
0x77: {  	[tilespmem:s17], [sflag:$0x2] =	stream.indirect.gather [hbm4b:s4+s14], $0x80, s14, s14, $0xb8;
	[tilespmem:$0x1C800] =	vst v63  }
0x78: {  	_ = 	snop  }
0x79: {  	[spmem:s2] =	stream.indirect.scatter.add.f32 [tilespmem:s15], [sflag:$0x3], $0x80, s13, s14, $0xb8;
	[tilespmem:$0x1C800] =	vst v63  }
0x7a: {  	_ =	swait.ge [sflag:s12], $0x4000  }
0x7b: {  	[sflag:s12] =	ssyncset.done $0x0  }
0x7c: {  	[sflag:s12] =	ssyncadd.s32 $0xFFFFC000  }
0x7d: {  	_ =	swait.ge [sflag:s18], $0x4000  }
0x7e: {  	[sflag:s18] =	ssyncset.done $0x0  }
0x7f: {  	[sflag:s18] =	ssyncadd.s32 $0xFFFFC000  }
0x80: {  	[tilespmem:s15], [sflag:$0x1] =	stream.indirect.gather [hbm4b:s4+s14], $0x80, s19, s14, $0xb8;
	[tilespmem:$0x1C800] =	vst v63  }
0x81: {  	_ = 	snop  }
0x82: {  	[spmem:s2] =	stream.indirect.scatter.add.f32 [tilespmem:s17], [sflag:$0x3], $0x80, s20, s14, $0xb8;
	[tilespmem:$0x1C800] =	vst v63  }
0x83: {  	_ =	swait.ge [sflag:s12], $0x4000  }
0x84: {  	[sflag:s12] =	ssyncset.done $0x0  }
0x85: {  	[sflag:s12] =	ssyncadd.s32 $0xFFFFC000  }
0x86: {  	_ =	swait.ge [sflag:s16], $0x4000  }
0x87: {  	[sflag:s16] =	ssyncset.done $0x0  }
0x88: {  	[sflag:s16] =	ssyncadd.s32 $0xFFFFC000  }
0x89: {  	[tilespmem:s17], [sflag:$0x2] =	stream.indirect.gather [hbm4b:s4+s14], $0x80, s21, s14, $0xb8;
	[tilespmem:$0x1C800] =	vst v63  }
0x8a: {  	_ = 	snop  }
0x8b: {  	[spmem:s2] =	stream.indirect.scatter.add.f32 [tilespmem:s15], [sflag:$0x3], $0x80, s22, s14, $0xb8;
	[tilespmem:$0x1C800] =	vst v63  }
0x8c: {  	_ =	swait.ge [sflag:s12], $0x4000  }
0x8d: {  	[sflag:s12] =	ssyncset.done $0x0  }
0x8e: {  	[sflag:s12] =	ssyncadd.s32 $0xFFFFC000  }
0x8f: {  	_ =	swait.ge [sflag:s18], $0x4000  }
0x90: {  	[sflag:s18] =	ssyncset.done $0x0  }
0x91: {  	[sflag:s18] =	ssyncadd.s32 $0xFFFFC000  }
0x92: {  	[tilespmem:s15], [sflag:$0x1] =	stream.indirect.gather [hbm4b:s4+s14], $0x80, s23, s14, $0xb8;
	[tilespmem:$0x1C800] =	vst v63  }
0x93: {  	_ = 	snop  }
0x94: {  	[spmem:s2] =	stream.indirect.scatter.add.f32 [tilespmem:s17], [sflag:$0x3], $0x80, s24, s14, $0xb8;
	[tilespmem:$0x1C800] =	vst v63  }
0x95: {  	_ =	swait.ge [sflag:s12], $0x4000  }
0x96: {  	[sflag:s12] =	ssyncset.done $0x0  }
0x97: {  	[sflag:s12] =	ssyncadd.s32 $0xFFFFC000  }
0x98: {  	_ =	swait.ge [sflag:s16], $0x4000  }
0x99: {  	[sflag:s16] =	ssyncset.done $0x0  }
0x9a: {  	[sflag:s16] =	ssyncadd.s32 $0xFFFFC000  }
0x9b: {  	[tilespmem:s17], [sflag:$0x2] =	stream.indirect.gather [hbm4b:s4+s14], $0x80, s25, s14, $0xb8;
	[tilespmem:$0x1C800] =	vst v63  }
0x9c: {  	_ = 	snop  }
0x9d: {  	[spmem:s2] =	stream.indirect.scatter.add.f32 [tilespmem:s15], [sflag:$0x3], $0x80, s26, s14, $0xb8;
	[tilespmem:$0x1C800] =	vst v63  }
0x9e: {  	_ =	swait.ge [sflag:s12], $0x4000  }
0x9f: {  	[sflag:s12] =	ssyncset.done $0x0  }
0xa0: {  	[sflag:s12] =	ssyncadd.s32 $0xFFFFC000  }
0xa1: {  	_ =	swait.ge [sflag:s18], $0x4000  }
0xa2: {  	[sflag:s18] =	ssyncset.done $0x0  }
0xa3: {  	[sflag:s18] =	ssyncadd.s32 $0xFFFFC000  }
0xa4: {  	[tilespmem:s15], [sflag:$0x1] =	stream.indirect.gather [hbm4b:s4+s14], $0x80, s28, s14, $0xb8;
	[tilespmem:$0x1C800] =	vst v63  }
0xa5: {  	_ = 	snop  }
0xa6: {  	[spmem:s2] =	stream.indirect.scatter.add.f32 [tilespmem:s17], [sflag:$0x3], $0x80, s29, s14, $0xb8;
	[tilespmem:$0x1C800] =	vst v63  }
0xa7: {  	_ =	swait.ge [sflag:s12], $0x4000  }
0xa8: {  	[sflag:s12] =	ssyncset.done $0x0  }
0xa9: {  	[sflag:s12] =	ssyncadd.s32 $0xFFFFC000  }
0xaa: {  	_ =	swait.ge [sflag:s16], $0x4000  }
0xab: {  	[sflag:s16] =	ssyncset.done $0x0  }
0xac: {  	[sflag:s16] =	ssyncadd.s32 $0xFFFFC000  }
0xad: {  	[tilespmem:s17], [sflag:$0x2] =	stream.indirect.gather [hbm4b:s4+s14], $0x80, s30, s14, $0xb8;
	[tilespmem:$0x1C800] =	vst v63  }
0xae: {  	_ = 	snop  }
0xaf: {  	[spmem:s2] =	stream.indirect.scatter.add.f32 [tilespmem:s15], [sflag:$0x3], $0x80, s31, s14, $0xb8;
	[tilespmem:$0x1C800] =	vst v63  }
0xb0: {  	_ =	swait.ge [sflag:s12], $0x4000  }
0xb1: {  	[sflag:s12] =	ssyncset.done $0x0  }
0xb2: {  	[sflag:s12] =	ssyncadd.s32 $0xFFFFC000  }
0xb3: {  	_ =	swait.ge [sflag:s18], $0x4000  }
.Ltmp0:
0xb4: {  	[sflag:s18] =	ssyncset.done $0x0;
	(pc) =	sbr.rel @p0 .LBB2_2-.Ltmp0, $4  }
0xb5: {  	[sflag:s18] =	ssyncadd.s32 $0xFFFFC000  }
0xb6: {  	[spmem:s2] =	stream.indirect.scatter.add.f32 [tilespmem:s17], [sflag:$0x3], $0x80, s1, s14, $0xb8;
	[tilespmem:$0x1C800] =	vst v63  }
0xb7: {  	_ =	swait.ge [sflag:s12], $0x4000  }
0xb8: {  	s7 =	smov.u32 s8;
	[sflag:s12] =	ssyncset.done $0x0  }
0xb9: {  	s6 =	sadd.s32 s5, s10;
	[sflag:s12] =	ssyncadd.s32 $0xFFFFC000  }
0xba: {  	[tilespmem:s3], [sflag:$0x3] =	stream.linear.gather [hbm4b:s6+s3], $0x400, $0x38;
	[tilespmem:$0x1C800] =	vst v63  }
0xbb: {  	_ =	swait.ge [sflag:s12], $0x400  }
0xbc: {  	[sflag:s12] =	ssyncset.done $0x0  }
0xbd: {  	s7 =	sadd.s32 s5, s9;
	[sflag:s12] =	ssyncadd.s32 $0xFFFFFC00  }
0xbe: {  	[tilespmem:s13], [sflag:$0x3] =	stream.linear.gather [hbm4b:s7+s3], $0x400, $0x38;
	[tilespmem:$0x1C800] =	vst v63  }
0xbf: {  	_ =	swait.ge [sflag:s12], $0x400  }
0xc0: {  	[sflag:s12] =	ssyncset.done $0x0  }
0xc1: {  	[sflag:s12] =	ssyncadd.s32 $0xFFFFFC00  }
0xc2: {  	[tilespmem:s15], [sflag:$0x1] =	stream.indirect.gather [hbm4b:s4+s14], $0x80, s3, s14, $0xb8;
	[tilespmem:$0x1C800] =	vst v63  }
0xc3: {  	_ =	swait.ge [sflag:s16], $0x4000  }
0xc4: {  	[sflag:s16] =	ssyncset.done $0x0  }
0xc5: {  	[sflag:s16] =	ssyncadd.s32 $0xFFFFC000  }
0xc6: {  	[tilespmem:s17], [sflag:$0x2] =	stream.indirect.gather [hbm4b:s4+s14], $0x80, s14, s14, $0xb8;
	[tilespmem:$0x1C800] =	vst v63  }
0xc7: {  	_ = 	snop  }
0xc8: {  	[spmem:s2] =	stream.indirect.scatter.add.f32 [tilespmem:s15], [sflag:$0x3], $0x80, s13, s14, $0xb8;
	[tilespmem:$0x1C800] =	vst v63  }
0xc9: {  	_ =	swait.ge [sflag:s12], $0x4000  }
0xca: {  	[sflag:s12] =	ssyncset.done $0x0  }
0xcb: {  	[sflag:s12] =	ssyncadd.s32 $0xFFFFC000  }
0xcc: {  	_ =	swait.ge [sflag:s18], $0x4000  }
0xcd: {  	[sflag:s18] =	ssyncset.done $0x0  }
0xce: {  	[sflag:s18] =	ssyncadd.s32 $0xFFFFC000  }
0xcf: {  	[tilespmem:s15], [sflag:$0x1] =	stream.indirect.gather [hbm4b:s4+s14], $0x80, s19, s14, $0xb8;
	[tilespmem:$0x1C800] =	vst v63  }
0xd0: {  	_ = 	snop  }
0xd1: {  	[spmem:s2] =	stream.indirect.scatter.add.f32 [tilespmem:s17], [sflag:$0x3], $0x80, s20, s14, $0xb8;
	[tilespmem:$0x1C800] =	vst v63  }
0xd2: {  	_ =	swait.ge [sflag:s12], $0x4000  }
0xd3: {  	[sflag:s12] =	ssyncset.done $0x0  }
0xd4: {  	[sflag:s12] =	ssyncadd.s32 $0xFFFFC000  }
0xd5: {  	_ =	swait.ge [sflag:s16], $0x4000  }
0xd6: {  	[sflag:s16] =	ssyncset.done $0x0  }
0xd7: {  	[sflag:s16] =	ssyncadd.s32 $0xFFFFC000  }
0xd8: {  	[tilespmem:s17], [sflag:$0x2] =	stream.indirect.gather [hbm4b:s4+s14], $0x80, s21, s14, $0xb8;
	[tilespmem:$0x1C800] =	vst v63  }
0xd9: {  	_ = 	snop  }
0xda: {  	[spmem:s2] =	stream.indirect.scatter.add.f32 [tilespmem:s15], [sflag:$0x3], $0x80, s22, s14, $0xb8;
	[tilespmem:$0x1C800] =	vst v63  }
0xdb: {  	_ =	swait.ge [sflag:s12], $0x4000  }
0xdc: {  	[sflag:s12] =	ssyncset.done $0x0  }
0xdd: {  	[sflag:s12] =	ssyncadd.s32 $0xFFFFC000  }
0xde: {  	_ =	swait.ge [sflag:s18], $0x4000  }
0xdf: {  	[sflag:s18] =	ssyncset.done $0x0  }
0xe0: {  	[sflag:s18] =	ssyncadd.s32 $0xFFFFC000  }
0xe1: {  	[tilespmem:s15], [sflag:$0x1] =	stream.indirect.gather [hbm4b:s4+s14], $0x80, s23, s14, $0xb8;
	[tilespmem:$0x1C800] =	vst v63  }
0xe2: {  	_ = 	snop  }
0xe3: {  	[spmem:s2] =	stream.indirect.scatter.add.f32 [tilespmem:s17], [sflag:$0x3], $0x80, s24, s14, $0xb8;
	[tilespmem:$0x1C800] =	vst v63  }
0xe4: {  	_ =	swait.ge [sflag:s12], $0x4000  }
0xe5: {  	[sflag:s12] =	ssyncset.done $0x0  }
0xe6: {  	[sflag:s12] =	ssyncadd.s32 $0xFFFFC000  }
0xe7: {  	_ =	swait.ge [sflag:s16], $0x4000  }
0xe8: {  	[sflag:s16] =	ssyncset.done $0x0  }
0xe9: {  	[sflag:s16] =	ssyncadd.s32 $0xFFFFC000  }
0xea: {  	[tilespmem:s17], [sflag:$0x2] =	stream.indirect.gather [hbm4b:s4+s14], $0x80, s25, s14, $0xb8;
	[tilespmem:$0x1C800] =	vst v63  }
0xeb: {  	_ = 	snop  }
0xec: {  	[spmem:s2] =	stream.indirect.scatter.add.f32 [tilespmem:s15], [sflag:$0x3], $0x80, s26, s14, $0xb8;
	[tilespmem:$0x1C800] =	vst v63  }
0xed: {  	_ =	swait.ge [sflag:s12], $0x4000  }
0xee: {  	[sflag:s12] =	ssyncset.done $0x0  }
0xef: {  	[sflag:s12] =	ssyncadd.s32 $0xFFFFC000  }
0xf0: {  	_ =	swait.ge [sflag:s18], $0x4000  }
0xf1: {  	[sflag:s18] =	ssyncset.done $0x0  }
0xf2: {  	[sflag:s18] =	ssyncadd.s32 $0xFFFFC000  }
0xf3: {  	[tilespmem:s15], [sflag:$0x1] =	stream.indirect.gather [hbm4b:s4+s14], $0x80, s28, s14, $0xb8;
	[tilespmem:$0x1C800] =	vst v63  }
0xf4: {  	_ = 	snop  }
0xf5: {  	[spmem:s2] =	stream.indirect.scatter.add.f32 [tilespmem:s17], [sflag:$0x3], $0x80, s29, s14, $0xb8;
	[tilespmem:$0x1C800] =	vst v63  }
0xf6: {  	_ =	swait.ge [sflag:s12], $0x4000  }
0xf7: {  	[sflag:s12] =	ssyncset.done $0x0  }
0xf8: {  	[sflag:s12] =	ssyncadd.s32 $0xFFFFC000  }
0xf9: {  	_ =	swait.ge [sflag:s16], $0x4000  }
0xfa: {  	[sflag:s16] =	ssyncset.done $0x0  }
0xfb: {  	[sflag:s16] =	ssyncadd.s32 $0xFFFFC000  }
0xfc: {  	[tilespmem:s17], [sflag:$0x2] =	stream.indirect.gather [hbm4b:s4+s14], $0x80, s30, s14, $0xb8;
	[tilespmem:$0x1C800] =	vst v63  }
0xfd: {  	_ = 	snop  }
0xfe: {  	[spmem:s2] =	stream.indirect.scatter.add.f32 [tilespmem:s15], [sflag:$0x3], $0x80, s31, s14, $0xb8;
	[tilespmem:$0x1C800] =	vst v63  }
0xff: {  	_ =	swait.ge [sflag:s12], $0x4000  }
0x100: {  	[sflag:s12] =	ssyncset.done $0x0  }
0x101: {  	[sflag:s12] =	ssyncadd.s32 $0xFFFFC000  }
0x102: {  	_ =	swait.ge [sflag:s18], $0x4000  }
0x103: {  	[sflag:s18] =	ssyncset.done $0x0  }
0x104: {  	[sflag:s18] =	ssyncadd.s32 $0xFFFFC000  }
0x105: {  	[spmem:s2] =	stream.indirect.scatter.add.f32 [tilespmem:s17], [sflag:$0x3], $0x80, s1, s14, $0xb8;
	[tilespmem:$0x1C800] =	vst v63  }
0x106: {  	_ =	swait.ge [sflag:s12], $0x4000  }
0x107: {  	[sflag:s12] =	ssyncset.done $0x0  }
0x108: {  	[sflag:s12] =	ssyncadd.s32 $0xFFFFC000  }
0x109: {  	[bflag:$0x0] =	sbarrier.arrive $0xFFFF  }
0x10a: {  	s6 =	rddreg [dreg:$0x4]  }
0x10b: {  	s8 =	rddreg [dreg:$0x5]  }
0x10c: {  	s7 =	rddreg [dreg:$0x7]  }
0x10d: {  	[hbm:s8], [sflag:s6] =	dma.local [spmem:s7], $0x2800  }
0x10e: {  	_ =	swait.ge [sflag:s12], $0x2800  }
0x10f: {  	s0 =	sadd.s32 $0x1, s0;
	s11 =	rddreg [dreg:$0x6]  }
0x110: {  	p0 =	sne.s32 s0, s11  }
.Ltmp1:
0x111: {  	_ = 	snop;
	(pc) =	sbr.rel @p0 .LBB2_1-.Ltmp1, $3  }
0x112: {  	_ =	sdelay $0x1  }
0x113: {  	[sflag:s12] =	ssyncset.done $0x0  }
0x114: {  	[sflag:s12] =	ssyncadd.s32 $0xFFFFD800  }
0x115: {  	_ =	sfence.sel $0x180000  }
0x116: {  	[bflag:$0x0] =	sbarrier.arrive $0xFFFF  }
0x117: {  	_ =	strace $0x9000004D  }
0x118: {  	s0 =	stileid.u32;
	[bflag:$0x2] =	sbarrier.arrive $0xFFFF  }
0x119: {  	p0 =	sne.s32 s0, $0x0;
	s0 =	rddreg [dreg:$0x2]  }
0x11a: {  	s0 =	sadd.s32 @!p0 $0x100000, s0  }
0x11b: {  	[sflag:s0] =	ssyncadd.tile.s32 @!p0 $0x1;
	_ =	shalt  }
.Lfunc_end2:
_tile_overlayer_lowered:
.L_overlay_start_2:
0x11c: {  	(tag) =	ssettag $0x2  }
0x11d: {  	s0 =	rddreg [dreg:$0x0];
	s2 =	stileid.u32  }
0x11e: {  	s1 =	rddreg [dreg:$0x1];
	p0 =	sne.s32 s2, $0x0  }
0x11f: {  	s3 =	rddreg [dreg:$0x2];
	[bflag:$0x3] =	sbarrier.arrive $0xFFFF;
	s2 =	simm.s32 @!p0 $0x1C03  }
0x120: {  	[timem:s3], [sflag:s2] =	dma.local @!p0 [hbm:s0], s1  }
0x121: {  	s0 =	simm.s32 @!p0 $0x3  }
0x122: {  	_ =	swait.ge @!p0 [sflag:s0], s1  }
0x123: {  	s1 =	ssub.s32 @!p0 $0x0, s1;
	[sflag:s0] =	ssyncset.done @!p0 $0x0  }
0x124: {  	[sflag:s0] =	ssyncadd.s32 @!p0 s1  }
0x125: {  	[bflag:$0x3] =	sbarrier.arrive $0xFFFF  }
0x126: {  	_ =	shalt  }

// kernel: kernel.22.cloned.1.call-start
scs
__scs_entry_jumppad:
0x0: {  	(pc) =	sbr.rel $0x88, $3  }
0x1: {  	(tag) =	ssettag $0x0;
	lr =	simm.s32 $0x1  }
0x2: {  	[smem:$0x3F89] =	sst lr;
	_ =	strace $0xD0000000  }
0x3: {  	_ = 	snop  }
0x4: {  	_ = 	snop  }
0x5: {  	_ = 	snop  }
0x6: {  	_ = 	snop  }
0x7: {  	_ = 	snop  }
__scs_overlays_trampoline_lowered:
0x8: {  	[smem:$0x3F98] =	sst s0  }
0x9: {  	[smem:$0x3F99] =	sst s1  }
0xa: {  	[smem:$0x3F9A] =	sst s2  }
0xb: {  	[smem:$0x3F9B] =	sst s3  }
0xc: {  	[smem:$0x3F9C] =	sst s4  }
0xd: {  	[smem:$0x3F9D] =	sst s5  }
0xe: {  	[smem:$0x3F9E] =	sst s6  }
0xf: {  	[smem:$0x3F9F] =	sst s7  }
0x10: {  	[smem:$0x3FA0] =	sst s8  }
0x11: {  	[smem:$0x3FA1] =	sst s9;
	s0 =	simm.s32 @!p0 $0x0  }
0x12: {  	s1 =	sld [smem:$0x3F87];
	s0 =	simm.s32 @p0 $0x1  }
0x13: {  	[smem:$0x3FA2] =	sst s0;
	s0 =	simm.s32 @!p1 $0x0  }
0x14: {  	s2 =	sld [smem:$0x3F86];
	s0 =	simm.s32 @p1 $0x1  }
0x15: {  	[smem:$0x3FA3] =	sst s0;
	s0 =	simm.s32 @!p2 $0x0  }
0x16: {  	s3 =	sld [smem:$0x3FDB];
	s0 =	simm.s32 @p2 $0x1  }
0x17: {  	s4 =	simm.s32 $0x1BF5;
	[smem:$0x3FA5] =	sst s0  }
0x18: {  	s0 =	sld [smem:$0x3F88];
	_ =	swait.ge [sflag:s4], $0x0  }
0x19: {  	s7 =	sld [smem:$0x3F89]  }
0x1a: {  	s8 =	sadd.s32 $0xFFFFE003, lr  }
0x1b: {  	s9 =	sadd.s32 $0xFFFFFEF7, lr;
	s5 =	simm.s32 $0xFFFFFFFF;
	p2 =	slt.u32 s8, $0xFFFFF086  }
0x1c: {  	p1 =	slt.u32 s9, $0xF7A;
	s5 =	simm.s32 @!p2 $0x0  }
0x1d: {  	s5 =	simm.s32 @p1 $0x1;
	p0 =	seq.s32 s7, s2  }
0x1e: {  	s7 =	smul.u32 @!p0 $0xF7A, s2;
	p2 =	seq.s32 @!p0 s5, $0x0  }
0x1f: {  	s9 =	smul.u32 $0xF7A, s1;
	s8 =	simm.s32 @!p0 $0x1BF5;
	p2 =	por !p2, p0  }
0x20: {  	[sflag:s8] =	ssyncset.s32 @!p0 $0xFFFFF086;
	s6 =	sadd.s32 @!p0 s3, s7;
	s7 =	simm.s32 @!p0 $0x108  }
0x21: {  	s3 =	sadd.s32 s3, s9;
	s6 =	sadd.s32 @!p0 $0x88, s6;
	s7 =	simm.s32 @p2 $0x1082  }
0x22: {  	[simem:s7], [sflag:s8] =	dma.local @!p0 [hbm:s6], $0xF7A  }
0x23: {  	s9 =	sor.u32 $0xD0000000, s2;
	s6 =	simm.s32 $0x108;
	_ =	swait.ge @!p0 [sflag:s8], $0x0  }
0x24: {  	s3 =	sadd.s32 $0x88, s3;
	s6 =	simm.s32 @!p1 $0x1082;
	[sflag:s4] =	ssyncset.s32 $0xFFFFF086  }
0x25: {  	[simem:s6], [sflag:s4] =	dma.local [hbm:s3], $0xF7A  }
0x26: {  	[smem:$0x3F89] =	sst s1;
	(tag) =	ssettag s2;
	_ =	strace s9  }
0x27: {  	s1 =	sld [smem:$0x3F99]  }
0x28: {  	s2 =	sld [smem:$0x3F9A]  }
0x29: {  	s4 =	sld [smem:$0x3F9C]  }
0x2a: {  	p0 =	seq.s32 s5, $0x0;
	s5 =	sld [smem:$0x3F9D]  }
0x2b: {  	s6 =	sld [smem:$0x3F9E]  }
0x2c: {  	s7 =	sld [smem:$0x3F9F]  }
0x2d: {  	s3 =	simm.s32 $0x108;
	s8 =	sld [smem:$0x3FA0]  }
0x2e: {  	s3 =	simm.s32 @!p0 $0x1082;
	s9 =	sld [smem:$0x3FA1]  }
0x2f: {  	lr =	sadd.s32 s0, s3;
	s0 =	sld [smem:$0x3F98]  }
0x30: {  	s3 =	sld [smem:$0x3F9B]  }
0x31: {  	[smem:$0x3FA4] =	sst s10  }
0x32: {  	s10 =	sld [smem:$0x3FA2];
	_ =	sdelay $0x3  }
0x33: {  	p0 =	seq.s32 s10, $0x1;
	s10 =	sld [smem:$0x3FA4];
	_ =	sdelay $0x3  }
0x34: {  	[smem:$0x3FA4] =	sst s10  }
0x35: {  	s10 =	sld [smem:$0x3FA3];
	_ =	sdelay $0x3  }
0x36: {  	p1 =	seq.s32 s10, $0x1;
	s10 =	sld [smem:$0x3FA4];
	_ =	sdelay $0x3  }
0x37: {  	[smem:$0x3FA4] =	sst s10  }
0x38: {  	s10 =	sld [smem:$0x3FA5]  }
0x39: {  	_ = 	snop;
	(pc) =	sbr.ind lr, $3  }
0x3a: {  	_ = 	snop  }
0x3b: {  	_ = 	snop  }
0x3c: {  	p2 =	seq.s32 s10, $0x1;
	s10 =	sld [smem:$0x3FA4]  }
0x3d: {  	_ =	shalt  }
0x3e: {  	_ =	shalt  }
0x3f: {  	_ =	shalt  }
0x40: {  	_ =	shalt  }
0x41: {  	_ =	shalt  }
0x42: {  	_ =	shalt  }
0x43: {  	_ =	shalt  }
0x44: {  	_ =	shalt  }
0x45: {  	_ =	shalt  }
0x46: {  	_ =	shalt  }
0x47: {  	_ =	shalt  }
0x48: {  	_ =	shalt  }
0x49: {  	_ =	shalt  }
0x4a: {  	_ =	shalt  }
0x4b: {  	_ =	shalt  }
0x4c: {  	_ =	shalt  }
0x4d: {  	_ =	shalt  }
0x4e: {  	_ =	shalt  }
0x4f: {  	_ =	shalt  }
0x50: {  	_ =	shalt  }
0x51: {  	_ =	shalt  }
0x52: {  	_ =	shalt  }
0x53: {  	_ =	shalt  }
0x54: {  	_ =	shalt  }
0x55: {  	_ =	shalt  }
0x56: {  	_ =	shalt  }
0x57: {  	_ =	shalt  }
0x58: {  	_ =	shalt  }
0x59: {  	_ =	shalt  }
0x5a: {  	_ =	shalt  }
0x5b: {  	_ =	shalt  }
0x5c: {  	_ =	shalt  }
0x5d: {  	_ =	shalt  }
0x5e: {  	_ =	shalt  }
0x5f: {  	_ =	shalt  }
0x60: {  	_ =	shalt  }
0x61: {  	_ =	shalt  }
0x62: {  	_ =	shalt  }
0x63: {  	_ =	shalt  }
0x64: {  	_ =	shalt  }
0x65: {  	_ =	shalt  }
0x66: {  	_ =	shalt  }
0x67: {  	_ =	shalt  }
0x68: {  	_ =	shalt  }
0x69: {  	_ =	shalt  }
0x6a: {  	_ =	shalt  }
0x6b: {  	_ =	shalt  }
0x6c: {  	_ =	shalt  }
0x6d: {  	_ =	shalt  }
0x6e: {  	_ =	shalt  }
0x6f: {  	_ =	shalt  }
0x70: {  	_ =	shalt  }
0x71: {  	_ =	shalt  }
0x72: {  	_ =	shalt  }
0x73: {  	_ =	shalt  }
0x74: {  	_ =	shalt  }
0x75: {  	_ =	shalt  }
0x76: {  	_ =	shalt  }
0x77: {  	_ =	shalt  }
0x78: {  	_ =	shalt  }
0x79: {  	_ =	shalt  }
0x7a: {  	_ =	shalt  }
0x7b: {  	_ =	shalt  }
0x7c: {  	_ =	shalt  }
0x7d: {  	_ =	shalt  }
0x7e: {  	_ =	shalt  }
0x7f: {  	_ =	shalt  }
0x80: {  	_ =	shalt  }
0x81: {  	_ =	shalt  }
0x82: {  	_ =	shalt  }
0x83: {  	_ =	shalt  }
0x84: {  	_ =	shalt  }
0x85: {  	_ =	shalt  }
0x86: {  	_ =	shalt  }
0x87: {  	_ =	shalt  }
.Lfunc_end0:
.L_simem_size_0:
called_computation.3_lowered:
.L_overlay_start_0:
0x88: {  	s2 =	sld [smem:$0x3FD9]  }
0x89: {  	s3 =	sld [smem:$0x3FFE];
	_ =	sdelay $0x1  }
0x8a: {  	s1 =	srdreg.scid  }
0x8b: {  	s0 =	sand.u32 $0x1, s1  }
0x8c: {  	s16 =	sshll.u32 s0, $0xA;
	s2 =	sadd.s32 s3, s2  }
0x8d: {  	s2 =	sadd.s32 s2, s16  }
0x8e: {  	[smem:$0x3FB0] =	sst s2  }
0x8f: {  	_ = 	snop  }
0x90: {  	(tm) =	ssettm $0x1  }
0x91: {  	s17 =	sld [smem:$0x3FFB];
	_ =	sdelay $0x3  }
0x92: {  	_ =	strace s17  }
0x93: {  	s2 =	sld [smem:$0x3FFC];
	_ =	sdelay $0x3  }
0x94: {  	_ =	strace s2  }
0x95: {  	s2 =	sld [smem:$0x3FFD];
	_ =	sdelay $0x3  }
0x96: {  	_ =	strace s2  }
0x97: {  	_ =	strace $0x8FFFFFFF  }
0x98: {  	s18 =	sld [smem:$0x3FDB];
	_ =	sdelay $0x1  }
0x99: {  	s19 =	simm.s32 $_scs_section_size  }
0x9a: {  	s4 =	simm.s32 $_size__tile_overlayer_lowered;
	s5 =	simm.s32 $_tile_overlayer_lowered  }
0x9b: {  	s22 =	simm.s32 $0x1BFF;
	s21 =	sshll.u32 s5, $0x1;
	s2 =	sadd.s32 s19, s18  }
0x9c: {  	s6 =	simm.s32 $0x0;
	s20 =	sshll.u32 s4, $0x1;
	s4 =	sadd.s32 s21, s2  }
0x9d: {  	[timem:s6], [sflag:s22] =	dma.local [hbm:s4], s20  }
0x9e: {  	_ =	swait.ge [sflag:s22], s20  }
0x9f: {  	s3 =	ssub.s32 $0x0, s20;
	[sflag:s22] =	ssyncset.done $0x0  }
0xa0: {  	[sflag:s22] =	ssyncadd.s32 s3;
	_ =	sdelay $0x1  }
0xa1: {  	s23 =	simm.s32 $0x1B8B  }
0xa2: {  	_ =	swait.ge [sflag:s23], $0x1  }
0xa3: {  	[sflag:s23] =	ssyncset.done $0x0  }
0xa4: {  	s25 =	simm.s32 $0x1B8E;
	s24 =	sld [smem:$0x3FFE];
	[sflag:s23] =	ssyncadd.s32 $0xFFFFFFFF  }
0xa5: {  	s26 =	simm.s32 $execute0_lowered;
	[smem:$0x3FD2] =	sst s25  }
0xa6: {  	s4 =	sshll.u32 s26, $0x1;
	_ =	strace $0x8000004F;
	[dreg:$0x1] =	wrdreg $0xFFFFFFFF  }
0xa7: {  	s28 =	simm.s32 $_size_execute0_lowered;
	s2 =	sadd.s32 s2, s4;
	[dreg:$0x0] =	wrdreg $0x0  }
0xa8: {  	s4 =	sshll.u32 s28, $0x1;
	[dreg:$0x2] =	wrdreg s2  }
0xa9: {  	[dreg:$0x3] =	wrdreg s4  }
0xaa: {  	[dreg:$0x4] =	wrdreg $0xC0  }
0xab: {  	_ =	task [dreg:s6], $0x5FFFF  }
0xac: {  	[dreg:$0x1] =	wrdreg $0xFFFFFFFF  }
0xad: {  	[dreg:$0x0] =	wrdreg $0x60  }
0xae: {  	[dreg:$0x2] =	wrdreg s24  }
0xaf: {  	[dreg:$0x3] =	wrdreg $0x88000  }
0xb0: {  	[dreg:$0x4] =	wrdreg $0x9  }
0xb1: {  	_ =	task.clear_ibuf [dreg:s6], $0x5FFFF;
	_ =	strace $0x9000004F  }
0xb2: {  	s29 =	simm.s32 $0x9;
	_ =	strace $0x80000051  }
0xb3: {  	_ =	swait.ge [sflag:s29], $0x1  }
0xb4: {  	[sflag:s29] =	ssyncadd.s32 $0xFFFFFFFF  }
0xb5: {  	_ =	strace $0x90000051  }
0xb6: {  	_ =	sfence  }
0xb7: {  	s30 =	sld [smem:$0x0];
	_ =	sdelay $0x2  }
0xb8: {  	s31 =	sshll.u32 s1, $0xD;
	s1 =	sshrl.u32 s1, $0x2  }
0xb9: {  	s3 =	sand.u32 $0x4000, s31;
	s1 =	sadd.s32 s1, s30  }
0xba: {  	s0 =	sor.u32 s3, s0;
	s1 =	sshll.u32 s1, $0x11  }
0xbb: {  	s0 =	sor.u32 s1, s0  }
0xbc: {  	s0 =	sadd.s32 $0x8F2B, s0  }
0xbd: {  	[sflag:s0] =	ssyncadd.remote.s32 $0x1  }
0xbe: {  	_ =	sfence.sel $0xFFFF  }
0xbf: {  	[dreg:$0x0] =	wrdreg $0xFFFFFFFF;
	(pc) =	sbr.abs _section_cstart, $3  }
0xc0: {  	[dreg:$0x1] =	wrdreg $0xFFFFFFFF  }
0xc1: {  	_ =	task.clear_ibuf [dreg:s6], $0x2FFFF;
	_ =	strace $0x9FFFFFFF  }
0xc2: {  	(tm) =	ssettm $0x7FFFFFFF  }
0xc3: {  	_ =	shalt  }
tec
execute0_lowered:
.L_overlay_start_1:
0x0: {  	(tag) =	ssettag $0x1  }
0x1: {  	s0 =	srdreg.scid;
	s1 =	rddreg [dreg:$0x0]  }
0x2: {  	s8 =	stileid.u32;
	s2 =	rddreg [dreg:$0x1];
	s3 =	simm.s32 $0x0  }
0x3: {  	s12 =	simm.s32 $0x3;
	s13 =	simm.s32 $0x400;
	s14 =	simm.s32 $0x80  }
0x4: {  	s15 =	simm.s32 $0x800;
	s16 =	simm.s32 $0x1;
	s17 =	simm.s32 $0x4800  }
0x5: {  	s18 =	simm.s32 $0x2;
	s19 =	simm.s32 $0x100;
	s20 =	simm.s32 $0x480  }
0x6: {  	s21 =	simm.s32 $0x180;
	s22 =	simm.s32 $0x500;
	s23 =	simm.s32 $0x200  }
0x7: {  	s28 =	simm.s32 $0x300;
	s29 =	simm.s32 $0x680;
	s5 =	smul.u32 $0x2800, s8  }
0x8: {  	s30 =	simm.s32 $0x380;
	s31 =	simm.s32 $0x700;
	s7 =	smul.u32 $0x14000, s8  }
0x9: {  	s0 =	sand.u32 $0x1, s0;
	[smem:$0x7FF] =	sst s3;
	s24 =	smul.u32 $0x50000, s8  }
0xa: {  	s9 =	sadd.s32 $0x37600, s1;
	s26 =	sshll.u32 s8, $0x6;
	s4 =	smul.u32 $0x28000, s0  }
0xb: {  	s6 =	smul.u32 $0x140000, s0;
	_ =	strace $0x80000050;
	s0 =	ssub.s32 $0x2, s0  }
0xc: {  	[dreg:$0x3] =	wrdreg s9;
	s25 =	sshrl.u32 s0, $0x1;
	s5 =	sadd.s32 s5, s4  }
0xd: {  	s4 =	sadd.s32 $0xF600, s1;
	s6 =	sadd.s32 s7, s6;
	s7 =	sshrl.u32 s24, $0x2  }
0xe: {  	s0 =	ssub.s32 s0, s25;
	s24 =	simm.s32 $0x580;
	s25 =	simm.s32 $0x280  }
0xf: {  	s5 =	sshrl.u32 s5, $0x3;
	s6 =	sshrl.u32 s6, $0x3;
	s7 =	sadd.s32 s7, s2  }
0x10: {  	s0 =	smax.u32 s0, $0x1;
	s5 =	sadd.s32 s5, s1;
	s1 =	sadd.s32 s6, s1  }
0x11: {  	s6 =	sor.u32 $0x1C03, s26;
	[dreg:$0x6] =	wrdreg s0;
	s7 =	sshrl.u32 s7, $0x3  }
0x12: {  	s26 =	simm.s32 $0x600;
	s0 =	simm.s32 $0x0;
	[dreg:$0x4] =	wrdreg s6  }
0x13: {  	s1 =	sadd.s32 $0x6C600, s1;
	s9 =	sadd.s32 $0x5600, s5;
	[dreg:$0x7] =	wrdreg s7  }
0x14: {  	s10 =	sadd.s32 $0x62600, s5;
	[dreg:$0x5] =	wrdreg s1;
	s1 =	simm.s32 $0x780  }
.LBB2_1:
0x15: {  	s5 =	rddreg [dreg:$0x3]  }
0x16: {  	[spmem:s7], [sflag:s6] =	dma.local [hbm:s5], $0x2800  }
0x17: {  	_ =	swait.ge [sflag:s12], $0x2800  }
0x18: {  	[sflag:s12] =	ssyncset.done $0x0  }
0x19: {  	[sflag:s12] =	ssyncadd.s32 $0xFFFFD800  }
0x1a: {  	s8 =	sadd.s32 $0x0, s10;
	[bflag:$0x0] =	sbarrier.arrive $0xFFFF  }
0x1b: {  	[tilespmem:s3], [sflag:$0x3] =	stream.linear.gather [hbm4b:s8+s3], $0x400, $0x38;
	[tilespmem:$0x1C800] =	vst v63  }
0x1c: {  	_ =	swait.ge [sflag:s12], $0x400  }
0x1d: {  	[sflag:s12] =	ssyncset.done $0x0  }
0x1e: {  	s11 =	sadd.s32 $0x0, s9;
	[sflag:s12] =	ssyncadd.s32 $0xFFFFFC00  }
0x1f: {  	[tilespmem:s13], [sflag:$0x3] =	stream.linear.gather [hbm4b:s11+s3], $0x400, $0x38;
	[tilespmem:$0x1C800] =	vst v63  }
0x20: {  	_ =	swait.ge [sflag:s12], $0x400  }
0x21: {  	[sflag:s12] =	ssyncset.done $0x0  }
0x22: {  	[sflag:s12] =	ssyncadd.s32 $0xFFFFFC00  }
0x23: {  	[tilespmem:s15], [sflag:$0x1] =	stream.indirect.gather [hbm4b:s4+s14], $0x80, s3, s14, $0xb8;
	[tilespmem:$0x1C800] =	vst v63  }
0x24: {  	_ =	swait.ge [sflag:s16], $0x4000  }
0x25: {  	[sflag:s16] =	ssyncset.done $0x0  }
0x26: {  	[sflag:s16] =	ssyncadd.s32 $0xFFFFC000  }
0x27: {  	[tilespmem:s17], [sflag:$0x2] =	stream.indirect.gather [hbm4b:s4+s14], $0x80, s14, s14, $0xb8;
	[tilespmem:$0x1C800] =	vst v63  }
0x28: {  	_ = 	snop  }
0x29: {  	[spmem:s2] =	stream.indirect.scatter.add.f32 [tilespmem:s15], [sflag:$0x3], $0x80, s13, s14, $0xb8;
	[tilespmem:$0x1C800] =	vst v63  }
0x2a: {  	_ =	swait.ge [sflag:s12], $0x4000  }
0x2b: {  	[sflag:s12] =	ssyncset.done $0x0  }
0x2c: {  	[sflag:s12] =	ssyncadd.s32 $0xFFFFC000  }
0x2d: {  	_ =	swait.ge [sflag:s18], $0x4000  }
0x2e: {  	[sflag:s18] =	ssyncset.done $0x0  }
0x2f: {  	[sflag:s18] =	ssyncadd.s32 $0xFFFFC000  }
0x30: {  	[tilespmem:s15], [sflag:$0x1] =	stream.indirect.gather [hbm4b:s4+s14], $0x80, s19, s14, $0xb8;
	[tilespmem:$0x1C800] =	vst v63  }
0x31: {  	_ = 	snop  }
0x32: {  	[spmem:s2] =	stream.indirect.scatter.add.f32 [tilespmem:s17], [sflag:$0x3], $0x80, s20, s14, $0xb8;
	[tilespmem:$0x1C800] =	vst v63  }
0x33: {  	_ =	swait.ge [sflag:s12], $0x4000  }
0x34: {  	[sflag:s12] =	ssyncset.done $0x0  }
0x35: {  	[sflag:s12] =	ssyncadd.s32 $0xFFFFC000  }
0x36: {  	_ =	swait.ge [sflag:s16], $0x4000  }
0x37: {  	[sflag:s16] =	ssyncset.done $0x0  }
0x38: {  	[sflag:s16] =	ssyncadd.s32 $0xFFFFC000  }
0x39: {  	[tilespmem:s17], [sflag:$0x2] =	stream.indirect.gather [hbm4b:s4+s14], $0x80, s21, s14, $0xb8;
	[tilespmem:$0x1C800] =	vst v63  }
0x3a: {  	_ = 	snop  }
0x3b: {  	[spmem:s2] =	stream.indirect.scatter.add.f32 [tilespmem:s15], [sflag:$0x3], $0x80, s22, s14, $0xb8;
	[tilespmem:$0x1C800] =	vst v63  }
0x3c: {  	_ =	swait.ge [sflag:s12], $0x4000  }
0x3d: {  	[sflag:s12] =	ssyncset.done $0x0  }
0x3e: {  	[sflag:s12] =	ssyncadd.s32 $0xFFFFC000  }
0x3f: {  	_ =	swait.ge [sflag:s18], $0x4000  }
0x40: {  	[sflag:s18] =	ssyncset.done $0x0  }
0x41: {  	[sflag:s18] =	ssyncadd.s32 $0xFFFFC000  }
0x42: {  	[tilespmem:s15], [sflag:$0x1] =	stream.indirect.gather [hbm4b:s4+s14], $0x80, s23, s14, $0xb8;
	[tilespmem:$0x1C800] =	vst v63  }
0x43: {  	_ = 	snop  }
0x44: {  	[spmem:s2] =	stream.indirect.scatter.add.f32 [tilespmem:s17], [sflag:$0x3], $0x80, s24, s14, $0xb8;
	[tilespmem:$0x1C800] =	vst v63  }
0x45: {  	_ =	swait.ge [sflag:s12], $0x4000  }
0x46: {  	[sflag:s12] =	ssyncset.done $0x0  }
0x47: {  	[sflag:s12] =	ssyncadd.s32 $0xFFFFC000  }
0x48: {  	_ =	swait.ge [sflag:s16], $0x4000  }
0x49: {  	[sflag:s16] =	ssyncset.done $0x0  }
0x4a: {  	[sflag:s16] =	ssyncadd.s32 $0xFFFFC000  }
0x4b: {  	[tilespmem:s17], [sflag:$0x2] =	stream.indirect.gather [hbm4b:s4+s14], $0x80, s25, s14, $0xb8;
	[tilespmem:$0x1C800] =	vst v63  }
0x4c: {  	_ = 	snop  }
0x4d: {  	[spmem:s2] =	stream.indirect.scatter.add.f32 [tilespmem:s15], [sflag:$0x3], $0x80, s26, s14, $0xb8;
	[tilespmem:$0x1C800] =	vst v63  }
0x4e: {  	_ =	swait.ge [sflag:s12], $0x4000  }
0x4f: {  	[sflag:s12] =	ssyncset.done $0x0  }
0x50: {  	[sflag:s12] =	ssyncadd.s32 $0xFFFFC000  }
0x51: {  	_ =	swait.ge [sflag:s18], $0x4000  }
0x52: {  	[sflag:s18] =	ssyncset.done $0x0  }
0x53: {  	[sflag:s18] =	ssyncadd.s32 $0xFFFFC000  }
0x54: {  	[tilespmem:s15], [sflag:$0x1] =	stream.indirect.gather [hbm4b:s4+s14], $0x80, s28, s14, $0xb8;
	[tilespmem:$0x1C800] =	vst v63  }
0x55: {  	_ = 	snop  }
0x56: {  	[spmem:s2] =	stream.indirect.scatter.add.f32 [tilespmem:s17], [sflag:$0x3], $0x80, s29, s14, $0xb8;
	[tilespmem:$0x1C800] =	vst v63  }
0x57: {  	_ =	swait.ge [sflag:s12], $0x4000  }
0x58: {  	[sflag:s12] =	ssyncset.done $0x0  }
0x59: {  	[sflag:s12] =	ssyncadd.s32 $0xFFFFC000  }
0x5a: {  	_ =	swait.ge [sflag:s16], $0x4000  }
0x5b: {  	[sflag:s16] =	ssyncset.done $0x0  }
0x5c: {  	[sflag:s16] =	ssyncadd.s32 $0xFFFFC000  }
0x5d: {  	[tilespmem:s17], [sflag:$0x2] =	stream.indirect.gather [hbm4b:s4+s14], $0x80, s30, s14, $0xb8;
	[tilespmem:$0x1C800] =	vst v63  }
0x5e: {  	_ = 	snop  }
0x5f: {  	[spmem:s2] =	stream.indirect.scatter.add.f32 [tilespmem:s15], [sflag:$0x3], $0x80, s31, s14, $0xb8;
	[tilespmem:$0x1C800] =	vst v63  }
0x60: {  	_ =	swait.ge [sflag:s12], $0x4000  }
0x61: {  	[sflag:s12] =	ssyncset.done $0x0  }
0x62: {  	[sflag:s12] =	ssyncadd.s32 $0xFFFFC000  }
0x63: {  	_ =	swait.ge [sflag:s18], $0x4000  }
0x64: {  	[sflag:s18] =	ssyncset.done $0x0  }
0x65: {  	[sflag:s18] =	ssyncadd.s32 $0xFFFFC000  }
0x66: {  	[spmem:s2] =	stream.indirect.scatter.add.f32 [tilespmem:s17], [sflag:$0x3], $0x80, s1, s14, $0xb8;
	[tilespmem:$0x1C800] =	vst v63  }
0x67: {  	_ =	swait.ge [sflag:s12], $0x4000  }
0x68: {  	s5 =	simm.s32 $0x80;
	s7 =	simm.s32 $0x100;
	[sflag:s12] =	ssyncset.done $0x0  }
.LBB2_2:
0x69: {  	s6 =	sadd.s32 s5, s10  }
0x6a: {  	[sflag:s12] =	ssyncadd.s32 $0xFFFFC000;
	s11 =	smov.u32 s7;
	s8 =	sadd.s32 $0x80, s7  }
0x6b: {  	[tilespmem:s3], [sflag:$0x3] =	stream.linear.gather [hbm4b:s6+s3], $0x400, $0x38;
	[tilespmem:$0x1C800] =	vst v63  }
0x6c: {  	p0 =	sne.s32 s7, $0x480;
	_ =	swait.ge [sflag:s12], $0x400  }
0x6d: {  	[sflag:s12] =	ssyncset.done $0x0  }
0x6e: {  	s6 =	sadd.s32 s5, s9;
	s5 =	smov.u32 s11;
	[sflag:s12] =	ssyncadd.s32 $0xFFFFFC00  }
0x6f: {  	[tilespmem:s13], [sflag:$0x3] =	stream.linear.gather [hbm4b:s6+s3], $0x400, $0x38;
	[tilespmem:$0x1C800] =	vst v63  }
0x70: {  	_ =	swait.ge [sflag:s12], $0x400  }
0x71: {  	[sflag:s12] =	ssyncset.done $0x0  }
0x72: {  	[sflag:s12] =	ssyncadd.s32 $0xFFFFFC00  }
0x73: {  	[tilespmem:s15], [sflag:$0x1] =	stream.indirect.gather [hbm4b:s4+s14], $0x80, s3, s14, $0xb8;
	[tilespmem:$0x1C800] =	vst v63  }
0x74: {  	_ =	swait.ge [sflag:s16], $0x4000  }
0x75: {  	[sflag:s16] =	ssyncset.done $0x0  }
0x76: {  	[sflag:s16] =	ssyncadd.s32 $0xFFFFC000  }
0x77: {  	[tilespmem:s17], [sflag:$0x2] =	stream.indirect.gather [hbm4b:s4+s14], $0x80, s14, s14, $0xb8;
	[tilespmem:$0x1C800] =	vst v63  }
0x78: {  	_ = 	snop  }
0x79: {  	[spmem:s2] =	stream.indirect.scatter.add.f32 [tilespmem:s15], [sflag:$0x3], $0x80, s13, s14, $0xb8;
	[tilespmem:$0x1C800] =	vst v63  }
0x7a: {  	_ =	swait.ge [sflag:s12], $0x4000  }
0x7b: {  	[sflag:s12] =	ssyncset.done $0x0  }
0x7c: {  	[sflag:s12] =	ssyncadd.s32 $0xFFFFC000  }
0x7d: {  	_ =	swait.ge [sflag:s18], $0x4000  }
0x7e: {  	[sflag:s18] =	ssyncset.done $0x0  }
0x7f: {  	[sflag:s18] =	ssyncadd.s32 $0xFFFFC000  }
0x80: {  	[tilespmem:s15], [sflag:$0x1] =	stream.indirect.gather [hbm4b:s4+s14], $0x80, s19, s14, $0xb8;
	[tilespmem:$0x1C800] =	vst v63  }
0x81: {  	_ = 	snop  }
0x82: {  	[spmem:s2] =	stream.indirect.scatter.add.f32 [tilespmem:s17], [sflag:$0x3], $0x80, s20, s14, $0xb8;
	[tilespmem:$0x1C800] =	vst v63  }
0x83: {  	_ =	swait.ge [sflag:s12], $0x4000  }
0x84: {  	[sflag:s12] =	ssyncset.done $0x0  }
0x85: {  	[sflag:s12] =	ssyncadd.s32 $0xFFFFC000  }
0x86: {  	_ =	swait.ge [sflag:s16], $0x4000  }
0x87: {  	[sflag:s16] =	ssyncset.done $0x0  }
0x88: {  	[sflag:s16] =	ssyncadd.s32 $0xFFFFC000  }
0x89: {  	[tilespmem:s17], [sflag:$0x2] =	stream.indirect.gather [hbm4b:s4+s14], $0x80, s21, s14, $0xb8;
	[tilespmem:$0x1C800] =	vst v63  }
0x8a: {  	_ = 	snop  }
0x8b: {  	[spmem:s2] =	stream.indirect.scatter.add.f32 [tilespmem:s15], [sflag:$0x3], $0x80, s22, s14, $0xb8;
	[tilespmem:$0x1C800] =	vst v63  }
0x8c: {  	_ =	swait.ge [sflag:s12], $0x4000  }
0x8d: {  	[sflag:s12] =	ssyncset.done $0x0  }
0x8e: {  	[sflag:s12] =	ssyncadd.s32 $0xFFFFC000  }
0x8f: {  	_ =	swait.ge [sflag:s18], $0x4000  }
0x90: {  	[sflag:s18] =	ssyncset.done $0x0  }
0x91: {  	[sflag:s18] =	ssyncadd.s32 $0xFFFFC000  }
0x92: {  	[tilespmem:s15], [sflag:$0x1] =	stream.indirect.gather [hbm4b:s4+s14], $0x80, s23, s14, $0xb8;
	[tilespmem:$0x1C800] =	vst v63  }
0x93: {  	_ = 	snop  }
0x94: {  	[spmem:s2] =	stream.indirect.scatter.add.f32 [tilespmem:s17], [sflag:$0x3], $0x80, s24, s14, $0xb8;
	[tilespmem:$0x1C800] =	vst v63  }
0x95: {  	_ =	swait.ge [sflag:s12], $0x4000  }
0x96: {  	[sflag:s12] =	ssyncset.done $0x0  }
0x97: {  	[sflag:s12] =	ssyncadd.s32 $0xFFFFC000  }
0x98: {  	_ =	swait.ge [sflag:s16], $0x4000  }
0x99: {  	[sflag:s16] =	ssyncset.done $0x0  }
0x9a: {  	[sflag:s16] =	ssyncadd.s32 $0xFFFFC000  }
0x9b: {  	[tilespmem:s17], [sflag:$0x2] =	stream.indirect.gather [hbm4b:s4+s14], $0x80, s25, s14, $0xb8;
	[tilespmem:$0x1C800] =	vst v63  }
0x9c: {  	_ = 	snop  }
0x9d: {  	[spmem:s2] =	stream.indirect.scatter.add.f32 [tilespmem:s15], [sflag:$0x3], $0x80, s26, s14, $0xb8;
	[tilespmem:$0x1C800] =	vst v63  }
0x9e: {  	_ =	swait.ge [sflag:s12], $0x4000  }
0x9f: {  	[sflag:s12] =	ssyncset.done $0x0  }
0xa0: {  	[sflag:s12] =	ssyncadd.s32 $0xFFFFC000  }
0xa1: {  	_ =	swait.ge [sflag:s18], $0x4000  }
0xa2: {  	[sflag:s18] =	ssyncset.done $0x0  }
0xa3: {  	[sflag:s18] =	ssyncadd.s32 $0xFFFFC000  }
0xa4: {  	[tilespmem:s15], [sflag:$0x1] =	stream.indirect.gather [hbm4b:s4+s14], $0x80, s28, s14, $0xb8;
	[tilespmem:$0x1C800] =	vst v63  }
0xa5: {  	_ = 	snop  }
0xa6: {  	[spmem:s2] =	stream.indirect.scatter.add.f32 [tilespmem:s17], [sflag:$0x3], $0x80, s29, s14, $0xb8;
	[tilespmem:$0x1C800] =	vst v63  }
0xa7: {  	_ =	swait.ge [sflag:s12], $0x4000  }
0xa8: {  	[sflag:s12] =	ssyncset.done $0x0  }
0xa9: {  	[sflag:s12] =	ssyncadd.s32 $0xFFFFC000  }
0xaa: {  	_ =	swait.ge [sflag:s16], $0x4000  }
0xab: {  	[sflag:s16] =	ssyncset.done $0x0  }
0xac: {  	[sflag:s16] =	ssyncadd.s32 $0xFFFFC000  }
0xad: {  	[tilespmem:s17], [sflag:$0x2] =	stream.indirect.gather [hbm4b:s4+s14], $0x80, s30, s14, $0xb8;
	[tilespmem:$0x1C800] =	vst v63  }
0xae: {  	_ = 	snop  }
0xaf: {  	[spmem:s2] =	stream.indirect.scatter.add.f32 [tilespmem:s15], [sflag:$0x3], $0x80, s31, s14, $0xb8;
	[tilespmem:$0x1C800] =	vst v63  }
0xb0: {  	_ =	swait.ge [sflag:s12], $0x4000  }
0xb1: {  	[sflag:s12] =	ssyncset.done $0x0  }
0xb2: {  	[sflag:s12] =	ssyncadd.s32 $0xFFFFC000  }
0xb3: {  	_ =	swait.ge [sflag:s18], $0x4000  }
.Ltmp0:
0xb4: {  	[sflag:s18] =	ssyncset.done $0x0;
	(pc) =	sbr.rel @p0 .LBB2_2-.Ltmp0, $4  }
0xb5: {  	[sflag:s18] =	ssyncadd.s32 $0xFFFFC000  }
0xb6: {  	[spmem:s2] =	stream.indirect.scatter.add.f32 [tilespmem:s17], [sflag:$0x3], $0x80, s1, s14, $0xb8;
	[tilespmem:$0x1C800] =	vst v63  }
0xb7: {  	_ =	swait.ge [sflag:s12], $0x4000  }
0xb8: {  	s7 =	smov.u32 s8;
	[sflag:s12] =	ssyncset.done $0x0  }
0xb9: {  	s6 =	sadd.s32 s5, s10;
	[sflag:s12] =	ssyncadd.s32 $0xFFFFC000  }
0xba: {  	[tilespmem:s3], [sflag:$0x3] =	stream.linear.gather [hbm4b:s6+s3], $0x400, $0x38;
	[tilespmem:$0x1C800] =	vst v63  }
0xbb: {  	_ =	swait.ge [sflag:s12], $0x400  }
0xbc: {  	[sflag:s12] =	ssyncset.done $0x0  }
0xbd: {  	s7 =	sadd.s32 s5, s9;
	[sflag:s12] =	ssyncadd.s32 $0xFFFFFC00  }
0xbe: {  	[tilespmem:s13], [sflag:$0x3] =	stream.linear.gather [hbm4b:s7+s3], $0x400, $0x38;
	[tilespmem:$0x1C800] =	vst v63  }
0xbf: {  	_ =	swait.ge [sflag:s12], $0x400  }
0xc0: {  	[sflag:s12] =	ssyncset.done $0x0  }
0xc1: {  	[sflag:s12] =	ssyncadd.s32 $0xFFFFFC00  }
0xc2: {  	[tilespmem:s15], [sflag:$0x1] =	stream.indirect.gather [hbm4b:s4+s14], $0x80, s3, s14, $0xb8;
	[tilespmem:$0x1C800] =	vst v63  }
0xc3: {  	_ =	swait.ge [sflag:s16], $0x4000  }
0xc4: {  	[sflag:s16] =	ssyncset.done $0x0  }
0xc5: {  	[sflag:s16] =	ssyncadd.s32 $0xFFFFC000  }
0xc6: {  	[tilespmem:s17], [sflag:$0x2] =	stream.indirect.gather [hbm4b:s4+s14], $0x80, s14, s14, $0xb8;
	[tilespmem:$0x1C800] =	vst v63  }
0xc7: {  	_ = 	snop  }
0xc8: {  	[spmem:s2] =	stream.indirect.scatter.add.f32 [tilespmem:s15], [sflag:$0x3], $0x80, s13, s14, $0xb8;
	[tilespmem:$0x1C800] =	vst v63  }
0xc9: {  	_ =	swait.ge [sflag:s12], $0x4000  }
0xca: {  	[sflag:s12] =	ssyncset.done $0x0  }
0xcb: {  	[sflag:s12] =	ssyncadd.s32 $0xFFFFC000  }
0xcc: {  	_ =	swait.ge [sflag:s18], $0x4000  }
0xcd: {  	[sflag:s18] =	ssyncset.done $0x0  }
0xce: {  	[sflag:s18] =	ssyncadd.s32 $0xFFFFC000  }
0xcf: {  	[tilespmem:s15], [sflag:$0x1] =	stream.indirect.gather [hbm4b:s4+s14], $0x80, s19, s14, $0xb8;
	[tilespmem:$0x1C800] =	vst v63  }
0xd0: {  	_ = 	snop  }
0xd1: {  	[spmem:s2] =	stream.indirect.scatter.add.f32 [tilespmem:s17], [sflag:$0x3], $0x80, s20, s14, $0xb8;
	[tilespmem:$0x1C800] =	vst v63  }
0xd2: {  	_ =	swait.ge [sflag:s12], $0x4000  }
0xd3: {  	[sflag:s12] =	ssyncset.done $0x0  }
0xd4: {  	[sflag:s12] =	ssyncadd.s32 $0xFFFFC000  }
0xd5: {  	_ =	swait.ge [sflag:s16], $0x4000  }
0xd6: {  	[sflag:s16] =	ssyncset.done $0x0  }
0xd7: {  	[sflag:s16] =	ssyncadd.s32 $0xFFFFC000  }
0xd8: {  	[tilespmem:s17], [sflag:$0x2] =	stream.indirect.gather [hbm4b:s4+s14], $0x80, s21, s14, $0xb8;
	[tilespmem:$0x1C800] =	vst v63  }
0xd9: {  	_ = 	snop  }
0xda: {  	[spmem:s2] =	stream.indirect.scatter.add.f32 [tilespmem:s15], [sflag:$0x3], $0x80, s22, s14, $0xb8;
	[tilespmem:$0x1C800] =	vst v63  }
0xdb: {  	_ =	swait.ge [sflag:s12], $0x4000  }
0xdc: {  	[sflag:s12] =	ssyncset.done $0x0  }
0xdd: {  	[sflag:s12] =	ssyncadd.s32 $0xFFFFC000  }
0xde: {  	_ =	swait.ge [sflag:s18], $0x4000  }
0xdf: {  	[sflag:s18] =	ssyncset.done $0x0  }
0xe0: {  	[sflag:s18] =	ssyncadd.s32 $0xFFFFC000  }
0xe1: {  	[tilespmem:s15], [sflag:$0x1] =	stream.indirect.gather [hbm4b:s4+s14], $0x80, s23, s14, $0xb8;
	[tilespmem:$0x1C800] =	vst v63  }
0xe2: {  	_ = 	snop  }
0xe3: {  	[spmem:s2] =	stream.indirect.scatter.add.f32 [tilespmem:s17], [sflag:$0x3], $0x80, s24, s14, $0xb8;
	[tilespmem:$0x1C800] =	vst v63  }
0xe4: {  	_ =	swait.ge [sflag:s12], $0x4000  }
0xe5: {  	[sflag:s12] =	ssyncset.done $0x0  }
0xe6: {  	[sflag:s12] =	ssyncadd.s32 $0xFFFFC000  }
0xe7: {  	_ =	swait.ge [sflag:s16], $0x4000  }
0xe8: {  	[sflag:s16] =	ssyncset.done $0x0  }
0xe9: {  	[sflag:s16] =	ssyncadd.s32 $0xFFFFC000  }
0xea: {  	[tilespmem:s17], [sflag:$0x2] =	stream.indirect.gather [hbm4b:s4+s14], $0x80, s25, s14, $0xb8;
	[tilespmem:$0x1C800] =	vst v63  }
0xeb: {  	_ = 	snop  }
0xec: {  	[spmem:s2] =	stream.indirect.scatter.add.f32 [tilespmem:s15], [sflag:$0x3], $0x80, s26, s14, $0xb8;
	[tilespmem:$0x1C800] =	vst v63  }
0xed: {  	_ =	swait.ge [sflag:s12], $0x4000  }
0xee: {  	[sflag:s12] =	ssyncset.done $0x0  }
0xef: {  	[sflag:s12] =	ssyncadd.s32 $0xFFFFC000  }
0xf0: {  	_ =	swait.ge [sflag:s18], $0x4000  }
0xf1: {  	[sflag:s18] =	ssyncset.done $0x0  }
0xf2: {  	[sflag:s18] =	ssyncadd.s32 $0xFFFFC000  }
0xf3: {  	[tilespmem:s15], [sflag:$0x1] =	stream.indirect.gather [hbm4b:s4+s14], $0x80, s28, s14, $0xb8;
	[tilespmem:$0x1C800] =	vst v63  }
0xf4: {  	_ = 	snop  }
0xf5: {  	[spmem:s2] =	stream.indirect.scatter.add.f32 [tilespmem:s17], [sflag:$0x3], $0x80, s29, s14, $0xb8;
	[tilespmem:$0x1C800] =	vst v63  }
0xf6: {  	_ =	swait.ge [sflag:s12], $0x4000  }
0xf7: {  	[sflag:s12] =	ssyncset.done $0x0  }
0xf8: {  	[sflag:s12] =	ssyncadd.s32 $0xFFFFC000  }
0xf9: {  	_ =	swait.ge [sflag:s16], $0x4000  }
0xfa: {  	[sflag:s16] =	ssyncset.done $0x0  }
0xfb: {  	[sflag:s16] =	ssyncadd.s32 $0xFFFFC000  }
0xfc: {  	[tilespmem:s17], [sflag:$0x2] =	stream.indirect.gather [hbm4b:s4+s14], $0x80, s30, s14, $0xb8;
	[tilespmem:$0x1C800] =	vst v63  }
0xfd: {  	_ = 	snop  }
0xfe: {  	[spmem:s2] =	stream.indirect.scatter.add.f32 [tilespmem:s15], [sflag:$0x3], $0x80, s31, s14, $0xb8;
	[tilespmem:$0x1C800] =	vst v63  }
0xff: {  	_ =	swait.ge [sflag:s12], $0x4000  }
0x100: {  	[sflag:s12] =	ssyncset.done $0x0  }
0x101: {  	[sflag:s12] =	ssyncadd.s32 $0xFFFFC000  }
0x102: {  	_ =	swait.ge [sflag:s18], $0x4000  }
0x103: {  	[sflag:s18] =	ssyncset.done $0x0  }
0x104: {  	[sflag:s18] =	ssyncadd.s32 $0xFFFFC000  }
0x105: {  	[spmem:s2] =	stream.indirect.scatter.add.f32 [tilespmem:s17], [sflag:$0x3], $0x80, s1, s14, $0xb8;
	[tilespmem:$0x1C800] =	vst v63  }
0x106: {  	_ =	swait.ge [sflag:s12], $0x4000  }
0x107: {  	[sflag:s12] =	ssyncset.done $0x0  }
0x108: {  	[sflag:s12] =	ssyncadd.s32 $0xFFFFC000  }
0x109: {  	[bflag:$0x0] =	sbarrier.arrive $0xFFFF  }
0x10a: {  	s6 =	rddreg [dreg:$0x4]  }
0x10b: {  	s8 =	rddreg [dreg:$0x5]  }
0x10c: {  	s7 =	rddreg [dreg:$0x7]  }
0x10d: {  	[hbm:s8], [sflag:s6] =	dma.local [spmem:s7], $0x2800  }
0x10e: {  	_ =	swait.ge [sflag:s12], $0x2800  }
0x10f: {  	s0 =	sadd.s32 $0x1, s0;
	s11 =	rddreg [dreg:$0x6]  }
0x110: {  	p0 =	sne.s32 s0, s11  }
.Ltmp1:
0x111: {  	_ = 	snop;
	(pc) =	sbr.rel @p0 .LBB2_1-.Ltmp1, $3  }
0x112: {  	_ =	sdelay $0x1  }
0x113: {  	[sflag:s12] =	ssyncset.done $0x0  }
0x114: {  	[sflag:s12] =	ssyncadd.s32 $0xFFFFD800  }
0x115: {  	_ =	sfence.sel $0x180000  }
0x116: {  	[bflag:$0x0] =	sbarrier.arrive $0xFFFF  }
0x117: {  	_ =	strace $0x90000050  }
0x118: {  	s0 =	stileid.u32;
	[bflag:$0x2] =	sbarrier.arrive $0xFFFF  }
0x119: {  	p0 =	sne.s32 s0, $0x0;
	s0 =	rddreg [dreg:$0x2]  }
0x11a: {  	s0 =	sadd.s32 @!p0 $0x100000, s0  }
0x11b: {  	[sflag:s0] =	ssyncadd.tile.s32 @!p0 $0x1;
	_ =	shalt  }
.Lfunc_end2:
_tile_overlayer_lowered:
.L_overlay_start_2:
0x11c: {  	(tag) =	ssettag $0x2  }
0x11d: {  	s0 =	rddreg [dreg:$0x0];
	s2 =	stileid.u32  }
0x11e: {  	s1 =	rddreg [dreg:$0x1];
	p0 =	sne.s32 s2, $0x0  }
0x11f: {  	s3 =	rddreg [dreg:$0x2];
	[bflag:$0x3] =	sbarrier.arrive $0xFFFF;
	s2 =	simm.s32 @!p0 $0x1C03  }
0x120: {  	[timem:s3], [sflag:s2] =	dma.local @!p0 [hbm:s0], s1  }
0x121: {  	s0 =	simm.s32 @!p0 $0x3  }
0x122: {  	_ =	swait.ge @!p0 [sflag:s0], s1  }
0x123: {  	s1 =	ssub.s32 @!p0 $0x0, s1;
	[sflag:s0] =	ssyncset.done @!p0 $0x0  }
0x124: {  	[sflag:s0] =	ssyncadd.s32 @!p0 s1  }
0x125: {  	[bflag:$0x3] =	sbarrier.arrive $0xFFFF  }
0x126: {  	_ =	shalt  }

</sc_bundles>
